<compile_context>
chip_gen: v7x
topology: tpu7x:2x2x1
jax: 0.10.2.dev20260603
libtpu: 0.0.44.dev20260713+nightly
codegen_flags: <defaults>
</compile_context>

<pallas_src>
import functools

import jax
import jax.numpy as jnp
from jax import lax
from jax.experimental import pallas as pl
from jax.experimental.pallas import tpu as pltpu
from jax.experimental.pallas import tpu_sc as plsc

_T = 2048
_H = 2048
_DFF = 1024
_E = 8
_B = 256
_NBLK = (_T * 2) // _B + _E
_NPAD = _NBLK * _B

_WSPLIT = 4
_NC, _NS, _L = 2, 16, 16
_NW = _NC * _NS
_TW = _T // _NW
_CH = 16
_CC = 8


def _router_body(x_ref, gw_ref, p0_ref, p1_ref, w0_ref, w1_ref, be_ref,
                 rs_ref, ne_ref, rp_ref):
    x = x_ref[...]
    gw = gw_ref[...]
    logits = lax.dot_general(x, gw, (((1,), (1,)), ((), ())),
                             preferred_element_type=jnp.float32)
    ie = lax.broadcasted_iota(jnp.int32, (_T, _E), 1)
    m1 = jnp.max(logits, axis=1, keepdims=True)
    a1 = jnp.min(jnp.where(logits == m1, ie, _E), axis=1, keepdims=True)
    masked = jnp.where(ie == a1, -1e30, logits)
    m2 = jnp.max(masked, axis=1, keepdims=True)
    a2 = jnp.min(jnp.where(masked == m2, ie, _E), axis=1, keepdims=True)
    w0 = 1.0 / (1.0 + jnp.exp(m2 - m1))
    oh1 = (ie == a1).astype(jnp.float32)
    oh2 = (ie == a2).astype(jnp.float32)
    c = oh1 + oh2
    ri = lax.broadcasted_iota(jnp.int32, (_T, _T), 0)
    ci = lax.broadcasted_iota(jnp.int32, (_T, _T), 1)
    ltri = (ci < ri).astype(jnp.float32)
    cnt_excl = lax.dot_general(ltri, c, (((1,), (0,)), ((), ())),
                               preferred_element_type=jnp.float32)
    counts = jnp.sum(c, axis=0, keepdims=True)
    nblocks = jnp.floor((counts + (_B - 1)) / _B)
    re = lax.broadcasted_iota(jnp.int32, (_E, _E), 0)
    ce = lax.broadcasted_iota(jnp.int32, (_E, _E), 1)
    ut = (re < ce).astype(jnp.float32)
    blk_excl = lax.dot_general(nblocks, ut, (((1,), (0,)), ((), ())),
                               preferred_element_type=jnp.float32)
    slot = _B * blk_excl + cnt_excl
    p0_ref[...] = jnp.sum(oh1 * slot, axis=1, keepdims=True).astype(jnp.int32)
    p1_ref[...] = jnp.sum(oh2 * slot, axis=1, keepdims=True).astype(jnp.int32)
    w0_ref[...] = jnp.broadcast_to(w0, (_T, _L))
    w1_ref[...] = jnp.broadcast_to(1.0 - w0, (_T, _L))
    blk_incl = blk_excl + nblocks
    incl_bc = lax.dot_general(blk_incl, jnp.ones((1, _NBLK), jnp.float32),
                              (((0,), (0,)), ((), ())),
                              preferred_element_type=jnp.float32)
    bi = lax.broadcasted_iota(jnp.int32, (_E, _NBLK), 1)
    be = jnp.sum((bi >= incl_bc.astype(jnp.int32)).astype(jnp.int32),
                 axis=0, keepdims=True)
    be_ref[...] = jnp.broadcast_to(be, (8, _NBLK))
    ones_nb = jnp.ones((1, _NBLK), jnp.float32)
    excl_bc = lax.dot_general(blk_excl, ones_nb, (((0,), (0,)), ((), ())),
                              preferred_element_type=jnp.float32)
    cnt_bc = lax.dot_general(counts, ones_nb, (((0,), (0,)), ((), ())),
                             preferred_element_type=jnp.float32)
    ie2 = lax.broadcasted_iota(jnp.int32, (_E, _NBLK), 0)
    rs = jnp.max(((bi == excl_bc.astype(jnp.int32)) &
                  (cnt_bc > 0.5)).astype(jnp.int32), axis=0, keepdims=True)
    be_bc = jnp.broadcast_to(be, (_E, _NBLK))
    ne = jnp.min(jnp.where((ie2 > be_bc) & (cnt_bc > 0.5), ie2, _E),
                 axis=0, keepdims=True)
    rn = lax.broadcasted_iota(jnp.int32, (_NBLK, _NBLK), 0)
    cn = lax.broadcasted_iota(jnp.int32, (_NBLK, _NBLK), 1)
    le = (rn <= cn).astype(jnp.float32)
    cumrs = lax.dot_general(rs.astype(jnp.float32), le,
                            (((1,), (0,)), ((), ())),
                            preferred_element_type=jnp.float32)
    cr = cumrs - 1.0
    rp = (cr - 2.0 * jnp.floor(cr * 0.5)).astype(jnp.int32)
    rs_ref[...] = jnp.broadcast_to(rs, (8, _NBLK))
    ne_ref[...] = jnp.broadcast_to(ne, (8, _NBLK))
    rp_ref[...] = jnp.broadcast_to(rp, (8, _NBLK))


_router = pl.pallas_call(
    _router_body,
    out_shape=(
        jax.ShapeDtypeStruct((_T, 1), jnp.int32),
        jax.ShapeDtypeStruct((_T, 1), jnp.int32),
        jax.ShapeDtypeStruct((_T, _L), jnp.float32),
        jax.ShapeDtypeStruct((_T, _L), jnp.float32),
        jax.ShapeDtypeStruct((8, _NBLK), jnp.int32),
        jax.ShapeDtypeStruct((8, _NBLK), jnp.int32),
        jax.ShapeDtypeStruct((8, _NBLK), jnp.int32),
        jax.ShapeDtypeStruct((8, _NBLK), jnp.int32),
    ),
)


def _tailmap(b, be):
    return jnp.where(be[b] < _E, b, _NBLK - 1)


def _gmm_body(be_ref, rs_ref, ne_ref, rp_ref,
              xs_ref, w1_hbm, w2_hbm, w3_hbm, y_ref,
              w1b, w2b, w3b, sems):
    b = pl.program_id(0)
    e = be_ref[b]
    slot = rp_ref[b]

    def wcopy(eidx, s):
        cps = []
        for k, (hbm, buf, d0) in enumerate(
                ((w1_hbm, w1b, _DFF), (w2_hbm, w2b, _H), (w3_hbm, w3b, _DFF))):
            ch = d0 // _WSPLIT
            for c in range(_WSPLIT):
                cps.append(pltpu.make_async_copy(
                    hbm.at[eidx, pl.ds(c * ch, ch)],
                    buf.at[s, pl.ds(c * ch, ch)],
                    sems.at[k, c, s]))
        return cps

    @pl.when(b == 0)
    def _():
        for cp in wcopy(e, slot):
            cp.start()

    @pl.when((e < _E) & (rs_ref[b] == 1))
    def _():
        for cp in wcopy(e, slot):
            cp.wait()

        @pl.when(ne_ref[b] < _E)
        def _():
            for cp in wcopy(ne_ref[b], 1 - slot):
                cp.start()

    @pl.when(e < _E)
    def _():
        x = xs_ref[...]
        h1 = lax.dot_general(x, w1b[slot], (((1,), (1,)), ((), ())),
                             preferred_element_type=jnp.float32)
        h3 = lax.dot_general(x, w3b[slot], (((1,), (1,)), ((), ())),
                             preferred_element_type=jnp.float32)
        g = h1 * jax.nn.sigmoid(h1) * h3
        y_ref[...] = lax.dot_general(g, w2b[slot], (((1,), (1,)), ((), ())),
                                     preferred_element_type=jnp.float32)


_gmm = pl.pallas_call(
    _gmm_body,
    grid_spec=pltpu.PrefetchScalarGridSpec(
        num_scalar_prefetch=4,
        grid=(_NBLK,),
        in_specs=[
            pl.BlockSpec((_B, _H), lambda b, be, rs, ne, rp: (_tailmap(b, be), 0)),
            pl.BlockSpec(memory_space=pl.ANY),
            pl.BlockSpec(memory_space=pl.ANY),
            pl.BlockSpec(memory_space=pl.ANY),
        ],
        out_specs=pl.BlockSpec((_B, _H),
                               lambda b, be, rs, ne, rp: (_tailmap(b, be), 0)),
        scratch_shapes=[
            pltpu.VMEM((2, _DFF, _H), jnp.float32),
            pltpu.VMEM((2, _H, _DFF), jnp.float32),
            pltpu.VMEM((2, _DFF, _H), jnp.float32),
            pltpu.SemaphoreType.DMA((3, _WSPLIT, 2)),
        ],
    ),
    out_shape=jax.ShapeDtypeStruct((_NPAD, _H), jnp.float32),
    compiler_params=pltpu.CompilerParams(vmem_limit_bytes=100 * 1024 * 1024),
)


@functools.lru_cache(maxsize=1)
def _sc_kernels():
    mesh = plsc.VectorSubcoreMesh(core_axis_name="c", subcore_axis_name="s",
                                  num_cores=_NC, num_subcores=_NS)

    nch = _TW // _CH

    @functools.partial(
        pl.kernel,
        out_type=jax.ShapeDtypeStruct((_NPAD, _H), jnp.float32),
        mesh=mesh,
        scratch_types=[
            pltpu.VMEM((2, _CH, _H), jnp.float32),
            pltpu.VMEM((2, _CH), jnp.int32),
            pltpu.VMEM((2, _CH), jnp.int32),
            pltpu.SemaphoreType.DMA((2,)),
        ],
    )
    def dispatch(x_hbm, p0_hbm, p1_hbm, xs_hbm, rows_v, i0_v, i1_v, sems):
        wid = lax.axis_index("s") * _NC + lax.axis_index("c")
        base = wid * _TW

        def scat(par):
            return (
                pltpu.make_async_copy(rows_v.at[par], xs_hbm.at[i0_v.at[par]],
                                      sems.at[par]),
                pltpu.make_async_copy(rows_v.at[par], xs_hbm.at[i1_v.at[par]],
                                      sems.at[par]),
            )

        def chunk(g, carry):
            par = lax.rem(g, 2)
            b = base + g * _CH

            @pl.when(g >= 2)
            def _():
                for cp in scat(par):
                    cp.wait()

            pltpu.sync_copy(x_hbm.at[pl.ds(b, _CH)], rows_v.at[par])
            pltpu.sync_copy(p0_hbm.at[pl.ds(b, _CH)], i0_v.at[par])
            pltpu.sync_copy(p1_hbm.at[pl.ds(b, _CH)], i1_v.at[par])
            for cp in scat(par):
                cp.start()
            return carry

        lax.fori_loop(0, nch, chunk, 0)
        for par in range(2):
            for cp in scat(par):
                cp.wait()

    ncc = _TW // _CC

    @functools.partial(
        pl.kernel,
        out_type=jax.ShapeDtypeStruct((_T, _H), jnp.float32),
        mesh=mesh,
        scratch_types=[
            pltpu.VMEM((2, _CC, _H), jnp.float32),
            pltpu.VMEM((2, _CC, _H), jnp.float32),
            pltpu.VMEM((2, _CC), jnp.int32),
            pltpu.VMEM((2, _CC), jnp.int32),
            pltpu.VMEM((2, _CC, _L), jnp.float32),
            pltpu.VMEM((2, _CC, _L), jnp.float32),
            pltpu.SemaphoreType.DMA((2,)),
            pltpu.SemaphoreType.DMA((2,)),
        ],
    )
    def combine(y_hbm, p0_hbm, p1_hbm, w0_hbm, w1_hbm, out_hbm,
                r0_v, r1_v, i0_v, i1_v, w0_v, w1_v, gsem, wsem):
        wid = lax.axis_index("s") * _NC + lax.axis_index("c")
        base = wid * _TW

        def gath(par):
            return (
                pltpu.make_async_copy(y_hbm.at[i0_v.at[par]], r0_v.at[par],
                                      gsem.at[par]),
                pltpu.make_async_copy(y_hbm.at[i1_v.at[par]], r1_v.at[par],
                                      gsem.at[par]),
            )

        def owrite(g, par):
            return pltpu.make_async_copy(r0_v.at[par],
                                         out_hbm.at[pl.ds(base + g * _CC, _CC)],
                                         wsem.at[par])

        def issue(g, par):
            b = base + g * _CC
            pltpu.sync_copy(p0_hbm.at[pl.ds(b, _CC)], i0_v.at[par])
            pltpu.sync_copy(p1_hbm.at[pl.ds(b, _CC)], i1_v.at[par])
            pltpu.sync_copy(w0_hbm.at[pl.ds(b, _CC)], w0_v.at[par])
            pltpu.sync_copy(w1_hbm.at[pl.ds(b, _CC)], w1_v.at[par])
            for cp in gath(par):
                cp.start()

        issue(0, 0)

        def chunk(g, carry):
            par = lax.rem(g, 2)
            npar = 1 - par

            @pl.when(g >= 1)
            def _():
                owrite(g - 1, npar).wait()

            @pl.when(g + 1 < ncc)
            def _():
                issue(g + 1, npar)

            for cp in gath(par):
                cp.wait()

            def tok(j, c2):
                s0 = w0_v[par, j]
                s1 = w1_v[par, j]

                @plsc.parallel_loop(0, _H, step=_L, unroll=8)
                def vec(col0):
                    col = pl.ds(pl.multiple_of(col0, _L), _L)
                    r0_v[par, j, col] = (s0 * r0_v[par, j, col] +
                                        s1 * r1_v[par, j, col])

                return c2

            lax.fori_loop(0, _CC, tok, 0)
            owrite(g, par).start()
            return carry

        lax.fori_loop(0, ncc, chunk, 0)
        owrite(ncc - 1, lax.rem(ncc - 1, 2)).wait()

    return dispatch, combine


def kernel(hidden_states, gate_w, w1, w2, w3):
    x = hidden_states.reshape(_T, _H)
    p0c, p1c, w0b, w1b, be2, rs2, ne2, rp2 = _router(x, gate_w)
    p0 = p0c.reshape(_T)
    p1 = p1c.reshape(_T)
    dispatch, combine = _sc_kernels()
    xs = dispatch(x, p0, p1)
    y = _gmm(be2[0], rs2[0], ne2[0], rp2[0], xs, w1, w2, w3)
    return combine(y, p0, p1, w0b, w1b)

# --- scband reference (transcript-rebuilt; emitter-appended) ---
"""Pipeline reference for scband-expert-kit-mo-e-29128468201543 (READ-ONLY COPY).

The authoritative reference and input builder live on the scoring server;
editing this copy changes nothing except your own understanding.
"""

import jax, jax.numpy as jnp
import numpy as np

T = 2048        # num_tokens = batch(1) * seq_len(2048)
HIDDEN = 2048   # config.hidden_size
DFF = 1024      # moe_intermediate_size (per-expert MLP width)
E = 8           # config.n_routed_experts
TOPK = 2        # config.num_experts_per_tok
NORM_TOPK_PROB = True


def setup_inputs(seed: int = 0) -> dict:
    key = jax.random.key(seed)
    ks = jax.random.split(key, 5)
    hidden_states = jax.random.normal(ks[0], (T, HIDDEN), dtype=jnp.float32)
    # gate: ReplicatedLinear(hidden_size, n_routed_experts, bias=False) -> weight [E, HIDDEN]
    gate_w = jax.random.normal(ks[1], (E, HIDDEN), dtype=jnp.float32) * 0.02
    # Remote experts modeled as DeepSeek-style gated MLPs (SiLU):
    #   out = (silu(x @ w1.T) * (x @ w3.T)) @ w2.T
    w1 = jax.random.normal(ks[2], (E, DFF, HIDDEN), dtype=jnp.float32) * 0.02  # gate_proj
    w2 = jax.random.normal(ks[3], (E, HIDDEN, DFF), dtype=jnp.float32) * 0.02  # down_proj
    w3 = jax.random.normal(ks[4], (E, DFF, HIDDEN), dtype=jnp.float32) * 0.02  # up_proj
    return {"hidden_states": hidden_states, "gate_w": gate_w, "w1": w1, "w2": w2, "w3": w3}


def _expert_mlp(x, w1_e, w2_e, w3_e):
    return (jax.nn.silu(x @ w1_e.T) * (x @ w3_e.T)) @ w2_e.T


def reference(hidden_states, gate_w, w1, w2, w3):
    num_tokens, hidden_dim = hidden_states.shape
    x = hidden_states.reshape(-1, hidden_dim)
    # router_logits, _ = self.gate(hidden_states)
    router_logits = x @ gate_w.T  # [T, E]
    top_k = min(TOPK, E)
    routing_weights, routing_indices = jax.lax.top_k(router_logits, top_k)
    if NORM_TOPK_PROB:
        routing_weights = jax.nn.softmax(routing_weights, axis=-1)
    else:
        routing_weights = jax.nn.sigmoid(routing_weights)
    output = jnp.zeros_like(x)
    for expert_idx in range(E):
        slot_mask = (routing_indices == expert_idx)  # [T, top_k]
        weights = jnp.sum(jnp.where(slot_mask, routing_weights, 0.0), axis=-1)[:, None]  # [T, 1]
        expert_output = _expert_mlp(x, w1[expert_idx], w2[expert_idx], w3[expert_idx])
        output = output + weights * expert_output
    return output.reshape(num_tokens, hidden_dim)

if __name__ == "__main__":
    import jax
    _d = setup_inputs()
    print(jax.jit(kernel)(*tuple(_d.values())))

</pallas_src>

<mosaic_0001>
#map = affine_map<(d0, d1) -> (0, 0)>
#map1 = affine_map<(d0, d1) -> (0)>
module attributes {stable_mosaic.version = 14 : i64} {
  func.func @combine(%arg0: i32, %arg1: i32, %arg2: memref<6144x2048xf32, #tpu.memory_space<hbm>>, %arg3: memref<2048xi32, #tpu.memory_space<hbm>>, %arg4: memref<2048xi32, #tpu.memory_space<hbm>>, %arg5: memref<2048x16xf32, #tpu.memory_space<hbm>>, %arg6: memref<2048x16xf32, #tpu.memory_space<hbm>>, %arg7: memref<2048x2048xf32, #tpu.memory_space<hbm>>, %arg8: memref<2x8x2048xf32, #tpu.memory_space<vmem>>, %arg9: memref<2x8x2048xf32, #tpu.memory_space<vmem>>, %arg10: memref<2x8xi32, #tpu.memory_space<vmem>>, %arg11: memref<2x8xi32, #tpu.memory_space<vmem>>, %arg12: memref<2x8x16xf32, #tpu.memory_space<vmem>>, %arg13: memref<2x8x16xf32, #tpu.memory_space<vmem>>, %arg14: memref<2x!tpu.dma_semaphore, #tpu.memory_space<semaphore_mem>>, %arg15: memref<2x!tpu.dma_semaphore, #tpu.memory_space<semaphore_mem>>) attributes {dimension_semantics = [#tpu.dimension_semantics<core_parallel>, #tpu.dimension_semantics<subcore_parallel>], iteration_bounds = array<i64: 2, 16>, scalar_prefetch = 0 : i64, scratch_operands = 8 : i64, tpu.core_type = #tpu.core_type<sc_vector_subcore>, window_params = [{transform_indices = #map}, {transform_indices = #map1}, {transform_indices = #map1}, {transform_indices = #map}, {transform_indices = #map}, {transform_indices = #map}]} {
    %mul3A = arith.constant 2 : i32
    %mul3A_0 = arith.muli %arg1, %mul3A : i32
    %add3A = arith.addi %mul3A_0, %arg0 : i32
    %mul3A_1 = arith.constant 64 : i32
    %mul3A_2 = arith.muli %add3A, %mul3A_1 : i32
    %add3A_3 = arith.constant 0 : i32
    %add3A_4 = arith.addi %mul3A_2, %add3A_3 : i32
    %run_scoped3A = arith.constant 0 : i32
    "tpu.region"() ({
      %run_scoped3A_59 = tpu.sem_alloc : memref<!tpu.dma_semaphore, #tpu.memory_space<semaphore_mem>>
      %dma_start3A_60 = arith.constant 0 : i32
      %dma_start3A_61 = tpu.memref_slice %arg10[%run_scoped3A, %dma_start3A_60] : memref<2x8xi32, #tpu.memory_space<vmem>> -> memref<1x8xi32, #tpu.memory_space<vmem>>
      %dma_start3A_62 = tpu.memref_squeeze %dma_start3A_61 : memref<1x8xi32, #tpu.memory_space<vmem>> -> memref<8xi32, #tpu.memory_space<vmem>>
      %dma_start3A_63 = tpu.memref_slice %arg3[%add3A_4] : memref<2048xi32, #tpu.memory_space<hbm>> -> memref<8xi32, #tpu.memory_space<hbm>>
      %dma_start3A_64 = arith.constant 0 : i32
      %dma_start3A_65 = tpu.memref_slice %arg10[%run_scoped3A, %dma_start3A_64] : memref<2x8xi32, #tpu.memory_space<vmem>> -> memref<1x8xi32, #tpu.memory_space<vmem>>
      %dma_start3A_66 = tpu.memref_squeeze %dma_start3A_65 : memref<1x8xi32, #tpu.memory_space<vmem>> -> memref<8xi32, #tpu.memory_space<vmem>>
      %dma_start3A_67 = tpu.memref_slice %arg3[%add3A_4] : memref<2048xi32, #tpu.memory_space<hbm>> -> memref<8xi32, #tpu.memory_space<hbm>>
      tpu.enqueue_dma source(%dma_start3A_67 : memref<8xi32, #tpu.memory_space<hbm>>) target(%dma_start3A_66 : memref<8xi32, #tpu.memory_space<vmem>>) target_semaphore(%run_scoped3A_59 : memref<!tpu.dma_semaphore, #tpu.memory_space<semaphore_mem>>)
      %dma_wait3A_68 = arith.constant 0 : i32
      %dma_wait3A_69 = tpu.memref_slice %arg10[%run_scoped3A, %dma_wait3A_68] : memref<2x8xi32, #tpu.memory_space<vmem>> -> memref<1x8xi32, #tpu.memory_space<vmem>>
      %dma_wait3A_70 = tpu.memref_squeeze %dma_wait3A_69 : memref<1x8xi32, #tpu.memory_space<vmem>> -> memref<8xi32, #tpu.memory_space<vmem>>
      %dma_wait3A_71 = tpu.memref_slice %arg3[%add3A_4] : memref<2048xi32, #tpu.memory_space<hbm>> -> memref<8xi32, #tpu.memory_space<hbm>>
      %dma_wait3A_72 = arith.constant 0 : i32
      %dma_wait3A_73 = tpu.memref_slice %arg10[%run_scoped3A, %dma_wait3A_72] : memref<2x8xi32, #tpu.memory_space<vmem>> -> memref<1x8xi32, #tpu.memory_space<vmem>>
      %dma_wait3A_74 = tpu.memref_squeeze %dma_wait3A_73 : memref<1x8xi32, #tpu.memory_space<vmem>> -> memref<8xi32, #tpu.memory_space<vmem>>
      %dma_wait3A_75 = tpu.memref_slice %arg3[%add3A_4] : memref<2048xi32, #tpu.memory_space<hbm>> -> memref<8xi32, #tpu.memory_space<hbm>>
      tpu.wait_dma2 semaphore(%run_scoped3A_59 : memref<!tpu.dma_semaphore, #tpu.memory_space<semaphore_mem>>) src(%dma_wait3A_75 : memref<8xi32, #tpu.memory_space<hbm>>) dst(%dma_wait3A_74 : memref<8xi32, #tpu.memory_space<vmem>>)
      tpu.yield
    }) : () -> ()
    %run_scoped3A_5 = arith.constant 0 : i32
    "tpu.region"() ({
      %run_scoped3A_59 = tpu.sem_alloc : memref<!tpu.dma_semaphore, #tpu.memory_space<semaphore_mem>>
      %dma_start3A_60 = arith.constant 0 : i32
      %dma_start3A_61 = tpu.memref_slice %arg11[%run_scoped3A_5, %dma_start3A_60] : memref<2x8xi32, #tpu.memory_space<vmem>> -> memref<1x8xi32, #tpu.memory_space<vmem>>
      %dma_start3A_62 = tpu.memref_squeeze %dma_start3A_61 : memref<1x8xi32, #tpu.memory_space<vmem>> -> memref<8xi32, #tpu.memory_space<vmem>>
      %dma_start3A_63 = tpu.memref_slice %arg4[%add3A_4] : memref<2048xi32, #tpu.memory_space<hbm>> -> memref<8xi32, #tpu.memory_space<hbm>>
      %dma_start3A_64 = arith.constant 0 : i32
      %dma_start3A_65 = tpu.memref_slice %arg11[%run_scoped3A_5, %dma_start3A_64] : memref<2x8xi32, #tpu.memory_space<vmem>> -> memref<1x8xi32, #tpu.memory_space<vmem>>
      %dma_start3A_66 = tpu.memref_squeeze %dma_start3A_65 : memref<1x8xi32, #tpu.memory_space<vmem>> -> memref<8xi32, #tpu.memory_space<vmem>>
      %dma_start3A_67 = tpu.memref_slice %arg4[%add3A_4] : memref<2048xi32, #tpu.memory_space<hbm>> -> memref<8xi32, #tpu.memory_space<hbm>>
      tpu.enqueue_dma source(%dma_start3A_67 : memref<8xi32, #tpu.memory_space<hbm>>) target(%dma_start3A_66 : memref<8xi32, #tpu.memory_space<vmem>>) target_semaphore(%run_scoped3A_59 : memref<!tpu.dma_semaphore, #tpu.memory_space<semaphore_mem>>)
      %dma_wait3A_68 = arith.constant 0 : i32
      %dma_wait3A_69 = tpu.memref_slice %arg11[%run_scoped3A_5, %dma_wait3A_68] : memref<2x8xi32, #tpu.memory_space<vmem>> -> memref<1x8xi32, #tpu.memory_space<vmem>>
      %dma_wait3A_70 = tpu.memref_squeeze %dma_wait3A_69 : memref<1x8xi32, #tpu.memory_space<vmem>> -> memref<8xi32, #tpu.memory_space<vmem>>
      %dma_wait3A_71 = tpu.memref_slice %arg4[%add3A_4] : memref<2048xi32, #tpu.memory_space<hbm>> -> memref<8xi32, #tpu.memory_space<hbm>>
      %dma_wait3A_72 = arith.constant 0 : i32
      %dma_wait3A_73 = tpu.memref_slice %arg11[%run_scoped3A_5, %dma_wait3A_72] : memref<2x8xi32, #tpu.memory_space<vmem>> -> memref<1x8xi32, #tpu.memory_space<vmem>>
      %dma_wait3A_74 = tpu.memref_squeeze %dma_wait3A_73 : memref<1x8xi32, #tpu.memory_space<vmem>> -> memref<8xi32, #tpu.memory_space<vmem>>
      %dma_wait3A_75 = tpu.memref_slice %arg4[%add3A_4] : memref<2048xi32, #tpu.memory_space<hbm>> -> memref<8xi32, #tpu.memory_space<hbm>>
      tpu.wait_dma2 semaphore(%run_scoped3A_59 : memref<!tpu.dma_semaphore, #tpu.memory_space<semaphore_mem>>) src(%dma_wait3A_75 : memref<8xi32, #tpu.memory_space<hbm>>) dst(%dma_wait3A_74 : memref<8xi32, #tpu.memory_space<vmem>>)
      tpu.yield
    }) : () -> ()
    %run_scoped3A_6 = arith.constant 0 : i32
    "tpu.region"() ({
      %run_scoped3A_59 = tpu.sem_alloc : memref<!tpu.dma_semaphore, #tpu.memory_space<semaphore_mem>>
      %dma_start3A_60 = arith.constant 0 : i32
      %dma_start3A_61 = arith.constant 0 : i32
      %dma_start3A_62 = tpu.memref_slice %arg12[%run_scoped3A_6, %dma_start3A_60, %dma_start3A_61] : memref<2x8x16xf32, #tpu.memory_space<vmem>> -> memref<1x8x16xf32, #tpu.memory_space<vmem>>
      %dma_start3A_63 = tpu.memref_squeeze %dma_start3A_62 : memref<1x8x16xf32, #tpu.memory_space<vmem>> -> memref<8x16xf32, #tpu.memory_space<vmem>>
      %dma_start3A_64 = arith.constant 0 : i32
      %dma_start3A_65 = tpu.memref_slice %arg5[%add3A_4, %dma_start3A_64] : memref<2048x16xf32, #tpu.memory_space<hbm>> -> memref<8x16xf32, #tpu.memory_space<hbm>>
      %dma_start3A_66 = arith.constant 0 : i32
      %dma_start3A_67 = arith.constant 0 : i32
      %dma_start3A_68 = tpu.memref_slice %arg12[%run_scoped3A_6, %dma_start3A_66, %dma_start3A_67] : memref<2x8x16xf32, #tpu.memory_space<vmem>> -> memref<1x8x16xf32, #tpu.memory_space<vmem>>
      %dma_start3A_69 = tpu.memref_squeeze %dma_start3A_68 : memref<1x8x16xf32, #tpu.memory_space<vmem>> -> memref<8x16xf32, #tpu.memory_space<vmem>>
      %dma_start3A_70 = arith.constant 0 : i32
      %dma_start3A_71 = tpu.memref_slice %arg5[%add3A_4, %dma_start3A_70] : memref<2048x16xf32, #tpu.memory_space<hbm>> -> memref<8x16xf32, #tpu.memory_space<hbm>>
      tpu.enqueue_dma source(%dma_start3A_71 : memref<8x16xf32, #tpu.memory_space<hbm>>) target(%dma_start3A_69 : memref<8x16xf32, #tpu.memory_space<vmem>>) target_semaphore(%run_scoped3A_59 : memref<!tpu.dma_semaphore, #tpu.memory_space<semaphore_mem>>)
      %dma_wait3A_72 = arith.constant 0 : i32
      %dma_wait3A_73 = arith.constant 0 : i32
      %dma_wait3A_74 = tpu.memref_slice %arg12[%run_scoped3A_6, %dma_wait3A_72, %dma_wait3A_73] : memref<2x8x16xf32, #tpu.memory_space<vmem>> -> memref<1x8x16xf32, #tpu.memory_space<vmem>>
      %dma_wait3A_75 = tpu.memref_squeeze %dma_wait3A_74 : memref<1x8x16xf32, #tpu.memory_space<vmem>> -> memref<8x16xf32, #tpu.memory_space<vmem>>
      %dma_wait3A_76 = arith.constant 0 : i32
      %dma_wait3A_77 = tpu.memref_slice %arg5[%add3A_4, %dma_wait3A_76] : memref<2048x16xf32, #tpu.memory_space<hbm>> -> memref<8x16xf32, #tpu.memory_space<hbm>>
      %dma_wait3A_78 = arith.constant 0 : i32
      %dma_wait3A_79 = arith.constant 0 : i32
      %dma_wait3A_80 = tpu.memref_slice %arg12[%run_scoped3A_6, %dma_wait3A_78, %dma_wait3A_79] : memref<2x8x16xf32, #tpu.memory_space<vmem>> -> memref<1x8x16xf32, #tpu.memory_space<vmem>>
      %dma_wait3A_81 = tpu.memref_squeeze %dma_wait3A_80 : memref<1x8x16xf32, #tpu.memory_space<vmem>> -> memref<8x16xf32, #tpu.memory_space<vmem>>
      %dma_wait3A_82 = arith.constant 0 : i32
      %dma_wait3A_83 = tpu.memref_slice %arg5[%add3A_4, %dma_wait3A_82] : memref<2048x16xf32, #tpu.memory_space<hbm>> -> memref<8x16xf32, #tpu.memory_space<hbm>>
      tpu.wait_dma2 semaphore(%run_scoped3A_59 : memref<!tpu.dma_semaphore, #tpu.memory_space<semaphore_mem>>) src(%dma_wait3A_83 : memref<8x16xf32, #tpu.memory_space<hbm>>) dst(%dma_wait3A_81 : memref<8x16xf32, #tpu.memory_space<vmem>>)
      tpu.yield
    }) : () -> ()
    %run_scoped3A_7 = arith.constant 0 : i32
    "tpu.region"() ({
      %run_scoped3A_59 = tpu.sem_alloc : memref<!tpu.dma_semaphore, #tpu.memory_space<semaphore_mem>>
      %dma_start3A_60 = arith.constant 0 : i32
      %dma_start3A_61 = arith.constant 0 : i32
      %dma_start3A_62 = tpu.memref_slice %arg13[%run_scoped3A_7, %dma_start3A_60, %dma_start3A_61] : memref<2x8x16xf32, #tpu.memory_space<vmem>> -> memref<1x8x16xf32, #tpu.memory_space<vmem>>
      %dma_start3A_63 = tpu.memref_squeeze %dma_start3A_62 : memref<1x8x16xf32, #tpu.memory_space<vmem>> -> memref<8x16xf32, #tpu.memory_space<vmem>>
      %dma_start3A_64 = arith.constant 0 : i32
      %dma_start3A_65 = tpu.memref_slice %arg6[%add3A_4, %dma_start3A_64] : memref<2048x16xf32, #tpu.memory_space<hbm>> -> memref<8x16xf32, #tpu.memory_space<hbm>>
      %dma_start3A_66 = arith.constant 0 : i32
      %dma_start3A_67 = arith.constant 0 : i32
      %dma_start3A_68 = tpu.memref_slice %arg13[%run_scoped3A_7, %dma_start3A_66, %dma_start3A_67] : memref<2x8x16xf32, #tpu.memory_space<vmem>> -> memref<1x8x16xf32, #tpu.memory_space<vmem>>
      %dma_start3A_69 = tpu.memref_squeeze %dma_start3A_68 : memref<1x8x16xf32, #tpu.memory_space<vmem>> -> memref<8x16xf32, #tpu.memory_space<vmem>>
      %dma_start3A_70 = arith.constant 0 : i32
      %dma_start3A_71 = tpu.memref_slice %arg6[%add3A_4, %dma_start3A_70] : memref<2048x16xf32, #tpu.memory_space<hbm>> -> memref<8x16xf32, #tpu.memory_space<hbm>>
      tpu.enqueue_dma source(%dma_start3A_71 : memref<8x16xf32, #tpu.memory_space<hbm>>) target(%dma_start3A_69 : memref<8x16xf32, #tpu.memory_space<vmem>>) target_semaphore(%run_scoped3A_59 : memref<!tpu.dma_semaphore, #tpu.memory_space<semaphore_mem>>)
      %dma_wait3A_72 = arith.constant 0 : i32
      %dma_wait3A_73 = arith.constant 0 : i32
      %dma_wait3A_74 = tpu.memref_slice %arg13[%run_scoped3A_7, %dma_wait3A_72, %dma_wait3A_73] : memref<2x8x16xf32, #tpu.memory_space<vmem>> -> memref<1x8x16xf32, #tpu.memory_space<vmem>>
      %dma_wait3A_75 = tpu.memref_squeeze %dma_wait3A_74 : memref<1x8x16xf32, #tpu.memory_space<vmem>> -> memref<8x16xf32, #tpu.memory_space<vmem>>
      %dma_wait3A_76 = arith.constant 0 : i32
      %dma_wait3A_77 = tpu.memref_slice %arg6[%add3A_4, %dma_wait3A_76] : memref<2048x16xf32, #tpu.memory_space<hbm>> -> memref<8x16xf32, #tpu.memory_space<hbm>>
      %dma_wait3A_78 = arith.constant 0 : i32
      %dma_wait3A_79 = arith.constant 0 : i32
      %dma_wait3A_80 = tpu.memref_slice %arg13[%run_scoped3A_7, %dma_wait3A_78, %dma_wait3A_79] : memref<2x8x16xf32, #tpu.memory_space<vmem>> -> memref<1x8x16xf32, #tpu.memory_space<vmem>>
      %dma_wait3A_81 = tpu.memref_squeeze %dma_wait3A_80 : memref<1x8x16xf32, #tpu.memory_space<vmem>> -> memref<8x16xf32, #tpu.memory_space<vmem>>
      %dma_wait3A_82 = arith.constant 0 : i32
      %dma_wait3A_83 = tpu.memref_slice %arg6[%add3A_4, %dma_wait3A_82] : memref<2048x16xf32, #tpu.memory_space<hbm>> -> memref<8x16xf32, #tpu.memory_space<hbm>>
      tpu.wait_dma2 semaphore(%run_scoped3A_59 : memref<!tpu.dma_semaphore, #tpu.memory_space<semaphore_mem>>) src(%dma_wait3A_83 : memref<8x16xf32, #tpu.memory_space<hbm>>) dst(%dma_wait3A_81 : memref<8x16xf32, #tpu.memory_space<vmem>>)
      tpu.yield
    }) : () -> ()
    %dma_start3A = arith.constant 0 : i32
    %dma_start3A_8 = arith.constant 0 : i32
    %dma_start3A_9 = arith.constant 0 : i32
    %dma_start3A_10 = arith.constant 0 : i32
    %dma_start3A_11 = arith.constant 0 : i32
    %dma_start3A_12 = tpu.memref_slice %arg8[%dma_start3A_8, %dma_start3A_10, %dma_start3A_11] : memref<2x8x2048xf32, #tpu.memory_space<vmem>> -> memref<1x8x2048xf32, #tpu.memory_space<vmem>>
    %dma_start3A_13 = tpu.memref_squeeze %dma_start3A_12 : memref<1x8x2048xf32, #tpu.memory_space<vmem>> -> memref<8x2048xf32, #tpu.memory_space<vmem>>
    %dma_start3A_14 = arith.constant 0 : i32
    %dma_start3A_15 = tpu.memref_slice %arg10[%dma_start3A, %dma_start3A_14] : memref<2x8xi32, #tpu.memory_space<vmem>> -> memref<1x8xi32, #tpu.memory_space<vmem>>
    %dma_start3A_16 = tpu.memref_squeeze %dma_start3A_15 : memref<1x8xi32, #tpu.memory_space<vmem>> -> memref<8xi32, #tpu.memory_space<vmem>>
    %dma_start3A_17 = arith.constant 0 : i32
    %dma_start3A_18 = arith.constant 0 : i32
    %dma_start3A_19 = tpu.memref_slice %arg2[%dma_start3A_17, %dma_start3A_18] : memref<6144x2048xf32, #tpu.memory_space<hbm>> -> memref<6144x2048xf32, #tpu.memory_space<hbm>>
    %dma_start3A_20 = tpu.memref_slice %arg14[%dma_start3A_9] : memref<2x!tpu.dma_semaphore, #tpu.memory_space<semaphore_mem>> -> memref<1x!tpu.dma_semaphore, #tpu.memory_space<semaphore_mem>>
    %dma_start3A_21 = tpu.memref_squeeze %dma_start3A_20 : memref<1x!tpu.dma_semaphore, #tpu.memory_space<semaphore_mem>> -> memref<!tpu.dma_semaphore, #tpu.memory_space<semaphore_mem>>
    tpu.enqueue_indirect_dma source(%dma_start3A_19 : memref<6144x2048xf32, #tpu.memory_space<hbm>>) target(%dma_start3A_13 : memref<8x2048xf32, #tpu.memory_space<vmem>>) offsets(%dma_start3A_16 : memref<8xi32, #tpu.memory_space<vmem>>) semaphore(%dma_start3A_21 : memref<!tpu.dma_semaphore, #tpu.memory_space<semaphore_mem>>)
    %dma_start3A_22 = arith.constant 0 : i32
    %dma_start3A_23 = arith.constant 0 : i32
    %dma_start3A_24 = arith.constant 0 : i32
    %dma_start3A_25 = arith.constant 0 : i32
    %dma_start3A_26 = arith.constant 0 : i32
    %dma_start3A_27 = tpu.memref_slice %arg9[%dma_start3A_23, %dma_start3A_25, %dma_start3A_26] : memref<2x8x2048xf32, #tpu.memory_space<vmem>> -> memref<1x8x2048xf32, #tpu.memory_space<vmem>>
    %dma_start3A_28 = tpu.memref_squeeze %dma_start3A_27 : memref<1x8x2048xf32, #tpu.memory_space<vmem>> -> memref<8x2048xf32, #tpu.memory_space<vmem>>
    %dma_start3A_29 = arith.constant 0 : i32
    %dma_start3A_30 = tpu.memref_slice %arg11[%dma_start3A_22, %dma_start3A_29] : memref<2x8xi32, #tpu.memory_space<vmem>> -> memref<1x8xi32, #tpu.memory_space<vmem>>
    %dma_start3A_31 = tpu.memref_squeeze %dma_start3A_30 : memref<1x8xi32, #tpu.memory_space<vmem>> -> memref<8xi32, #tpu.memory_space<vmem>>
    %dma_start3A_32 = arith.constant 0 : i32
    %dma_start3A_33 = arith.constant 0 : i32
    %dma_start3A_34 = tpu.memref_slice %arg2[%dma_start3A_32, %dma_start3A_33] : memref<6144x2048xf32, #tpu.memory_space<hbm>> -> memref<6144x2048xf32, #tpu.memory_space<hbm>>
    %dma_start3A_35 = tpu.memref_slice %arg14[%dma_start3A_24] : memref<2x!tpu.dma_semaphore, #tpu.memory_space<semaphore_mem>> -> memref<1x!tpu.dma_semaphore, #tpu.memory_space<semaphore_mem>>
    %dma_start3A_36 = tpu.memref_squeeze %dma_start3A_35 : memref<1x!tpu.dma_semaphore, #tpu.memory_space<semaphore_mem>> -> memref<!tpu.dma_semaphore, #tpu.memory_space<semaphore_mem>>
    tpu.enqueue_indirect_dma source(%dma_start3A_34 : memref<6144x2048xf32, #tpu.memory_space<hbm>>) target(%dma_start3A_28 : memref<8x2048xf32, #tpu.memory_space<vmem>>) offsets(%dma_start3A_31 : memref<8xi32, #tpu.memory_space<vmem>>) semaphore(%dma_start3A_36 : memref<!tpu.dma_semaphore, #tpu.memory_space<semaphore_mem>>)
    %scan3A = arith.constant 0 : i32
    %scan3A_37 = arith.constant 0 : i32
    %scan3A_38 = arith.constant 8 : i32
    %scan3A_39 = arith.addi %scan3A_37, %scan3A_38 : i32
    %scan3A_40 = arith.constant 1 : i32
    scf.for %scan3A_59 = %scan3A_37 to %scan3A_39 step %scan3A_40  : i32 {
      %rem3A_60 = arith.constant 2 : i32
      %rem3A_61 = arith.remsi %scan3A_59, %rem3A_60 : i32
      %sub3A = arith.constant 1 : i32
      %sub3A_62 = arith.subi %sub3A, %rem3A_61 : i32
      %ge3A = arith.constant 1 : i32
      %ge3A_63 = arith.cmpi sge, %scan3A_59, %ge3A : i32
      %convert_element_type3A = arith.extui %ge3A_63 : i1 to i32
      %cond3A = arith.constant 0 : i32
      %cond3A_64 = arith.cmpi ne, %convert_element_type3A, %cond3A : i32
      scf.if %cond3A_64 {
        %sub3A_118 = arith.constant 1 : i32
        %sub3A_119 = arith.subi %scan3A_59, %sub3A_118 : i32
        %mul3A_120 = arith.constant 8 : i32
        %mul3A_121 = arith.muli %sub3A_119, %mul3A_120 : i32
        %add3A_122 = arith.addi %mul3A_2, %mul3A_121 : i32
        %dma_wait3A_123 = arith.constant 0 : i32
        %dma_wait3A_124 = arith.constant 0 : i32
        %dma_wait3A_125 = tpu.memref_slice %arg8[%sub3A_62, %dma_wait3A_123, %dma_wait3A_124] : memref<2x8x2048xf32, #tpu.memory_space<vmem>> -> memref<1x8x2048xf32, #tpu.memory_space<vmem>>
        %dma_wait3A_126 = tpu.memref_squeeze %dma_wait3A_125 : memref<1x8x2048xf32, #tpu.memory_space<vmem>> -> memref<8x2048xf32, #tpu.memory_space<vmem>>
        %dma_wait3A_127 = arith.constant 0 : i32
        %dma_wait3A_128 = tpu.memref_slice %arg7[%add3A_122, %dma_wait3A_127] : memref<2048x2048xf32, #tpu.memory_space<hbm>> -> memref<8x2048xf32, #tpu.memory_space<hbm>>
        %dma_wait3A_129 = tpu.memref_slice %arg15[%sub3A_62] : memref<2x!tpu.dma_semaphore, #tpu.memory_space<semaphore_mem>> -> memref<1x!tpu.dma_semaphore, #tpu.memory_space<semaphore_mem>>
        %dma_wait3A_130 = tpu.memref_squeeze %dma_wait3A_129 : memref<1x!tpu.dma_semaphore, #tpu.memory_space<semaphore_mem>> -> memref<!tpu.dma_semaphore, #tpu.memory_space<semaphore_mem>>
        %dma_wait3A_131 = arith.constant 0 : i32
        %dma_wait3A_132 = tpu.memref_slice %arg7[%add3A_122, %dma_wait3A_131] : memref<2048x2048xf32, #tpu.memory_space<hbm>> -> memref<8x2048xf32, #tpu.memory_space<hbm>>
        %dma_wait3A_133 = arith.constant 0 : i32
        %dma_wait3A_134 = arith.constant 0 : i32
        %dma_wait3A_135 = tpu.memref_slice %arg8[%sub3A_62, %dma_wait3A_133, %dma_wait3A_134] : memref<2x8x2048xf32, #tpu.memory_space<vmem>> -> memref<1x8x2048xf32, #tpu.memory_space<vmem>>
        %dma_wait3A_136 = tpu.memref_squeeze %dma_wait3A_135 : memref<1x8x2048xf32, #tpu.memory_space<vmem>> -> memref<8x2048xf32, #tpu.memory_space<vmem>>
        tpu.wait_dma2 semaphore(%dma_wait3A_130 : memref<!tpu.dma_semaphore, #tpu.memory_space<semaphore_mem>>) src(%dma_wait3A_136 : memref<8x2048xf32, #tpu.memory_space<vmem>>) dst(%dma_wait3A_132 : memref<8x2048xf32, #tpu.memory_space<hbm>>)
      } else {
      }
      %add3A_65 = arith.constant 1 : i32
      %add3A_66 = arith.addi %scan3A_59, %add3A_65 : i32
      %lt3A = arith.constant 8 : i32
      %lt3A_67 = arith.cmpi slt, %add3A_66, %lt3A : i32
      %convert_element_type3A_68 = arith.extui %lt3A_67 : i1 to i32
      %cond3A_69 = arith.constant 0 : i32
      %cond3A_70 = arith.cmpi ne, %convert_element_type3A_68, %cond3A_69 : i32
      scf.if %cond3A_70 {
        %add3A_118 = arith.constant 1 : i32
        %add3A_119 = arith.addi %scan3A_59, %add3A_118 : i32
        %mul3A_120 = arith.constant 8 : i32
        %mul3A_121 = arith.muli %add3A_119, %mul3A_120 : i32
        %add3A_122 = arith.addi %mul3A_2, %mul3A_121 : i32
        "tpu.region"() ({
          %run_scoped3A_147 = tpu.sem_alloc : memref<!tpu.dma_semaphore, #tpu.memory_space<semaphore_mem>>
          %dma_start3A_148 = arith.constant 0 : i32
          %dma_start3A_149 = tpu.memref_slice %arg10[%sub3A_62, %dma_start3A_148] : memref<2x8xi32, #tpu.memory_space<vmem>> -> memref<1x8xi32, #tpu.memory_space<vmem>>
          %dma_start3A_150 = tpu.memref_squeeze %dma_start3A_149 : memref<1x8xi32, #tpu.memory_space<vmem>> -> memref<8xi32, #tpu.memory_space<vmem>>
          %dma_start3A_151 = tpu.memref_slice %arg3[%add3A_122] : memref<2048xi32, #tpu.memory_space<hbm>> -> memref<8xi32, #tpu.memory_space<hbm>>
          %dma_start3A_152 = arith.constant 0 : i32
          %dma_start3A_153 = tpu.memref_slice %arg10[%sub3A_62, %dma_start3A_152] : memref<2x8xi32, #tpu.memory_space<vmem>> -> memref<1x8xi32, #tpu.memory_space<vmem>>
          %dma_start3A_154 = tpu.memref_squeeze %dma_start3A_153 : memref<1x8xi32, #tpu.memory_space<vmem>> -> memref<8xi32, #tpu.memory_space<vmem>>
          %dma_start3A_155 = tpu.memref_slice %arg3[%add3A_122] : memref<2048xi32, #tpu.memory_space<hbm>> -> memref<8xi32, #tpu.memory_space<hbm>>
          tpu.enqueue_dma source(%dma_start3A_155 : memref<8xi32, #tpu.memory_space<hbm>>) target(%dma_start3A_154 : memref<8xi32, #tpu.memory_space<vmem>>) target_semaphore(%run_scoped3A_147 : memref<!tpu.dma_semaphore, #tpu.memory_space<semaphore_mem>>)
          %dma_wait3A_156 = arith.constant 0 : i32
          %dma_wait3A_157 = tpu.memref_slice %arg10[%sub3A_62, %dma_wait3A_156] : memref<2x8xi32, #tpu.memory_space<vmem>> -> memref<1x8xi32, #tpu.memory_space<vmem>>
          %dma_wait3A_158 = tpu.memref_squeeze %dma_wait3A_157 : memref<1x8xi32, #tpu.memory_space<vmem>> -> memref<8xi32, #tpu.memory_space<vmem>>
          %dma_wait3A_159 = tpu.memref_slice %arg3[%add3A_122] : memref<2048xi32, #tpu.memory_space<hbm>> -> memref<8xi32, #tpu.memory_space<hbm>>
          %dma_wait3A_160 = arith.constant 0 : i32
          %dma_wait3A_161 = tpu.memref_slice %arg10[%sub3A_62, %dma_wait3A_160] : memref<2x8xi32, #tpu.memory_space<vmem>> -> memref<1x8xi32, #tpu.memory_space<vmem>>
          %dma_wait3A_162 = tpu.memref_squeeze %dma_wait3A_161 : memref<1x8xi32, #tpu.memory_space<vmem>> -> memref<8xi32, #tpu.memory_space<vmem>>
          %dma_wait3A_163 = tpu.memref_slice %arg3[%add3A_122] : memref<2048xi32, #tpu.memory_space<hbm>> -> memref<8xi32, #tpu.memory_space<hbm>>
          tpu.wait_dma2 semaphore(%run_scoped3A_147 : memref<!tpu.dma_semaphore, #tpu.memory_space<semaphore_mem>>) src(%dma_wait3A_163 : memref<8xi32, #tpu.memory_space<hbm>>) dst(%dma_wait3A_162 : memref<8xi32, #tpu.memory_space<vmem>>)
          tpu.yield
        }) : () -> ()
        "tpu.region"() ({
          %run_scoped3A_147 = tpu.sem_alloc : memref<!tpu.dma_semaphore, #tpu.memory_space<semaphore_mem>>
          %dma_start3A_148 = arith.constant 0 : i32
          %dma_start3A_149 = tpu.memref_slice %arg11[%sub3A_62, %dma_start3A_148] : memref<2x8xi32, #tpu.memory_space<vmem>> -> memref<1x8xi32, #tpu.memory_space<vmem>>
          %dma_start3A_150 = tpu.memref_squeeze %dma_start3A_149 : memref<1x8xi32, #tpu.memory_space<vmem>> -> memref<8xi32, #tpu.memory_space<vmem>>
          %dma_start3A_151 = tpu.memref_slice %arg4[%add3A_122] : memref<2048xi32, #tpu.memory_space<hbm>> -> memref<8xi32, #tpu.memory_space<hbm>>
          %dma_start3A_152 = arith.constant 0 : i32
          %dma_start3A_153 = tpu.memref_slice %arg11[%sub3A_62, %dma_start3A_152] : memref<2x8xi32, #tpu.memory_space<vmem>> -> memref<1x8xi32, #tpu.memory_space<vmem>>
          %dma_start3A_154 = tpu.memref_squeeze %dma_start3A_153 : memref<1x8xi32, #tpu.memory_space<vmem>> -> memref<8xi32, #tpu.memory_space<vmem>>
          %dma_start3A_155 = tpu.memref_slice %arg4[%add3A_122] : memref<2048xi32, #tpu.memory_space<hbm>> -> memref<8xi32, #tpu.memory_space<hbm>>
          tpu.enqueue_dma source(%dma_start3A_155 : memref<8xi32, #tpu.memory_space<hbm>>) target(%dma_start3A_154 : memref<8xi32, #tpu.memory_space<vmem>>) target_semaphore(%run_scoped3A_147 : memref<!tpu.dma_semaphore, #tpu.memory_space<semaphore_mem>>)
          %dma_wait3A_156 = arith.constant 0 : i32
          %dma_wait3A_157 = tpu.memref_slice %arg11[%sub3A_62, %dma_wait3A_156] : memref<2x8xi32, #tpu.memory_space<vmem>> -> memref<1x8xi32, #tpu.memory_space<vmem>>
          %dma_wait3A_158 = tpu.memref_squeeze %dma_wait3A_157 : memref<1x8xi32, #tpu.memory_space<vmem>> -> memref<8xi32, #tpu.memory_space<vmem>>
          %dma_wait3A_159 = tpu.memref_slice %arg4[%add3A_122] : memref<2048xi32, #tpu.memory_space<hbm>> -> memref<8xi32, #tpu.memory_space<hbm>>
          %dma_wait3A_160 = arith.constant 0 : i32
          %dma_wait3A_161 = tpu.memref_slice %arg11[%sub3A_62, %dma_wait3A_160] : memref<2x8xi32, #tpu.memory_space<vmem>> -> memref<1x8xi32, #tpu.memory_space<vmem>>
          %dma_wait3A_162 = tpu.memref_squeeze %dma_wait3A_161 : memref<1x8xi32, #tpu.memory_space<vmem>> -> memref<8xi32, #tpu.memory_space<vmem>>
          %dma_wait3A_163 = tpu.memref_slice %arg4[%add3A_122] : memref<2048xi32, #tpu.memory_space<hbm>> -> memref<8xi32, #tpu.memory_space<hbm>>
          tpu.wait_dma2 semaphore(%run_scoped3A_147 : memref<!tpu.dma_semaphore, #tpu.memory_space<semaphore_mem>>) src(%dma_wait3A_163 : memref<8xi32, #tpu.memory_space<hbm>>) dst(%dma_wait3A_162 : memref<8xi32, #tpu.memory_space<vmem>>)
          tpu.yield
        }) : () -> ()
        "tpu.region"() ({
          %run_scoped3A_147 = tpu.sem_alloc : memref<!tpu.dma_semaphore, #tpu.memory_space<semaphore_mem>>
          %dma_start3A_148 = arith.constant 0 : i32
          %dma_start3A_149 = arith.constant 0 : i32
          %dma_start3A_150 = tpu.memref_slice %arg12[%sub3A_62, %dma_start3A_148, %dma_start3A_149] : memref<2x8x16xf32, #tpu.memory_space<vmem>> -> memref<1x8x16xf32, #tpu.memory_space<vmem>>
          %dma_start3A_151 = tpu.memref_squeeze %dma_start3A_150 : memref<1x8x16xf32, #tpu.memory_space<vmem>> -> memref<8x16xf32, #tpu.memory_space<vmem>>
          %dma_start3A_152 = arith.constant 0 : i32
          %dma_start3A_153 = tpu.memref_slice %arg5[%add3A_122, %dma_start3A_152] : memref<2048x16xf32, #tpu.memory_space<hbm>> -> memref<8x16xf32, #tpu.memory_space<hbm>>
          %dma_start3A_154 = arith.constant 0 : i32
          %dma_start3A_155 = arith.constant 0 : i32
          %dma_start3A_156 = tpu.memref_slice %arg12[%sub3A_62, %dma_start3A_154, %dma_start3A_155] : memref<2x8x16xf32, #tpu.memory_space<vmem>> -> memref<1x8x16xf32, #tpu.memory_space<vmem>>
          %dma_start3A_157 = tpu.memref_squeeze %dma_start3A_156 : memref<1x8x16xf32, #tpu.memory_space<vmem>> -> memref<8x16xf32, #tpu.memory_space<vmem>>
          %dma_start3A_158 = arith.constant 0 : i32
          %dma_start3A_159 = tpu.memref_slice %arg5[%add3A_122, %dma_start3A_158] : memref<2048x16xf32, #tpu.memory_space<hbm>> -> memref<8x16xf32, #tpu.memory_space<hbm>>
          tpu.enqueue_dma source(%dma_start3A_159 : memref<8x16xf32, #tpu.memory_space<hbm>>) target(%dma_start3A_157 : memref<8x16xf32, #tpu.memory_space<vmem>>) target_semaphore(%run_scoped3A_147 : memref<!tpu.dma_semaphore, #tpu.memory_space<semaphore_mem>>)
          %dma_wait3A_160 = arith.constant 0 : i32
          %dma_wait3A_161 = arith.constant 0 : i32
          %dma_wait3A_162 = tpu.memref_slice %arg12[%sub3A_62, %dma_wait3A_160, %dma_wait3A_161] : memref<2x8x16xf32, #tpu.memory_space<vmem>> -> memref<1x8x16xf32, #tpu.memory_space<vmem>>
          %dma_wait3A_163 = tpu.memref_squeeze %dma_wait3A_162 : memref<1x8x16xf32, #tpu.memory_space<vmem>> -> memref<8x16xf32, #tpu.memory_space<vmem>>
          %dma_wait3A_164 = arith.constant 0 : i32
          %dma_wait3A_165 = tpu.memref_slice %arg5[%add3A_122, %dma_wait3A_164] : memref<2048x16xf32, #tpu.memory_space<hbm>> -> memref<8x16xf32, #tpu.memory_space<hbm>>
          %dma_wait3A_166 = arith.constant 0 : i32
          %dma_wait3A_167 = arith.constant 0 : i32
          %dma_wait3A_168 = tpu.memref_slice %arg12[%sub3A_62, %dma_wait3A_166, %dma_wait3A_167] : memref<2x8x16xf32, #tpu.memory_space<vmem>> -> memref<1x8x16xf32, #tpu.memory_space<vmem>>
          %dma_wait3A_169 = tpu.memref_squeeze %dma_wait3A_168 : memref<1x8x16xf32, #tpu.memory_space<vmem>> -> memref<8x16xf32, #tpu.memory_space<vmem>>
          %dma_wait3A_170 = arith.constant 0 : i32
          %dma_wait3A_171 = tpu.memref_slice %arg5[%add3A_122, %dma_wait3A_170] : memref<2048x16xf32, #tpu.memory_space<hbm>> -> memref<8x16xf32, #tpu.memory_space<hbm>>
          tpu.wait_dma2 semaphore(%run_scoped3A_147 : memref<!tpu.dma_semaphore, #tpu.memory_space<semaphore_mem>>) src(%dma_wait3A_171 : memref<8x16xf32, #tpu.memory_space<hbm>>) dst(%dma_wait3A_169 : memref<8x16xf32, #tpu.memory_space<vmem>>)
          tpu.yield
        }) : () -> ()
        "tpu.region"() ({
          %run_scoped3A_147 = tpu.sem_alloc : memref<!tpu.dma_semaphore, #tpu.memory_space<semaphore_mem>>
          %dma_start3A_148 = arith.constant 0 : i32
          %dma_start3A_149 = arith.constant 0 : i32
          %dma_start3A_150 = tpu.memref_slice %arg13[%sub3A_62, %dma_start3A_148, %dma_start3A_149] : memref<2x8x16xf32, #tpu.memory_space<vmem>> -> memref<1x8x16xf32, #tpu.memory_space<vmem>>
          %dma_start3A_151 = tpu.memref_squeeze %dma_start3A_150 : memref<1x8x16xf32, #tpu.memory_space<vmem>> -> memref<8x16xf32, #tpu.memory_space<vmem>>
          %dma_start3A_152 = arith.constant 0 : i32
          %dma_start3A_153 = tpu.memref_slice %arg6[%add3A_122, %dma_start3A_152] : memref<2048x16xf32, #tpu.memory_space<hbm>> -> memref<8x16xf32, #tpu.memory_space<hbm>>
          %dma_start3A_154 = arith.constant 0 : i32
          %dma_start3A_155 = arith.constant 0 : i32
          %dma_start3A_156 = tpu.memref_slice %arg13[%sub3A_62, %dma_start3A_154, %dma_start3A_155] : memref<2x8x16xf32, #tpu.memory_space<vmem>> -> memref<1x8x16xf32, #tpu.memory_space<vmem>>
          %dma_start3A_157 = tpu.memref_squeeze %dma_start3A_156 : memref<1x8x16xf32, #tpu.memory_space<vmem>> -> memref<8x16xf32, #tpu.memory_space<vmem>>
          %dma_start3A_158 = arith.constant 0 : i32
          %dma_start3A_159 = tpu.memref_slice %arg6[%add3A_122, %dma_start3A_158] : memref<2048x16xf32, #tpu.memory_space<hbm>> -> memref<8x16xf32, #tpu.memory_space<hbm>>
          tpu.enqueue_dma source(%dma_start3A_159 : memref<8x16xf32, #tpu.memory_space<hbm>>) target(%dma_start3A_157 : memref<8x16xf32, #tpu.memory_space<vmem>>) target_semaphore(%run_scoped3A_147 : memref<!tpu.dma_semaphore, #tpu.memory_space<semaphore_mem>>)
          %dma_wait3A_160 = arith.constant 0 : i32
          %dma_wait3A_161 = arith.constant 0 : i32
          %dma_wait3A_162 = tpu.memref_slice %arg13[%sub3A_62, %dma_wait3A_160, %dma_wait3A_161] : memref<2x8x16xf32, #tpu.memory_space<vmem>> -> memref<1x8x16xf32, #tpu.memory_space<vmem>>
          %dma_wait3A_163 = tpu.memref_squeeze %dma_wait3A_162 : memref<1x8x16xf32, #tpu.memory_space<vmem>> -> memref<8x16xf32, #tpu.memory_space<vmem>>
          %dma_wait3A_164 = arith.constant 0 : i32
          %dma_wait3A_165 = tpu.memref_slice %arg6[%add3A_122, %dma_wait3A_164] : memref<2048x16xf32, #tpu.memory_space<hbm>> -> memref<8x16xf32, #tpu.memory_space<hbm>>
          %dma_wait3A_166 = arith.constant 0 : i32
          %dma_wait3A_167 = arith.constant 0 : i32
          %dma_wait3A_168 = tpu.memref_slice %arg13[%sub3A_62, %dma_wait3A_166, %dma_wait3A_167] : memref<2x8x16xf32, #tpu.memory_space<vmem>> -> memref<1x8x16xf32, #tpu.memory_space<vmem>>
          %dma_wait3A_169 = tpu.memref_squeeze %dma_wait3A_168 : memref<1x8x16xf32, #tpu.memory_space<vmem>> -> memref<8x16xf32, #tpu.memory_space<vmem>>
          %dma_wait3A_170 = arith.constant 0 : i32
          %dma_wait3A_171 = tpu.memref_slice %arg6[%add3A_122, %dma_wait3A_170] : memref<2048x16xf32, #tpu.memory_space<hbm>> -> memref<8x16xf32, #tpu.memory_space<hbm>>
          tpu.wait_dma2 semaphore(%run_scoped3A_147 : memref<!tpu.dma_semaphore, #tpu.memory_space<semaphore_mem>>) src(%dma_wait3A_171 : memref<8x16xf32, #tpu.memory_space<hbm>>) dst(%dma_wait3A_169 : memref<8x16xf32, #tpu.memory_space<vmem>>)
          tpu.yield
        }) : () -> ()
        %dma_start3A_123 = arith.constant 0 : i32
        %dma_start3A_124 = arith.constant 0 : i32
        %dma_start3A_125 = tpu.memref_slice %arg8[%sub3A_62, %dma_start3A_123, %dma_start3A_124] : memref<2x8x2048xf32, #tpu.memory_space<vmem>> -> memref<1x8x2048xf32, #tpu.memory_space<vmem>>
        %dma_start3A_126 = tpu.memref_squeeze %dma_start3A_125 : memref<1x8x2048xf32, #tpu.memory_space<vmem>> -> memref<8x2048xf32, #tpu.memory_space<vmem>>
        %dma_start3A_127 = arith.constant 0 : i32
        %dma_start3A_128 = tpu.memref_slice %arg10[%sub3A_62, %dma_start3A_127] : memref<2x8xi32, #tpu.memory_space<vmem>> -> memref<1x8xi32, #tpu.memory_space<vmem>>
        %dma_start3A_129 = tpu.memref_squeeze %dma_start3A_128 : memref<1x8xi32, #tpu.memory_space<vmem>> -> memref<8xi32, #tpu.memory_space<vmem>>
        %dma_start3A_130 = arith.constant 0 : i32
        %dma_start3A_131 = arith.constant 0 : i32
        %dma_start3A_132 = tpu.memref_slice %arg2[%dma_start3A_130, %dma_start3A_131] : memref<6144x2048xf32, #tpu.memory_space<hbm>> -> memref<6144x2048xf32, #tpu.memory_space<hbm>>
        %dma_start3A_133 = tpu.memref_slice %arg14[%sub3A_62] : memref<2x!tpu.dma_semaphore, #tpu.memory_space<semaphore_mem>> -> memref<1x!tpu.dma_semaphore, #tpu.memory_space<semaphore_mem>>
        %dma_start3A_134 = tpu.memref_squeeze %dma_start3A_133 : memref<1x!tpu.dma_semaphore, #tpu.memory_space<semaphore_mem>> -> memref<!tpu.dma_semaphore, #tpu.memory_space<semaphore_mem>>
        tpu.enqueue_indirect_dma source(%dma_start3A_132 : memref<6144x2048xf32, #tpu.memory_space<hbm>>) target(%dma_start3A_126 : memref<8x2048xf32, #tpu.memory_space<vmem>>) offsets(%dma_start3A_129 : memref<8xi32, #tpu.memory_space<vmem>>) semaphore(%dma_start3A_134 : memref<!tpu.dma_semaphore, #tpu.memory_space<semaphore_mem>>)
        %dma_start3A_135 = arith.constant 0 : i32
        %dma_start3A_136 = arith.constant 0 : i32
        %dma_start3A_137 = tpu.memref_slice %arg9[%sub3A_62, %dma_start3A_135, %dma_start3A_136] : memref<2x8x2048xf32, #tpu.memory_space<vmem>> -> memref<1x8x2048xf32, #tpu.memory_space<vmem>>
        %dma_start3A_138 = tpu.memref_squeeze %dma_start3A_137 : memref<1x8x2048xf32, #tpu.memory_space<vmem>> -> memref<8x2048xf32, #tpu.memory_space<vmem>>
        %dma_start3A_139 = arith.constant 0 : i32
        %dma_start3A_140 = tpu.memref_slice %arg11[%sub3A_62, %dma_start3A_139] : memref<2x8xi32, #tpu.memory_space<vmem>> -> memref<1x8xi32, #tpu.memory_space<vmem>>
        %dma_start3A_141 = tpu.memref_squeeze %dma_start3A_140 : memref<1x8xi32, #tpu.memory_space<vmem>> -> memref<8xi32, #tpu.memory_space<vmem>>
        %dma_start3A_142 = arith.constant 0 : i32
        %dma_start3A_143 = arith.constant 0 : i32
        %dma_start3A_144 = tpu.memref_slice %arg2[%dma_start3A_142, %dma_start3A_143] : memref<6144x2048xf32, #tpu.memory_space<hbm>> -> memref<6144x2048xf32, #tpu.memory_space<hbm>>
        %dma_start3A_145 = tpu.memref_slice %arg14[%sub3A_62] : memref<2x!tpu.dma_semaphore, #tpu.memory_space<semaphore_mem>> -> memref<1x!tpu.dma_semaphore, #tpu.memory_space<semaphore_mem>>
        %dma_start3A_146 = tpu.memref_squeeze %dma_start3A_145 : memref<1x!tpu.dma_semaphore, #tpu.memory_space<semaphore_mem>> -> memref<!tpu.dma_semaphore, #tpu.memory_space<semaphore_mem>>
        tpu.enqueue_indirect_dma source(%dma_start3A_144 : memref<6144x2048xf32, #tpu.memory_space<hbm>>) target(%dma_start3A_138 : memref<8x2048xf32, #tpu.memory_space<vmem>>) offsets(%dma_start3A_141 : memref<8xi32, #tpu.memory_space<vmem>>) semaphore(%dma_start3A_146 : memref<!tpu.dma_semaphore, #tpu.memory_space<semaphore_mem>>)
      } else {
      }
      %dma_wait3A_71 = arith.constant 0 : i32
      %dma_wait3A_72 = arith.constant 0 : i32
      %dma_wait3A_73 = tpu.memref_slice %arg8[%rem3A_61, %dma_wait3A_71, %dma_wait3A_72] : memref<2x8x2048xf32, #tpu.memory_space<vmem>> -> memref<1x8x2048xf32, #tpu.memory_space<vmem>>
      %dma_wait3A_74 = tpu.memref_squeeze %dma_wait3A_73 : memref<1x8x2048xf32, #tpu.memory_space<vmem>> -> memref<8x2048xf32, #tpu.memory_space<vmem>>
      %dma_wait3A_75 = arith.constant 0 : i32
      %dma_wait3A_76 = tpu.memref_slice %arg10[%rem3A_61, %dma_wait3A_75] : memref<2x8xi32, #tpu.memory_space<vmem>> -> memref<1x8xi32, #tpu.memory_space<vmem>>
      %dma_wait3A_77 = tpu.memref_squeeze %dma_wait3A_76 : memref<1x8xi32, #tpu.memory_space<vmem>> -> memref<8xi32, #tpu.memory_space<vmem>>
      %dma_wait3A_78 = arith.constant 0 : i32
      %dma_wait3A_79 = arith.constant 0 : i32
      %dma_wait3A_80 = tpu.memref_slice %arg2[%dma_wait3A_78, %dma_wait3A_79] : memref<6144x2048xf32, #tpu.memory_space<hbm>> -> memref<6144x2048xf32, #tpu.memory_space<hbm>>
      %dma_wait3A_81 = tpu.memref_slice %arg14[%rem3A_61] : memref<2x!tpu.dma_semaphore, #tpu.memory_space<semaphore_mem>> -> memref<1x!tpu.dma_semaphore, #tpu.memory_space<semaphore_mem>>
      %dma_wait3A_82 = tpu.memref_squeeze %dma_wait3A_81 : memref<1x!tpu.dma_semaphore, #tpu.memory_space<semaphore_mem>> -> memref<!tpu.dma_semaphore, #tpu.memory_space<semaphore_mem>>
      tpu.wait_indirect_dma semaphore(%dma_wait3A_82 : memref<!tpu.dma_semaphore, #tpu.memory_space<semaphore_mem>>) src(%dma_wait3A_80 : memref<6144x2048xf32, #tpu.memory_space<hbm>>) dst(%dma_wait3A_74 : memref<8x2048xf32, #tpu.memory_space<vmem>>)
      %dma_wait3A_83 = arith.constant 0 : i32
      %dma_wait3A_84 = arith.constant 0 : i32
      %dma_wait3A_85 = tpu.memref_slice %arg9[%rem3A_61, %dma_wait3A_83, %dma_wait3A_84] : memref<2x8x2048xf32, #tpu.memory_space<vmem>> -> memref<1x8x2048xf32, #tpu.memory_space<vmem>>
      %dma_wait3A_86 = tpu.memref_squeeze %dma_wait3A_85 : memref<1x8x2048xf32, #tpu.memory_space<vmem>> -> memref<8x2048xf32, #tpu.memory_space<vmem>>
      %dma_wait3A_87 = arith.constant 0 : i32
      %dma_wait3A_88 = tpu.memref_slice %arg11[%rem3A_61, %dma_wait3A_87] : memref<2x8xi32, #tpu.memory_space<vmem>> -> memref<1x8xi32, #tpu.memory_space<vmem>>
      %dma_wait3A_89 = tpu.memref_squeeze %dma_wait3A_88 : memref<1x8xi32, #tpu.memory_space<vmem>> -> memref<8xi32, #tpu.memory_space<vmem>>
      %dma_wait3A_90 = arith.constant 0 : i32
      %dma_wait3A_91 = arith.constant 0 : i32
      %dma_wait3A_92 = tpu.memref_slice %arg2[%dma_wait3A_90, %dma_wait3A_91] : memref<6144x2048xf32, #tpu.memory_space<hbm>> -> memref<6144x2048xf32, #tpu.memory_space<hbm>>
      %dma_wait3A_93 = tpu.memref_slice %arg14[%rem3A_61] : memref<2x!tpu.dma_semaphore, #tpu.memory_space<semaphore_mem>> -> memref<1x!tpu.dma_semaphore, #tpu.memory_space<semaphore_mem>>
      %dma_wait3A_94 = tpu.memref_squeeze %dma_wait3A_93 : memref<1x!tpu.dma_semaphore, #tpu.memory_space<semaphore_mem>> -> memref<!tpu.dma_semaphore, #tpu.memory_space<semaphore_mem>>
      tpu.wait_indirect_dma semaphore(%dma_wait3A_94 : memref<!tpu.dma_semaphore, #tpu.memory_space<semaphore_mem>>) src(%dma_wait3A_92 : memref<6144x2048xf32, #tpu.memory_space<hbm>>) dst(%dma_wait3A_86 : memref<8x2048xf32, #tpu.memory_space<vmem>>)
      %scan3A_95 = arith.constant 0 : i32
      %scan3A_96 = arith.constant 0 : i32
      %scan3A_97 = arith.constant 8 : i32
      %scan3A_98 = arith.addi %scan3A_96, %scan3A_97 : i32
      %scan3A_99 = arith.constant 1 : i32
      scf.for %scan3A_118 = %scan3A_96 to %scan3A_98 step %scan3A_99  : i32 {
        %get3A = arith.index_cast %rem3A_61 : i32 to index
        %get3A_119 = arith.index_cast %scan3A_118 : i32 to index
        %get3A_120 = arith.constant 0 : index
        %get3A_121 = tpu.vector_load %arg12[%get3A, %get3A_119, %get3A_120] {strides = array<i32>} : memref<2x8x16xf32, #tpu.memory_space<vmem>>, vector<1x1x16xf32>,
        %get3A_122 = vector.shape_cast %get3A_121 : vector<1x1x16xf32> to vector<16xf32>
        %get3A_123 = arith.index_cast %rem3A_61 : i32 to index
        %get3A_124 = arith.index_cast %scan3A_118 : i32 to index
        %get3A_125 = arith.constant 0 : index
        %get3A_126 = tpu.vector_load %arg13[%get3A_123, %get3A_124, %get3A_125] {strides = array<i32>} : memref<2x8x16xf32, #tpu.memory_space<vmem>>, vector<1x1x16xf32>,
        %get3A_127 = vector.shape_cast %get3A_126 : vector<1x1x16xf32> to vector<16xf32>
        %parallel_loop3A = arith.constant 0 : i32
        %parallel_loop3A_128 = arith.constant 2048 : i32
        %parallel_loop3A_129 = arith.constant 16 : i32
        scf.for %parallel_loop3A_130 = %parallel_loop3A to %parallel_loop3A_128 step %parallel_loop3A_129  : i32 {
          %parallel_loop3A_131 = tpu.assume_multiple %parallel_loop3A_130, 16 : i32
          %parallel_loop3A_132 = arith.index_cast %rem3A_61 : i32 to index
          %parallel_loop3A_133 = arith.index_cast %scan3A_118 : i32 to index
          %parallel_loop3A_134 = arith.index_cast %parallel_loop3A_131 : i32 to index
          %parallel_loop3A_135 = tpu.vector_load %arg8[%parallel_loop3A_132, %parallel_loop3A_133, %parallel_loop3A_134] {strides = array<i32>} : memref<2x8x2048xf32, #tpu.memory_space<vmem>>, vector<1x1x16xf32>,
          %parallel_loop3A_136 = vector.shape_cast %parallel_loop3A_135 : vector<1x1x16xf32> to vector<16xf32>
          %parallel_loop3A_137 = arith.mulf %get3A_122, %parallel_loop3A_136 : vector<16xf32>
          %parallel_loop3A_138 = arith.index_cast %rem3A_61 : i32 to index
          %parallel_loop3A_139 = arith.index_cast %scan3A_118 : i32 to index
          %parallel_loop3A_140 = arith.index_cast %parallel_loop3A_131 : i32 to index
          %parallel_loop3A_141 = tpu.vector_load %arg9[%parallel_loop3A_138, %parallel_loop3A_139, %parallel_loop3A_140] {strides = array<i32>} : memref<2x8x2048xf32, #tpu.memory_space<vmem>>, vector<1x1x16xf32>,
          %parallel_loop3A_142 = vector.shape_cast %parallel_loop3A_141 : vector<1x1x16xf32> to vector<16xf32>
          %parallel_loop3A_143 = arith.mulf %get3A_127, %parallel_loop3A_142 : vector<16xf32>
          %parallel_loop3A_144 = arith.addf %parallel_loop3A_137, %parallel_loop3A_143 : vector<16xf32>
          %parallel_loop3A_145 = arith.index_cast %rem3A_61 : i32 to index
          %parallel_loop3A_146 = arith.index_cast %scan3A_118 : i32 to index
          %parallel_loop3A_147 = arith.index_cast %parallel_loop3A_131 : i32 to index
          %parallel_loop3A_148 = tpu.vector_load %arg8[%parallel_loop3A_145, %parallel_loop3A_146, %parallel_loop3A_147] {strides = array<i32>} : memref<2x8x2048xf32, #tpu.memory_space<vmem>>, vector<1x1x16xf32>,
          %parallel_loop3A_149 = vector.shape_cast %parallel_loop3A_148 : vector<1x1x16xf32> to vector<16xf32>
          %parallel_loop3A_150 = vector.shape_cast %parallel_loop3A_144 : vector<16xf32> to vector<1x1x16xf32>
          tpu.vector_store %arg8[%parallel_loop3A_145, %parallel_loop3A_146, %parallel_loop3A_147], %parallel_loop3A_150 {strides = array<i32>} : memref<2x8x2048xf32, #tpu.memory_space<vmem>>, vector<1x1x16xf32>,
        } {sc.loop_unroll_factor = 8 : i64, sc.parallel_access}
      }
      %scan3A_100 = arith.constant 8 : i32
      %mul3A_101 = arith.constant 8 : i32
      %mul3A_102 = arith.muli %scan3A_59, %mul3A_101 : i32
      %add3A_103 = arith.addi %mul3A_2, %mul3A_102 : i32
      %dma_start3A_104 = arith.constant 0 : i32
      %dma_start3A_105 = arith.constant 0 : i32
      %dma_start3A_106 = tpu.memref_slice %arg8[%rem3A_61, %dma_start3A_104, %dma_start3A_105] : memref<2x8x2048xf32, #tpu.memory_space<vmem>> -> memref<1x8x2048xf32, #tpu.memory_space<vmem>>
      %dma_start3A_107 = tpu.memref_squeeze %dma_start3A_106 : memref<1x8x2048xf32, #tpu.memory_space<vmem>> -> memref<8x2048xf32, #tpu.memory_space<vmem>>
      %dma_start3A_108 = arith.constant 0 : i32
      %dma_start3A_109 = tpu.memref_slice %arg7[%add3A_103, %dma_start3A_108] : memref<2048x2048xf32, #tpu.memory_space<hbm>> -> memref<8x2048xf32, #tpu.memory_space<hbm>>
      %dma_start3A_110 = tpu.memref_slice %arg15[%rem3A_61] : memref<2x!tpu.dma_semaphore, #tpu.memory_space<semaphore_mem>> -> memref<1x!tpu.dma_semaphore, #tpu.memory_space<semaphore_mem>>
      %dma_start3A_111 = tpu.memref_squeeze %dma_start3A_110 : memref<1x!tpu.dma_semaphore, #tpu.memory_space<semaphore_mem>> -> memref<!tpu.dma_semaphore, #tpu.memory_space<semaphore_mem>>
      %dma_start3A_112 = arith.constant 0 : i32
      %dma_start3A_113 = tpu.memref_slice %arg7[%add3A_103, %dma_start3A_112] : memref<2048x2048xf32, #tpu.memory_space<hbm>> -> memref<8x2048xf32, #tpu.memory_space<hbm>>
      %dma_start3A_114 = arith.constant 0 : i32
      %dma_start3A_115 = arith.constant 0 : i32
      %dma_start3A_116 = tpu.memref_slice %arg8[%rem3A_61, %dma_start3A_114, %dma_start3A_115] : memref<2x8x2048xf32, #tpu.memory_space<vmem>> -> memref<1x8x2048xf32, #tpu.memory_space<vmem>>
      %dma_start3A_117 = tpu.memref_squeeze %dma_start3A_116 : memref<1x8x2048xf32, #tpu.memory_space<vmem>> -> memref<8x2048xf32, #tpu.memory_space<vmem>>
      tpu.enqueue_dma source(%dma_start3A_117 : memref<8x2048xf32, #tpu.memory_space<vmem>>) target(%dma_start3A_113 : memref<8x2048xf32, #tpu.memory_space<hbm>>) target_semaphore(%dma_start3A_111 : memref<!tpu.dma_semaphore, #tpu.memory_space<semaphore_mem>>)
    }
    %scan3A_41 = arith.constant 8 : i32
    %rem3A = arith.constant 7 : i32
    %rem3A_42 = arith.constant 2 : i32
    %rem3A_43 = arith.remsi %rem3A, %rem3A_42 : i32
    %add3A_44 = arith.constant 56 : i32
    %add3A_45 = arith.addi %mul3A_2, %add3A_44 : i32
    %dma_wait3A = arith.constant 0 : i32
    %dma_wait3A_46 = arith.constant 0 : i32
    %dma_wait3A_47 = tpu.memref_slice %arg8[%rem3A_43, %dma_wait3A, %dma_wait3A_46] : memref<2x8x2048xf32, #tpu.memory_space<vmem>> -> memref<1x8x2048xf32, #tpu.memory_space<vmem>>
    %dma_wait3A_48 = tpu.memref_squeeze %dma_wait3A_47 : memref<1x8x2048xf32, #tpu.memory_space<vmem>> -> memref<8x2048xf32, #tpu.memory_space<vmem>>
    %dma_wait3A_49 = arith.constant 0 : i32
    %dma_wait3A_50 = tpu.memref_slice %arg7[%add3A_45, %dma_wait3A_49] : memref<2048x2048xf32, #tpu.memory_space<hbm>> -> memref<8x2048xf32, #tpu.memory_space<hbm>>
    %dma_wait3A_51 = tpu.memref_slice %arg15[%rem3A_43] : memref<2x!tpu.dma_semaphore, #tpu.memory_space<semaphore_mem>> -> memref<1x!tpu.dma_semaphore, #tpu.memory_space<semaphore_mem>>
    %dma_wait3A_52 = tpu.memref_squeeze %dma_wait3A_51 : memref<1x!tpu.dma_semaphore, #tpu.memory_space<semaphore_mem>> -> memref<!tpu.dma_semaphore, #tpu.memory_space<semaphore_mem>>
    %dma_wait3A_53 = arith.constant 0 : i32
    %dma_wait3A_54 = tpu.memref_slice %arg7[%add3A_45, %dma_wait3A_53] : memref<2048x2048xf32, #tpu.memory_space<hbm>> -> memref<8x2048xf32, #tpu.memory_space<hbm>>
    %dma_wait3A_55 = arith.constant 0 : i32
    %dma_wait3A_56 = arith.constant 0 : i32
    %dma_wait3A_57 = tpu.memref_slice %arg8[%rem3A_43, %dma_wait3A_55, %dma_wait3A_56] : memref<2x8x2048xf32, #tpu.memory_space<vmem>> -> memref<1x8x2048xf32, #tpu.memory_space<vmem>>
    %dma_wait3A_58 = tpu.memref_squeeze %dma_wait3A_57 : memref<1x8x2048xf32, #tpu.memory_space<vmem>> -> memref<8x2048xf32, #tpu.memory_space<vmem>>
    tpu.wait_dma2 semaphore(%dma_wait3A_52 : memref<!tpu.dma_semaphore, #tpu.memory_space<semaphore_mem>>) src(%dma_wait3A_58 : memref<8x2048xf32, #tpu.memory_space<vmem>>) dst(%dma_wait3A_54 : memref<8x2048xf32, #tpu.memory_space<hbm>>)
    return
  }
}

#map = affine_map<(d0, d1) -> (0, 0)>
#map1 = affine_map<(d0, d1) -> (0)>
module attributes {stable_mosaic.version = 14 : i64} {
  func.func @dispatch(%arg0: i32, %arg1: i32, %arg2: memref<2048x2048xf32, #tpu.memory_space<hbm>>, %arg3: memref<2048xi32, #tpu.memory_space<hbm>>, %arg4: memref<2048xi32, #tpu.memory_space<hbm>>, %arg5: memref<6144x2048xf32, #tpu.memory_space<hbm>>, %arg6: memref<2x16x2048xf32, #tpu.memory_space<vmem>>, %arg7: memref<2x16xi32, #tpu.memory_space<vmem>>, %arg8: memref<2x16xi32, #tpu.memory_space<vmem>>, %arg9: memref<2x!tpu.dma_semaphore, #tpu.memory_space<semaphore_mem>>) attributes {dimension_semantics = [#tpu.dimension_semantics<core_parallel>, #tpu.dimension_semantics<subcore_parallel>], iteration_bounds = array<i64: 2, 16>, scalar_prefetch = 0 : i64, scratch_operands = 4 : i64, tpu.core_type = #tpu.core_type<sc_vector_subcore>, window_params = [{transform_indices = #map}, {transform_indices = #map1}, {transform_indices = #map1}, {transform_indices = #map}]} {
    %mul3A = arith.constant 2 : i32
    %mul3A_0 = arith.muli %arg1, %mul3A : i32
    %add3A = arith.addi %mul3A_0, %arg0 : i32
    %mul3A_1 = arith.constant 64 : i32
    %mul3A_2 = arith.muli %add3A, %mul3A_1 : i32
    %scan3A = arith.constant 0 : i32
    %scan3A_3 = arith.constant 0 : i32
    %scan3A_4 = arith.constant 4 : i32
    %scan3A_5 = arith.addi %scan3A_3, %scan3A_4 : i32
    %scan3A_6 = arith.constant 1 : i32
    scf.for %scan3A_67 = %scan3A_3 to %scan3A_5 step %scan3A_6  : i32 {
      %rem3A = arith.constant 2 : i32
      %rem3A_68 = arith.remsi %scan3A_67, %rem3A : i32
      %mul3A_69 = arith.constant 16 : i32
      %mul3A_70 = arith.muli %scan3A_67, %mul3A_69 : i32
      %add3A_71 = arith.addi %mul3A_2, %mul3A_70 : i32
      %ge3A = arith.constant 2 : i32
      %ge3A_72 = arith.cmpi sge, %scan3A_67, %ge3A : i32
      %convert_element_type3A = arith.extui %ge3A_72 : i1 to i32
      %cond3A = arith.constant 0 : i32
      %cond3A_73 = arith.cmpi ne, %convert_element_type3A, %cond3A : i32
      scf.if %cond3A_73 {
        %dma_wait3A_97 = arith.constant 0 : i32
        %dma_wait3A_98 = arith.constant 0 : i32
        %dma_wait3A_99 = tpu.memref_slice %arg6[%rem3A_68, %dma_wait3A_97, %dma_wait3A_98] : memref<2x16x2048xf32, #tpu.memory_space<vmem>> -> memref<1x16x2048xf32, #tpu.memory_space<vmem>>
        %dma_wait3A_100 = tpu.memref_squeeze %dma_wait3A_99 : memref<1x16x2048xf32, #tpu.memory_space<vmem>> -> memref<16x2048xf32, #tpu.memory_space<vmem>>
        %dma_wait3A_101 = arith.constant 0 : i32
        %dma_wait3A_102 = tpu.memref_slice %arg7[%rem3A_68, %dma_wait3A_101] : memref<2x16xi32, #tpu.memory_space<vmem>> -> memref<1x16xi32, #tpu.memory_space<vmem>>
        %dma_wait3A_103 = tpu.memref_squeeze %dma_wait3A_102 : memref<1x16xi32, #tpu.memory_space<vmem>> -> memref<16xi32, #tpu.memory_space<vmem>>
        %dma_wait3A_104 = arith.constant 0 : i32
        %dma_wait3A_105 = arith.constant 0 : i32
        %dma_wait3A_106 = tpu.memref_slice %arg5[%dma_wait3A_104, %dma_wait3A_105] : memref<6144x2048xf32, #tpu.memory_space<hbm>> -> memref<6144x2048xf32, #tpu.memory_space<hbm>>
        %dma_wait3A_107 = tpu.memref_slice %arg9[%rem3A_68] : memref<2x!tpu.dma_semaphore, #tpu.memory_space<semaphore_mem>> -> memref<1x!tpu.dma_semaphore, #tpu.memory_space<semaphore_mem>>
        %dma_wait3A_108 = tpu.memref_squeeze %dma_wait3A_107 : memref<1x!tpu.dma_semaphore, #tpu.memory_space<semaphore_mem>> -> memref<!tpu.dma_semaphore, #tpu.memory_space<semaphore_mem>>
        tpu.wait_indirect_dma semaphore(%dma_wait3A_108 : memref<!tpu.dma_semaphore, #tpu.memory_space<semaphore_mem>>) src(%dma_wait3A_100 : memref<16x2048xf32, #tpu.memory_space<vmem>>) dst(%dma_wait3A_106 : memref<6144x2048xf32, #tpu.memory_space<hbm>>)
        %dma_wait3A_109 = arith.constant 0 : i32
        %dma_wait3A_110 = arith.constant 0 : i32
        %dma_wait3A_111 = tpu.memref_slice %arg6[%rem3A_68, %dma_wait3A_109, %dma_wait3A_110] : memref<2x16x2048xf32, #tpu.memory_space<vmem>> -> memref<1x16x2048xf32, #tpu.memory_space<vmem>>
        %dma_wait3A_112 = tpu.memref_squeeze %dma_wait3A_111 : memref<1x16x2048xf32, #tpu.memory_space<vmem>> -> memref<16x2048xf32, #tpu.memory_space<vmem>>
        %dma_wait3A_113 = arith.constant 0 : i32
        %dma_wait3A_114 = tpu.memref_slice %arg8[%rem3A_68, %dma_wait3A_113] : memref<2x16xi32, #tpu.memory_space<vmem>> -> memref<1x16xi32, #tpu.memory_space<vmem>>
        %dma_wait3A_115 = tpu.memref_squeeze %dma_wait3A_114 : memref<1x16xi32, #tpu.memory_space<vmem>> -> memref<16xi32, #tpu.memory_space<vmem>>
        %dma_wait3A_116 = arith.constant 0 : i32
        %dma_wait3A_117 = arith.constant 0 : i32
        %dma_wait3A_118 = tpu.memref_slice %arg5[%dma_wait3A_116, %dma_wait3A_117] : memref<6144x2048xf32, #tpu.memory_space<hbm>> -> memref<6144x2048xf32, #tpu.memory_space<hbm>>
        %dma_wait3A_119 = tpu.memref_slice %arg9[%rem3A_68] : memref<2x!tpu.dma_semaphore, #tpu.memory_space<semaphore_mem>> -> memref<1x!tpu.dma_semaphore, #tpu.memory_space<semaphore_mem>>
        %dma_wait3A_120 = tpu.memref_squeeze %dma_wait3A_119 : memref<1x!tpu.dma_semaphore, #tpu.memory_space<semaphore_mem>> -> memref<!tpu.dma_semaphore, #tpu.memory_space<semaphore_mem>>
        tpu.wait_indirect_dma semaphore(%dma_wait3A_120 : memref<!tpu.dma_semaphore, #tpu.memory_space<semaphore_mem>>) src(%dma_wait3A_112 : memref<16x2048xf32, #tpu.memory_space<vmem>>) dst(%dma_wait3A_118 : memref<6144x2048xf32, #tpu.memory_space<hbm>>)
      } else {
      }
      "tpu.region"() ({
        %run_scoped3A = tpu.sem_alloc : memref<!tpu.dma_semaphore, #tpu.memory_space<semaphore_mem>>
        %dma_start3A_97 = arith.constant 0 : i32
        %dma_start3A_98 = arith.constant 0 : i32
        %dma_start3A_99 = tpu.memref_slice %arg6[%rem3A_68, %dma_start3A_97, %dma_start3A_98] : memref<2x16x2048xf32, #tpu.memory_space<vmem>> -> memref<1x16x2048xf32, #tpu.memory_space<vmem>>
        %dma_start3A_100 = tpu.memref_squeeze %dma_start3A_99 : memref<1x16x2048xf32, #tpu.memory_space<vmem>> -> memref<16x2048xf32, #tpu.memory_space<vmem>>
        %dma_start3A_101 = arith.constant 0 : i32
        %dma_start3A_102 = tpu.memref_slice %arg2[%add3A_71, %dma_start3A_101] : memref<2048x2048xf32, #tpu.memory_space<hbm>> -> memref<16x2048xf32, #tpu.memory_space<hbm>>
        %dma_start3A_103 = arith.constant 0 : i32
        %dma_start3A_104 = arith.constant 0 : i32
        %dma_start3A_105 = tpu.memref_slice %arg6[%rem3A_68, %dma_start3A_103, %dma_start3A_104] : memref<2x16x2048xf32, #tpu.memory_space<vmem>> -> memref<1x16x2048xf32, #tpu.memory_space<vmem>>
        %dma_start3A_106 = tpu.memref_squeeze %dma_start3A_105 : memref<1x16x2048xf32, #tpu.memory_space<vmem>> -> memref<16x2048xf32, #tpu.memory_space<vmem>>
        %dma_start3A_107 = arith.constant 0 : i32
        %dma_start3A_108 = tpu.memref_slice %arg2[%add3A_71, %dma_start3A_107] : memref<2048x2048xf32, #tpu.memory_space<hbm>> -> memref<16x2048xf32, #tpu.memory_space<hbm>>
        tpu.enqueue_dma source(%dma_start3A_108 : memref<16x2048xf32, #tpu.memory_space<hbm>>) target(%dma_start3A_106 : memref<16x2048xf32, #tpu.memory_space<vmem>>) target_semaphore(%run_scoped3A : memref<!tpu.dma_semaphore, #tpu.memory_space<semaphore_mem>>)
        %dma_wait3A_109 = arith.constant 0 : i32
        %dma_wait3A_110 = arith.constant 0 : i32
        %dma_wait3A_111 = tpu.memref_slice %arg6[%rem3A_68, %dma_wait3A_109, %dma_wait3A_110] : memref<2x16x2048xf32, #tpu.memory_space<vmem>> -> memref<1x16x2048xf32, #tpu.memory_space<vmem>>
        %dma_wait3A_112 = tpu.memref_squeeze %dma_wait3A_111 : memref<1x16x2048xf32, #tpu.memory_space<vmem>> -> memref<16x2048xf32, #tpu.memory_space<vmem>>
        %dma_wait3A_113 = arith.constant 0 : i32
        %dma_wait3A_114 = tpu.memref_slice %arg2[%add3A_71, %dma_wait3A_113] : memref<2048x2048xf32, #tpu.memory_space<hbm>> -> memref<16x2048xf32, #tpu.memory_space<hbm>>
        %dma_wait3A_115 = arith.constant 0 : i32
        %dma_wait3A_116 = arith.constant 0 : i32
        %dma_wait3A_117 = tpu.memref_slice %arg6[%rem3A_68, %dma_wait3A_115, %dma_wait3A_116] : memref<2x16x2048xf32, #tpu.memory_space<vmem>> -> memref<1x16x2048xf32, #tpu.memory_space<vmem>>
        %dma_wait3A_118 = tpu.memref_squeeze %dma_wait3A_117 : memref<1x16x2048xf32, #tpu.memory_space<vmem>> -> memref<16x2048xf32, #tpu.memory_space<vmem>>
        %dma_wait3A_119 = arith.constant 0 : i32
        %dma_wait3A_120 = tpu.memref_slice %arg2[%add3A_71, %dma_wait3A_119] : memref<2048x2048xf32, #tpu.memory_space<hbm>> -> memref<16x2048xf32, #tpu.memory_space<hbm>>
        tpu.wait_dma2 semaphore(%run_scoped3A : memref<!tpu.dma_semaphore, #tpu.memory_space<semaphore_mem>>) src(%dma_wait3A_120 : memref<16x2048xf32, #tpu.memory_space<hbm>>) dst(%dma_wait3A_118 : memref<16x2048xf32, #tpu.memory_space<vmem>>)
        tpu.yield
      }) : () -> ()
      "tpu.region"() ({
        %run_scoped3A = tpu.sem_alloc : memref<!tpu.dma_semaphore, #tpu.memory_space<semaphore_mem>>
        %dma_start3A_97 = arith.constant 0 : i32
        %dma_start3A_98 = tpu.memref_slice %arg7[%rem3A_68, %dma_start3A_97] : memref<2x16xi32, #tpu.memory_space<vmem>> -> memref<1x16xi32, #tpu.memory_space<vmem>>
        %dma_start3A_99 = tpu.memref_squeeze %dma_start3A_98 : memref<1x16xi32, #tpu.memory_space<vmem>> -> memref<16xi32, #tpu.memory_space<vmem>>
        %dma_start3A_100 = tpu.memref_slice %arg3[%add3A_71] : memref<2048xi32, #tpu.memory_space<hbm>> -> memref<16xi32, #tpu.memory_space<hbm>>
        %dma_start3A_101 = arith.constant 0 : i32
        %dma_start3A_102 = tpu.memref_slice %arg7[%rem3A_68, %dma_start3A_101] : memref<2x16xi32, #tpu.memory_space<vmem>> -> memref<1x16xi32, #tpu.memory_space<vmem>>
        %dma_start3A_103 = tpu.memref_squeeze %dma_start3A_102 : memref<1x16xi32, #tpu.memory_space<vmem>> -> memref<16xi32, #tpu.memory_space<vmem>>
        %dma_start3A_104 = tpu.memref_slice %arg3[%add3A_71] : memref<2048xi32, #tpu.memory_space<hbm>> -> memref<16xi32, #tpu.memory_space<hbm>>
        tpu.enqueue_dma source(%dma_start3A_104 : memref<16xi32, #tpu.memory_space<hbm>>) target(%dma_start3A_103 : memref<16xi32, #tpu.memory_space<vmem>>) target_semaphore(%run_scoped3A : memref<!tpu.dma_semaphore, #tpu.memory_space<semaphore_mem>>)
        %dma_wait3A_105 = arith.constant 0 : i32
        %dma_wait3A_106 = tpu.memref_slice %arg7[%rem3A_68, %dma_wait3A_105] : memref<2x16xi32, #tpu.memory_space<vmem>> -> memref<1x16xi32, #tpu.memory_space<vmem>>
        %dma_wait3A_107 = tpu.memref_squeeze %dma_wait3A_106 : memref<1x16xi32, #tpu.memory_space<vmem>> -> memref<16xi32, #tpu.memory_space<vmem>>
        %dma_wait3A_108 = tpu.memref_slice %arg3[%add3A_71] : memref<2048xi32, #tpu.memory_space<hbm>> -> memref<16xi32, #tpu.memory_space<hbm>>
        %dma_wait3A_109 = arith.constant 0 : i32
        %dma_wait3A_110 = tpu.memref_slice %arg7[%rem3A_68, %dma_wait3A_109] : memref<2x16xi32, #tpu.memory_space<vmem>> -> memref<1x16xi32, #tpu.memory_space<vmem>>
        %dma_wait3A_111 = tpu.memref_squeeze %dma_wait3A_110 : memref<1x16xi32, #tpu.memory_space<vmem>> -> memref<16xi32, #tpu.memory_space<vmem>>
        %dma_wait3A_112 = tpu.memref_slice %arg3[%add3A_71] : memref<2048xi32, #tpu.memory_space<hbm>> -> memref<16xi32, #tpu.memory_space<hbm>>
        tpu.wait_dma2 semaphore(%run_scoped3A : memref<!tpu.dma_semaphore, #tpu.memory_space<semaphore_mem>>) src(%dma_wait3A_112 : memref<16xi32, #tpu.memory_space<hbm>>) dst(%dma_wait3A_111 : memref<16xi32, #tpu.memory_space<vmem>>)
        tpu.yield
      }) : () -> ()
      "tpu.region"() ({
        %run_scoped3A = tpu.sem_alloc : memref<!tpu.dma_semaphore, #tpu.memory_space<semaphore_mem>>
        %dma_start3A_97 = arith.constant 0 : i32
        %dma_start3A_98 = tpu.memref_slice %arg8[%rem3A_68, %dma_start3A_97] : memref<2x16xi32, #tpu.memory_space<vmem>> -> memref<1x16xi32, #tpu.memory_space<vmem>>
        %dma_start3A_99 = tpu.memref_squeeze %dma_start3A_98 : memref<1x16xi32, #tpu.memory_space<vmem>> -> memref<16xi32, #tpu.memory_space<vmem>>
        %dma_start3A_100 = tpu.memref_slice %arg4[%add3A_71] : memref<2048xi32, #tpu.memory_space<hbm>> -> memref<16xi32, #tpu.memory_space<hbm>>
        %dma_start3A_101 = arith.constant 0 : i32
        %dma_start3A_102 = tpu.memref_slice %arg8[%rem3A_68, %dma_start3A_101] : memref<2x16xi32, #tpu.memory_space<vmem>> -> memref<1x16xi32, #tpu.memory_space<vmem>>
        %dma_start3A_103 = tpu.memref_squeeze %dma_start3A_102 : memref<1x16xi32, #tpu.memory_space<vmem>> -> memref<16xi32, #tpu.memory_space<vmem>>
        %dma_start3A_104 = tpu.memref_slice %arg4[%add3A_71] : memref<2048xi32, #tpu.memory_space<hbm>> -> memref<16xi32, #tpu.memory_space<hbm>>
        tpu.enqueue_dma source(%dma_start3A_104 : memref<16xi32, #tpu.memory_space<hbm>>) target(%dma_start3A_103 : memref<16xi32, #tpu.memory_space<vmem>>) target_semaphore(%run_scoped3A : memref<!tpu.dma_semaphore, #tpu.memory_space<semaphore_mem>>)
        %dma_wait3A_105 = arith.constant 0 : i32
        %dma_wait3A_106 = tpu.memref_slice %arg8[%rem3A_68, %dma_wait3A_105] : memref<2x16xi32, #tpu.memory_space<vmem>> -> memref<1x16xi32, #tpu.memory_space<vmem>>
        %dma_wait3A_107 = tpu.memref_squeeze %dma_wait3A_106 : memref<1x16xi32, #tpu.memory_space<vmem>> -> memref<16xi32, #tpu.memory_space<vmem>>
        %dma_wait3A_108 = tpu.memref_slice %arg4[%add3A_71] : memref<2048xi32, #tpu.memory_space<hbm>> -> memref<16xi32, #tpu.memory_space<hbm>>
        %dma_wait3A_109 = arith.constant 0 : i32
        %dma_wait3A_110 = tpu.memref_slice %arg8[%rem3A_68, %dma_wait3A_109] : memref<2x16xi32, #tpu.memory_space<vmem>> -> memref<1x16xi32, #tpu.memory_space<vmem>>
        %dma_wait3A_111 = tpu.memref_squeeze %dma_wait3A_110 : memref<1x16xi32, #tpu.memory_space<vmem>> -> memref<16xi32, #tpu.memory_space<vmem>>
        %dma_wait3A_112 = tpu.memref_slice %arg4[%add3A_71] : memref<2048xi32, #tpu.memory_space<hbm>> -> memref<16xi32, #tpu.memory_space<hbm>>
        tpu.wait_dma2 semaphore(%run_scoped3A : memref<!tpu.dma_semaphore, #tpu.memory_space<semaphore_mem>>) src(%dma_wait3A_112 : memref<16xi32, #tpu.memory_space<hbm>>) dst(%dma_wait3A_111 : memref<16xi32, #tpu.memory_space<vmem>>)
        tpu.yield
      }) : () -> ()
      %dma_start3A = arith.constant 0 : i32
      %dma_start3A_74 = arith.constant 0 : i32
      %dma_start3A_75 = tpu.memref_slice %arg6[%rem3A_68, %dma_start3A, %dma_start3A_74] : memref<2x16x2048xf32, #tpu.memory_space<vmem>> -> memref<1x16x2048xf32, #tpu.memory_space<vmem>>
      %dma_start3A_76 = tpu.memref_squeeze %dma_start3A_75 : memref<1x16x2048xf32, #tpu.memory_space<vmem>> -> memref<16x2048xf32, #tpu.memory_space<vmem>>
      %dma_start3A_77 = arith.constant 0 : i32
      %dma_start3A_78 = tpu.memref_slice %arg7[%rem3A_68, %dma_start3A_77] : memref<2x16xi32, #tpu.memory_space<vmem>> -> memref<1x16xi32, #tpu.memory_space<vmem>>
      %dma_start3A_79 = tpu.memref_squeeze %dma_start3A_78 : memref<1x16xi32, #tpu.memory_space<vmem>> -> memref<16xi32, #tpu.memory_space<vmem>>
      %dma_start3A_80 = arith.constant 0 : i32
      %dma_start3A_81 = arith.constant 0 : i32
      %dma_start3A_82 = tpu.memref_slice %arg5[%dma_start3A_80, %dma_start3A_81] : memref<6144x2048xf32, #tpu.memory_space<hbm>> -> memref<6144x2048xf32, #tpu.memory_space<hbm>>
      %dma_start3A_83 = tpu.memref_slice %arg9[%rem3A_68] : memref<2x!tpu.dma_semaphore, #tpu.memory_space<semaphore_mem>> -> memref<1x!tpu.dma_semaphore, #tpu.memory_space<semaphore_mem>>
      %dma_start3A_84 = tpu.memref_squeeze %dma_start3A_83 : memref<1x!tpu.dma_semaphore, #tpu.memory_space<semaphore_mem>> -> memref<!tpu.dma_semaphore, #tpu.memory_space<semaphore_mem>>
      tpu.enqueue_indirect_dma source(%dma_start3A_76 : memref<16x2048xf32, #tpu.memory_space<vmem>>) target(%dma_start3A_82 : memref<6144x2048xf32, #tpu.memory_space<hbm>>) offsets(%dma_start3A_79 : memref<16xi32, #tpu.memory_space<vmem>>) semaphore(%dma_start3A_84 : memref<!tpu.dma_semaphore, #tpu.memory_space<semaphore_mem>>)
      %dma_start3A_85 = arith.constant 0 : i32
      %dma_start3A_86 = arith.constant 0 : i32
      %dma_start3A_87 = tpu.memref_slice %arg6[%rem3A_68, %dma_start3A_85, %dma_start3A_86] : memref<2x16x2048xf32, #tpu.memory_space<vmem>> -> memref<1x16x2048xf32, #tpu.memory_space<vmem>>
      %dma_start3A_88 = tpu.memref_squeeze %dma_start3A_87 : memref<1x16x2048xf32, #tpu.memory_space<vmem>> -> memref<16x2048xf32, #tpu.memory_space<vmem>>
      %dma_start3A_89 = arith.constant 0 : i32
      %dma_start3A_90 = tpu.memref_slice %arg8[%rem3A_68, %dma_start3A_89] : memref<2x16xi32, #tpu.memory_space<vmem>> -> memref<1x16xi32, #tpu.memory_space<vmem>>
      %dma_start3A_91 = tpu.memref_squeeze %dma_start3A_90 : memref<1x16xi32, #tpu.memory_space<vmem>> -> memref<16xi32, #tpu.memory_space<vmem>>
      %dma_start3A_92 = arith.constant 0 : i32
      %dma_start3A_93 = arith.constant 0 : i32
      %dma_start3A_94 = tpu.memref_slice %arg5[%dma_start3A_92, %dma_start3A_93] : memref<6144x2048xf32, #tpu.memory_space<hbm>> -> memref<6144x2048xf32, #tpu.memory_space<hbm>>
      %dma_start3A_95 = tpu.memref_slice %arg9[%rem3A_68] : memref<2x!tpu.dma_semaphore, #tpu.memory_space<semaphore_mem>> -> memref<1x!tpu.dma_semaphore, #tpu.memory_space<semaphore_mem>>
      %dma_start3A_96 = tpu.memref_squeeze %dma_start3A_95 : memref<1x!tpu.dma_semaphore, #tpu.memory_space<semaphore_mem>> -> memref<!tpu.dma_semaphore, #tpu.memory_space<semaphore_mem>>
      tpu.enqueue_indirect_dma source(%dma_start3A_88 : memref<16x2048xf32, #tpu.memory_space<vmem>>) target(%dma_start3A_94 : memref<6144x2048xf32, #tpu.memory_space<hbm>>) offsets(%dma_start3A_91 : memref<16xi32, #tpu.memory_space<vmem>>) semaphore(%dma_start3A_96 : memref<!tpu.dma_semaphore, #tpu.memory_space<semaphore_mem>>)
    }
    %scan3A_7 = arith.constant 4 : i32
    %dma_wait3A = arith.constant 0 : i32
    %dma_wait3A_8 = arith.constant 0 : i32
    %dma_wait3A_9 = arith.constant 0 : i32
    %dma_wait3A_10 = arith.constant 0 : i32
    %dma_wait3A_11 = arith.constant 0 : i32
    %dma_wait3A_12 = tpu.memref_slice %arg6[%dma_wait3A, %dma_wait3A_10, %dma_wait3A_11] : memref<2x16x2048xf32, #tpu.memory_space<vmem>> -> memref<1x16x2048xf32, #tpu.memory_space<vmem>>
    %dma_wait3A_13 = tpu.memref_squeeze %dma_wait3A_12 : memref<1x16x2048xf32, #tpu.memory_space<vmem>> -> memref<16x2048xf32, #tpu.memory_space<vmem>>
    %dma_wait3A_14 = arith.constant 0 : i32
    %dma_wait3A_15 = tpu.memref_slice %arg7[%dma_wait3A_8, %dma_wait3A_14] : memref<2x16xi32, #tpu.memory_space<vmem>> -> memref<1x16xi32, #tpu.memory_space<vmem>>
    %dma_wait3A_16 = tpu.memref_squeeze %dma_wait3A_15 : memref<1x16xi32, #tpu.memory_space<vmem>> -> memref<16xi32, #tpu.memory_space<vmem>>
    %dma_wait3A_17 = arith.constant 0 : i32
    %dma_wait3A_18 = arith.constant 0 : i32
    %dma_wait3A_19 = tpu.memref_slice %arg5[%dma_wait3A_17, %dma_wait3A_18] : memref<6144x2048xf32, #tpu.memory_space<hbm>> -> memref<6144x2048xf32, #tpu.memory_space<hbm>>
    %dma_wait3A_20 = tpu.memref_slice %arg9[%dma_wait3A_9] : memref<2x!tpu.dma_semaphore, #tpu.memory_space<semaphore_mem>> -> memref<1x!tpu.dma_semaphore, #tpu.memory_space<semaphore_mem>>
    %dma_wait3A_21 = tpu.memref_squeeze %dma_wait3A_20 : memref<1x!tpu.dma_semaphore, #tpu.memory_space<semaphore_mem>> -> memref<!tpu.dma_semaphore, #tpu.memory_space<semaphore_mem>>
    tpu.wait_indirect_dma semaphore(%dma_wait3A_21 : memref<!tpu.dma_semaphore, #tpu.memory_space<semaphore_mem>>) src(%dma_wait3A_13 : memref<16x2048xf32, #tpu.memory_space<vmem>>) dst(%dma_wait3A_19 : memref<6144x2048xf32, #tpu.memory_space<hbm>>)
    %dma_wait3A_22 = arith.constant 0 : i32
    %dma_wait3A_23 = arith.constant 0 : i32
    %dma_wait3A_24 = arith.constant 0 : i32
    %dma_wait3A_25 = arith.constant 0 : i32
    %dma_wait3A_26 = arith.constant 0 : i32
    %dma_wait3A_27 = tpu.memref_slice %arg6[%dma_wait3A_22, %dma_wait3A_25, %dma_wait3A_26] : memref<2x16x2048xf32, #tpu.memory_space<vmem>> -> memref<1x16x2048xf32, #tpu.memory_space<vmem>>
    %dma_wait3A_28 = tpu.memref_squeeze %dma_wait3A_27 : memref<1x16x2048xf32, #tpu.memory_space<vmem>> -> memref<16x2048xf32, #tpu.memory_space<vmem>>
    %dma_wait3A_29 = arith.constant 0 : i32
    %dma_wait3A_30 = tpu.memref_slice %arg8[%dma_wait3A_23, %dma_wait3A_29] : memref<2x16xi32, #tpu.memory_space<vmem>> -> memref<1x16xi32, #tpu.memory_space<vmem>>
    %dma_wait3A_31 = tpu.memref_squeeze %dma_wait3A_30 : memref<1x16xi32, #tpu.memory_space<vmem>> -> memref<16xi32, #tpu.memory_space<vmem>>
    %dma_wait3A_32 = arith.constant 0 : i32
    %dma_wait3A_33 = arith.constant 0 : i32
    %dma_wait3A_34 = tpu.memref_slice %arg5[%dma_wait3A_32, %dma_wait3A_33] : memref<6144x2048xf32, #tpu.memory_space<hbm>> -> memref<6144x2048xf32, #tpu.memory_space<hbm>>
    %dma_wait3A_35 = tpu.memref_slice %arg9[%dma_wait3A_24] : memref<2x!tpu.dma_semaphore, #tpu.memory_space<semaphore_mem>> -> memref<1x!tpu.dma_semaphore, #tpu.memory_space<semaphore_mem>>
    %dma_wait3A_36 = tpu.memref_squeeze %dma_wait3A_35 : memref<1x!tpu.dma_semaphore, #tpu.memory_space<semaphore_mem>> -> memref<!tpu.dma_semaphore, #tpu.memory_space<semaphore_mem>>
    tpu.wait_indirect_dma semaphore(%dma_wait3A_36 : memref<!tpu.dma_semaphore, #tpu.memory_space<semaphore_mem>>) src(%dma_wait3A_28 : memref<16x2048xf32, #tpu.memory_space<vmem>>) dst(%dma_wait3A_34 : memref<6144x2048xf32, #tpu.memory_space<hbm>>)
    %dma_wait3A_37 = arith.constant 1 : i32
    %dma_wait3A_38 = arith.constant 1 : i32
    %dma_wait3A_39 = arith.constant 1 : i32
    %dma_wait3A_40 = arith.constant 0 : i32
    %dma_wait3A_41 = arith.constant 0 : i32
    %dma_wait3A_42 = tpu.memref_slice %arg6[%dma_wait3A_37, %dma_wait3A_40, %dma_wait3A_41] : memref<2x16x2048xf32, #tpu.memory_space<vmem>> -> memref<1x16x2048xf32, #tpu.memory_space<vmem>>
    %dma_wait3A_43 = tpu.memref_squeeze %dma_wait3A_42 : memref<1x16x2048xf32, #tpu.memory_space<vmem>> -> memref<16x2048xf32, #tpu.memory_space<vmem>>
    %dma_wait3A_44 = arith.constant 0 : i32
    %dma_wait3A_45 = tpu.memref_slice %arg7[%dma_wait3A_38, %dma_wait3A_44] : memref<2x16xi32, #tpu.memory_space<vmem>> -> memref<1x16xi32, #tpu.memory_space<vmem>>
    %dma_wait3A_46 = tpu.memref_squeeze %dma_wait3A_45 : memref<1x16xi32, #tpu.memory_space<vmem>> -> memref<16xi32, #tpu.memory_space<vmem>>
    %dma_wait3A_47 = arith.constant 0 : i32
    %dma_wait3A_48 = arith.constant 0 : i32
    %dma_wait3A_49 = tpu.memref_slice %arg5[%dma_wait3A_47, %dma_wait3A_48] : memref<6144x2048xf32, #tpu.memory_space<hbm>> -> memref<6144x2048xf32, #tpu.memory_space<hbm>>
    %dma_wait3A_50 = tpu.memref_slice %arg9[%dma_wait3A_39] : memref<2x!tpu.dma_semaphore, #tpu.memory_space<semaphore_mem>> -> memref<1x!tpu.dma_semaphore, #tpu.memory_space<semaphore_mem>>
    %dma_wait3A_51 = tpu.memref_squeeze %dma_wait3A_50 : memref<1x!tpu.dma_semaphore, #tpu.memory_space<semaphore_mem>> -> memref<!tpu.dma_semaphore, #tpu.memory_space<semaphore_mem>>
    tpu.wait_indirect_dma semaphore(%dma_wait3A_51 : memref<!tpu.dma_semaphore, #tpu.memory_space<semaphore_mem>>) src(%dma_wait3A_43 : memref<16x2048xf32, #tpu.memory_space<vmem>>) dst(%dma_wait3A_49 : memref<6144x2048xf32, #tpu.memory_space<hbm>>)
    %dma_wait3A_52 = arith.constant 1 : i32
    %dma_wait3A_53 = arith.constant 1 : i32
    %dma_wait3A_54 = arith.constant 1 : i32
    %dma_wait3A_55 = arith.constant 0 : i32
    %dma_wait3A_56 = arith.constant 0 : i32
    %dma_wait3A_57 = tpu.memref_slice %arg6[%dma_wait3A_52, %dma_wait3A_55, %dma_wait3A_56] : memref<2x16x2048xf32, #tpu.memory_space<vmem>> -> memref<1x16x2048xf32, #tpu.memory_space<vmem>>
    %dma_wait3A_58 = tpu.memref_squeeze %dma_wait3A_57 : memref<1x16x2048xf32, #tpu.memory_space<vmem>> -> memref<16x2048xf32, #tpu.memory_space<vmem>>
    %dma_wait3A_59 = arith.constant 0 : i32
    %dma_wait3A_60 = tpu.memref_slice %arg8[%dma_wait3A_53, %dma_wait3A_59] : memref<2x16xi32, #tpu.memory_space<vmem>> -> memref<1x16xi32, #tpu.memory_space<vmem>>
    %dma_wait3A_61 = tpu.memref_squeeze %dma_wait3A_60 : memref<1x16xi32, #tpu.memory_space<vmem>> -> memref<16xi32, #tpu.memory_space<vmem>>
    %dma_wait3A_62 = arith.constant 0 : i32
    %dma_wait3A_63 = arith.constant 0 : i32
    %dma_wait3A_64 = tpu.memref_slice %arg5[%dma_wait3A_62, %dma_wait3A_63] : memref<6144x2048xf32, #tpu.memory_space<hbm>> -> memref<6144x2048xf32, #tpu.memory_space<hbm>>
    %dma_wait3A_65 = tpu.memref_slice %arg9[%dma_wait3A_54] : memref<2x!tpu.dma_semaphore, #tpu.memory_space<semaphore_mem>> -> memref<1x!tpu.dma_semaphore, #tpu.memory_space<semaphore_mem>>
    %dma_wait3A_66 = tpu.memref_squeeze %dma_wait3A_65 : memref<1x!tpu.dma_semaphore, #tpu.memory_space<semaphore_mem>> -> memref<!tpu.dma_semaphore, #tpu.memory_space<semaphore_mem>>
    tpu.wait_indirect_dma semaphore(%dma_wait3A_66 : memref<!tpu.dma_semaphore, #tpu.memory_space<semaphore_mem>>) src(%dma_wait3A_58 : memref<16x2048xf32, #tpu.memory_space<vmem>>) dst(%dma_wait3A_64 : memref<6144x2048xf32, #tpu.memory_space<hbm>>)
    return
  }
}

module attributes {stable_mosaic.version = 14 : i64} {
  func.func @_gmm_body(%arg0: i32, %arg1: memref<24xi32, #tpu.memory_space<smem>>, %arg2: memref<24xi32, #tpu.memory_space<smem>>, %arg3: memref<24xi32, #tpu.memory_space<smem>>, %arg4: memref<24xi32, #tpu.memory_space<smem>>, %arg5: memref<256x2048xf32, #tpu.memory_space<vmem>>, %arg6: memref<8x1024x2048xf32, #tpu.memory_space<any>>, %arg7: memref<8x2048x1024xf32, #tpu.memory_space<any>>, %arg8: memref<8x1024x2048xf32, #tpu.memory_space<any>>, %arg9: memref<256x2048xf32, #tpu.memory_space<vmem>>, %arg10: memref<2x1024x2048xf32, #tpu.memory_space<vmem>>, %arg11: memref<2x2048x1024xf32, #tpu.memory_space<vmem>>, %arg12: memref<2x1024x2048xf32, #tpu.memory_space<vmem>>, %arg13: memref<3x4x2x!tpu.dma_semaphore, #tpu.memory_space<semaphore_mem>>) attributes {dimension_semantics = [#tpu.dimension_semantics<arbitrary>], iteration_bounds = array<i64: 24>, scalar_prefetch = 4 : i64, scratch_operands = 4 : i64, tpu.core_type = #tpu.core_type<tc>, window_params = [{transform_indices = @transform_0, window_bounds = array<i64: 256, 2048>}, {}, {}, {}, {transform_indices = @transform_4, window_bounds = array<i64: 256, 2048>}]} {
    %get3A = arith.index_cast %arg0 : i32 to index
    %get3A_0 = memref.load %arg1[%get3A] : memref<24xi32, #tpu.memory_space<smem>>
    %get3A_1 = arith.index_cast %arg0 : i32 to index
    %get3A_2 = memref.load %arg4[%get3A_1] : memref<24xi32, #tpu.memory_space<smem>>
    %eq3A = arith.constant 0 : i32
    %eq3A_3 = arith.cmpi eq, %arg0, %eq3A : i32
    %convert_element_type3A = arith.extui %eq3A_3 : i1 to i32
    %cond3A = arith.constant 0 : i32
    %cond3A_4 = arith.cmpi ne, %convert_element_type3A, %cond3A : i32
    scf.if %cond3A_4 {
      %dma_start3A = arith.constant 0 : i32
      %dma_start3A_18 = arith.constant 0 : i32
      %dma_start3A_19 = tpu.memref_slice %arg13[%dma_start3A, %dma_start3A_18, %get3A_2] : memref<3x4x2x!tpu.dma_semaphore, #tpu.memory_space<semaphore_mem>> -> memref<1x1x1x!tpu.dma_semaphore, #tpu.memory_space<semaphore_mem>>
      %dma_start3A_20 = tpu.memref_squeeze %dma_start3A_19 : memref<1x1x1x!tpu.dma_semaphore, #tpu.memory_space<semaphore_mem>> -> memref<!tpu.dma_semaphore, #tpu.memory_space<semaphore_mem>>
      %dma_start3A_21 = arith.constant 0 : i32
      %dma_start3A_22 = arith.constant 0 : i32
      %dma_start3A_23 = tpu.memref_slice %arg10[%get3A_2, %dma_start3A_21, %dma_start3A_22] : memref<2x1024x2048xf32, #tpu.memory_space<vmem>> -> memref<1x256x2048xf32, #tpu.memory_space<vmem>>
      %dma_start3A_24 = tpu.memref_squeeze %dma_start3A_23 : memref<1x256x2048xf32, #tpu.memory_space<vmem>> -> memref<256x2048xf32, #tpu.memory_space<vmem>>
      %dma_start3A_25 = arith.constant 0 : i32
      %dma_start3A_26 = arith.constant 0 : i32
      %dma_start3A_27 = tpu.memref_slice %arg6[%get3A_0, %dma_start3A_25, %dma_start3A_26] : memref<8x1024x2048xf32, #tpu.memory_space<any>> -> memref<1x256x2048xf32, #tpu.memory_space<any>>
      %dma_start3A_28 = tpu.memref_squeeze %dma_start3A_27 : memref<1x256x2048xf32, #tpu.memory_space<any>> -> memref<256x2048xf32, #tpu.memory_space<any>>
      tpu.enqueue_dma source(%dma_start3A_28 : memref<256x2048xf32, #tpu.memory_space<any>>) target(%dma_start3A_24 : memref<256x2048xf32, #tpu.memory_space<vmem>>) target_semaphore(%dma_start3A_20 : memref<!tpu.dma_semaphore, #tpu.memory_space<semaphore_mem>>)
      %dma_start3A_29 = arith.constant 0 : i32
      %dma_start3A_30 = arith.constant 1 : i32
      %dma_start3A_31 = tpu.memref_slice %arg13[%dma_start3A_29, %dma_start3A_30, %get3A_2] : memref<3x4x2x!tpu.dma_semaphore, #tpu.memory_space<semaphore_mem>> -> memref<1x1x1x!tpu.dma_semaphore, #tpu.memory_space<semaphore_mem>>
      %dma_start3A_32 = tpu.memref_squeeze %dma_start3A_31 : memref<1x1x1x!tpu.dma_semaphore, #tpu.memory_space<semaphore_mem>> -> memref<!tpu.dma_semaphore, #tpu.memory_space<semaphore_mem>>
      %dma_start3A_33 = arith.constant 256 : i32
      %dma_start3A_34 = arith.constant 0 : i32
      %dma_start3A_35 = tpu.memref_slice %arg10[%get3A_2, %dma_start3A_33, %dma_start3A_34] : memref<2x1024x2048xf32, #tpu.memory_space<vmem>> -> memref<1x256x2048xf32, #tpu.memory_space<vmem>>
      %dma_start3A_36 = tpu.memref_squeeze %dma_start3A_35 : memref<1x256x2048xf32, #tpu.memory_space<vmem>> -> memref<256x2048xf32, #tpu.memory_space<vmem>>
      %dma_start3A_37 = arith.constant 256 : i32
      %dma_start3A_38 = arith.constant 0 : i32
      %dma_start3A_39 = tpu.memref_slice %arg6[%get3A_0, %dma_start3A_37, %dma_start3A_38] : memref<8x1024x2048xf32, #tpu.memory_space<any>> -> memref<1x256x2048xf32, #tpu.memory_space<any>>
      %dma_start3A_40 = tpu.memref_squeeze %dma_start3A_39 : memref<1x256x2048xf32, #tpu.memory_space<any>> -> memref<256x2048xf32, #tpu.memory_space<any>>
      tpu.enqueue_dma source(%dma_start3A_40 : memref<256x2048xf32, #tpu.memory_space<any>>) target(%dma_start3A_36 : memref<256x2048xf32, #tpu.memory_space<vmem>>) target_semaphore(%dma_start3A_32 : memref<!tpu.dma_semaphore, #tpu.memory_space<semaphore_mem>>)
      %dma_start3A_41 = arith.constant 0 : i32
      %dma_start3A_42 = arith.constant 2 : i32
      %dma_start3A_43 = tpu.memref_slice %arg13[%dma_start3A_41, %dma_start3A_42, %get3A_2] : memref<3x4x2x!tpu.dma_semaphore, #tpu.memory_space<semaphore_mem>> -> memref<1x1x1x!tpu.dma_semaphore, #tpu.memory_space<semaphore_mem>>
      %dma_start3A_44 = tpu.memref_squeeze %dma_start3A_43 : memref<1x1x1x!tpu.dma_semaphore, #tpu.memory_space<semaphore_mem>> -> memref<!tpu.dma_semaphore, #tpu.memory_space<semaphore_mem>>
      %dma_start3A_45 = arith.constant 512 : i32
      %dma_start3A_46 = arith.constant 0 : i32
      %dma_start3A_47 = tpu.memref_slice %arg10[%get3A_2, %dma_start3A_45, %dma_start3A_46] : memref<2x1024x2048xf32, #tpu.memory_space<vmem>> -> memref<1x256x2048xf32, #tpu.memory_space<vmem>>
      %dma_start3A_48 = tpu.memref_squeeze %dma_start3A_47 : memref<1x256x2048xf32, #tpu.memory_space<vmem>> -> memref<256x2048xf32, #tpu.memory_space<vmem>>
      %dma_start3A_49 = arith.constant 512 : i32
      %dma_start3A_50 = arith.constant 0 : i32
      %dma_start3A_51 = tpu.memref_slice %arg6[%get3A_0, %dma_start3A_49, %dma_start3A_50] : memref<8x1024x2048xf32, #tpu.memory_space<any>> -> memref<1x256x2048xf32, #tpu.memory_space<any>>
      %dma_start3A_52 = tpu.memref_squeeze %dma_start3A_51 : memref<1x256x2048xf32, #tpu.memory_space<any>> -> memref<256x2048xf32, #tpu.memory_space<any>>
      tpu.enqueue_dma source(%dma_start3A_52 : memref<256x2048xf32, #tpu.memory_space<any>>) target(%dma_start3A_48 : memref<256x2048xf32, #tpu.memory_space<vmem>>) target_semaphore(%dma_start3A_44 : memref<!tpu.dma_semaphore, #tpu.memory_space<semaphore_mem>>)
      %dma_start3A_53 = arith.constant 0 : i32
      %dma_start3A_54 = arith.constant 3 : i32
      %dma_start3A_55 = tpu.memref_slice %arg13[%dma_start3A_53, %dma_start3A_54, %get3A_2] : memref<3x4x2x!tpu.dma_semaphore, #tpu.memory_space<semaphore_mem>> -> memref<1x1x1x!tpu.dma_semaphore, #tpu.memory_space<semaphore_mem>>
      %dma_start3A_56 = tpu.memref_squeeze %dma_start3A_55 : memref<1x1x1x!tpu.dma_semaphore, #tpu.memory_space<semaphore_mem>> -> memref<!tpu.dma_semaphore, #tpu.memory_space<semaphore_mem>>
      %dma_start3A_57 = arith.constant 768 : i32
      %dma_start3A_58 = arith.constant 0 : i32
      %dma_start3A_59 = tpu.memref_slice %arg10[%get3A_2, %dma_start3A_57, %dma_start3A_58] : memref<2x1024x2048xf32, #tpu.memory_space<vmem>> -> memref<1x256x2048xf32, #tpu.memory_space<vmem>>
      %dma_start3A_60 = tpu.memref_squeeze %dma_start3A_59 : memref<1x256x2048xf32, #tpu.memory_space<vmem>> -> memref<256x2048xf32, #tpu.memory_space<vmem>>
      %dma_start3A_61 = arith.constant 768 : i32
      %dma_start3A_62 = arith.constant 0 : i32
      %dma_start3A_63 = tpu.memref_slice %arg6[%get3A_0, %dma_start3A_61, %dma_start3A_62] : memref<8x1024x2048xf32, #tpu.memory_space<any>> -> memref<1x256x2048xf32, #tpu.memory_space<any>>
      %dma_start3A_64 = tpu.memref_squeeze %dma_start3A_63 : memref<1x256x2048xf32, #tpu.memory_space<any>> -> memref<256x2048xf32, #tpu.memory_space<any>>
      tpu.enqueue_dma source(%dma_start3A_64 : memref<256x2048xf32, #tpu.memory_space<any>>) target(%dma_start3A_60 : memref<256x2048xf32, #tpu.memory_space<vmem>>) target_semaphore(%dma_start3A_56 : memref<!tpu.dma_semaphore, #tpu.memory_space<semaphore_mem>>)
      %dma_start3A_65 = arith.constant 1 : i32
      %dma_start3A_66 = arith.constant 0 : i32
      %dma_start3A_67 = tpu.memref_slice %arg13[%dma_start3A_65, %dma_start3A_66, %get3A_2] : memref<3x4x2x!tpu.dma_semaphore, #tpu.memory_space<semaphore_mem>> -> memref<1x1x1x!tpu.dma_semaphore, #tpu.memory_space<semaphore_mem>>
      %dma_start3A_68 = tpu.memref_squeeze %dma_start3A_67 : memref<1x1x1x!tpu.dma_semaphore, #tpu.memory_space<semaphore_mem>> -> memref<!tpu.dma_semaphore, #tpu.memory_space<semaphore_mem>>
      %dma_start3A_69 = arith.constant 0 : i32
      %dma_start3A_70 = arith.constant 0 : i32
      %dma_start3A_71 = tpu.memref_slice %arg11[%get3A_2, %dma_start3A_69, %dma_start3A_70] : memref<2x2048x1024xf32, #tpu.memory_space<vmem>> -> memref<1x512x1024xf32, #tpu.memory_space<vmem>>
      %dma_start3A_72 = tpu.memref_squeeze %dma_start3A_71 : memref<1x512x1024xf32, #tpu.memory_space<vmem>> -> memref<512x1024xf32, #tpu.memory_space<vmem>>
      %dma_start3A_73 = arith.constant 0 : i32
      %dma_start3A_74 = arith.constant 0 : i32
      %dma_start3A_75 = tpu.memref_slice %arg7[%get3A_0, %dma_start3A_73, %dma_start3A_74] : memref<8x2048x1024xf32, #tpu.memory_space<any>> -> memref<1x512x1024xf32, #tpu.memory_space<any>>
      %dma_start3A_76 = tpu.memref_squeeze %dma_start3A_75 : memref<1x512x1024xf32, #tpu.memory_space<any>> -> memref<512x1024xf32, #tpu.memory_space<any>>
      tpu.enqueue_dma source(%dma_start3A_76 : memref<512x1024xf32, #tpu.memory_space<any>>) target(%dma_start3A_72 : memref<512x1024xf32, #tpu.memory_space<vmem>>) target_semaphore(%dma_start3A_68 : memref<!tpu.dma_semaphore, #tpu.memory_space<semaphore_mem>>)
      %dma_start3A_77 = arith.constant 1 : i32
      %dma_start3A_78 = arith.constant 1 : i32
      %dma_start3A_79 = tpu.memref_slice %arg13[%dma_start3A_77, %dma_start3A_78, %get3A_2] : memref<3x4x2x!tpu.dma_semaphore, #tpu.memory_space<semaphore_mem>> -> memref<1x1x1x!tpu.dma_semaphore, #tpu.memory_space<semaphore_mem>>
      %dma_start3A_80 = tpu.memref_squeeze %dma_start3A_79 : memref<1x1x1x!tpu.dma_semaphore, #tpu.memory_space<semaphore_mem>> -> memref<!tpu.dma_semaphore, #tpu.memory_space<semaphore_mem>>
      %dma_start3A_81 = arith.constant 512 : i32
      %dma_start3A_82 = arith.constant 0 : i32
      %dma_start3A_83 = tpu.memref_slice %arg11[%get3A_2, %dma_start3A_81, %dma_start3A_82] : memref<2x2048x1024xf32, #tpu.memory_space<vmem>> -> memref<1x512x1024xf32, #tpu.memory_space<vmem>>
      %dma_start3A_84 = tpu.memref_squeeze %dma_start3A_83 : memref<1x512x1024xf32, #tpu.memory_space<vmem>> -> memref<512x1024xf32, #tpu.memory_space<vmem>>
      %dma_start3A_85 = arith.constant 512 : i32
      %dma_start3A_86 = arith.constant 0 : i32
      %dma_start3A_87 = tpu.memref_slice %arg7[%get3A_0, %dma_start3A_85, %dma_start3A_86] : memref<8x2048x1024xf32, #tpu.memory_space<any>> -> memref<1x512x1024xf32, #tpu.memory_space<any>>
      %dma_start3A_88 = tpu.memref_squeeze %dma_start3A_87 : memref<1x512x1024xf32, #tpu.memory_space<any>> -> memref<512x1024xf32, #tpu.memory_space<any>>
      tpu.enqueue_dma source(%dma_start3A_88 : memref<512x1024xf32, #tpu.memory_space<any>>) target(%dma_start3A_84 : memref<512x1024xf32, #tpu.memory_space<vmem>>) target_semaphore(%dma_start3A_80 : memref<!tpu.dma_semaphore, #tpu.memory_space<semaphore_mem>>)
      %dma_start3A_89 = arith.constant 1 : i32
      %dma_start3A_90 = arith.constant 2 : i32
      %dma_start3A_91 = tpu.memref_slice %arg13[%dma_start3A_89, %dma_start3A_90, %get3A_2] : memref<3x4x2x!tpu.dma_semaphore, #tpu.memory_space<semaphore_mem>> -> memref<1x1x1x!tpu.dma_semaphore, #tpu.memory_space<semaphore_mem>>
      %dma_start3A_92 = tpu.memref_squeeze %dma_start3A_91 : memref<1x1x1x!tpu.dma_semaphore, #tpu.memory_space<semaphore_mem>> -> memref<!tpu.dma_semaphore, #tpu.memory_space<semaphore_mem>>
      %dma_start3A_93 = arith.constant 1024 : i32
      %dma_start3A_94 = arith.constant 0 : i32
      %dma_start3A_95 = tpu.memref_slice %arg11[%get3A_2, %dma_start3A_93, %dma_start3A_94] : memref<2x2048x1024xf32, #tpu.memory_space<vmem>> -> memref<1x512x1024xf32, #tpu.memory_space<vmem>>
      %dma_start3A_96 = tpu.memref_squeeze %dma_start3A_95 : memref<1x512x1024xf32, #tpu.memory_space<vmem>> -> memref<512x1024xf32, #tpu.memory_space<vmem>>
      %dma_start3A_97 = arith.constant 1024 : i32
      %dma_start3A_98 = arith.constant 0 : i32
      %dma_start3A_99 = tpu.memref_slice %arg7[%get3A_0, %dma_start3A_97, %dma_start3A_98] : memref<8x2048x1024xf32, #tpu.memory_space<any>> -> memref<1x512x1024xf32, #tpu.memory_space<any>>
      %dma_start3A_100 = tpu.memref_squeeze %dma_start3A_99 : memref<1x512x1024xf32, #tpu.memory_space<any>> -> memref<512x1024xf32, #tpu.memory_space<any>>
      tpu.enqueue_dma source(%dma_start3A_100 : memref<512x1024xf32, #tpu.memory_space<any>>) target(%dma_start3A_96 : memref<512x1024xf32, #tpu.memory_space<vmem>>) target_semaphore(%dma_start3A_92 : memref<!tpu.dma_semaphore, #tpu.memory_space<semaphore_mem>>)
      %dma_start3A_101 = arith.constant 1 : i32
      %dma_start3A_102 = arith.constant 3 : i32
      %dma_start3A_103 = tpu.memref_slice %arg13[%dma_start3A_101, %dma_start3A_102, %get3A_2] : memref<3x4x2x!tpu.dma_semaphore, #tpu.memory_space<semaphore_mem>> -> memref<1x1x1x!tpu.dma_semaphore, #tpu.memory_space<semaphore_mem>>
      %dma_start3A_104 = tpu.memref_squeeze %dma_start3A_103 : memref<1x1x1x!tpu.dma_semaphore, #tpu.memory_space<semaphore_mem>> -> memref<!tpu.dma_semaphore, #tpu.memory_space<semaphore_mem>>
      %dma_start3A_105 = arith.constant 1536 : i32
      %dma_start3A_106 = arith.constant 0 : i32
      %dma_start3A_107 = tpu.memref_slice %arg11[%get3A_2, %dma_start3A_105, %dma_start3A_106] : memref<2x2048x1024xf32, #tpu.memory_space<vmem>> -> memref<1x512x1024xf32, #tpu.memory_space<vmem>>
      %dma_start3A_108 = tpu.memref_squeeze %dma_start3A_107 : memref<1x512x1024xf32, #tpu.memory_space<vmem>> -> memref<512x1024xf32, #tpu.memory_space<vmem>>
      %dma_start3A_109 = arith.constant 1536 : i32
      %dma_start3A_110 = arith.constant 0 : i32
      %dma_start3A_111 = tpu.memref_slice %arg7[%get3A_0, %dma_start3A_109, %dma_start3A_110] : memref<8x2048x1024xf32, #tpu.memory_space<any>> -> memref<1x512x1024xf32, #tpu.memory_space<any>>
      %dma_start3A_112 = tpu.memref_squeeze %dma_start3A_111 : memref<1x512x1024xf32, #tpu.memory_space<any>> -> memref<512x1024xf32, #tpu.memory_space<any>>
      tpu.enqueue_dma source(%dma_start3A_112 : memref<512x1024xf32, #tpu.memory_space<any>>) target(%dma_start3A_108 : memref<512x1024xf32, #tpu.memory_space<vmem>>) target_semaphore(%dma_start3A_104 : memref<!tpu.dma_semaphore, #tpu.memory_space<semaphore_mem>>)
      %dma_start3A_113 = arith.constant 2 : i32
      %dma_start3A_114 = arith.constant 0 : i32
      %dma_start3A_115 = tpu.memref_slice %arg13[%dma_start3A_113, %dma_start3A_114, %get3A_2] : memref<3x4x2x!tpu.dma_semaphore, #tpu.memory_space<semaphore_mem>> -> memref<1x1x1x!tpu.dma_semaphore, #tpu.memory_space<semaphore_mem>>
      %dma_start3A_116 = tpu.memref_squeeze %dma_start3A_115 : memref<1x1x1x!tpu.dma_semaphore, #tpu.memory_space<semaphore_mem>> -> memref<!tpu.dma_semaphore, #tpu.memory_space<semaphore_mem>>
      %dma_start3A_117 = arith.constant 0 : i32
      %dma_start3A_118 = arith.constant 0 : i32
      %dma_start3A_119 = tpu.memref_slice %arg12[%get3A_2, %dma_start3A_117, %dma_start3A_118] : memref<2x1024x2048xf32, #tpu.memory_space<vmem>> -> memref<1x256x2048xf32, #tpu.memory_space<vmem>>
      %dma_start3A_120 = tpu.memref_squeeze %dma_start3A_119 : memref<1x256x2048xf32, #tpu.memory_space<vmem>> -> memref<256x2048xf32, #tpu.memory_space<vmem>>
      %dma_start3A_121 = arith.constant 0 : i32
      %dma_start3A_122 = arith.constant 0 : i32
      %dma_start3A_123 = tpu.memref_slice %arg8[%get3A_0, %dma_start3A_121, %dma_start3A_122] : memref<8x1024x2048xf32, #tpu.memory_space<any>> -> memref<1x256x2048xf32, #tpu.memory_space<any>>
      %dma_start3A_124 = tpu.memref_squeeze %dma_start3A_123 : memref<1x256x2048xf32, #tpu.memory_space<any>> -> memref<256x2048xf32, #tpu.memory_space<any>>
      tpu.enqueue_dma source(%dma_start3A_124 : memref<256x2048xf32, #tpu.memory_space<any>>) target(%dma_start3A_120 : memref<256x2048xf32, #tpu.memory_space<vmem>>) target_semaphore(%dma_start3A_116 : memref<!tpu.dma_semaphore, #tpu.memory_space<semaphore_mem>>)
      %dma_start3A_125 = arith.constant 2 : i32
      %dma_start3A_126 = arith.constant 1 : i32
      %dma_start3A_127 = tpu.memref_slice %arg13[%dma_start3A_125, %dma_start3A_126, %get3A_2] : memref<3x4x2x!tpu.dma_semaphore, #tpu.memory_space<semaphore_mem>> -> memref<1x1x1x!tpu.dma_semaphore, #tpu.memory_space<semaphore_mem>>
      %dma_start3A_128 = tpu.memref_squeeze %dma_start3A_127 : memref<1x1x1x!tpu.dma_semaphore, #tpu.memory_space<semaphore_mem>> -> memref<!tpu.dma_semaphore, #tpu.memory_space<semaphore_mem>>
      %dma_start3A_129 = arith.constant 256 : i32
      %dma_start3A_130 = arith.constant 0 : i32
      %dma_start3A_131 = tpu.memref_slice %arg12[%get3A_2, %dma_start3A_129, %dma_start3A_130] : memref<2x1024x2048xf32, #tpu.memory_space<vmem>> -> memref<1x256x2048xf32, #tpu.memory_space<vmem>>
      %dma_start3A_132 = tpu.memref_squeeze %dma_start3A_131 : memref<1x256x2048xf32, #tpu.memory_space<vmem>> -> memref<256x2048xf32, #tpu.memory_space<vmem>>
      %dma_start3A_133 = arith.constant 256 : i32
      %dma_start3A_134 = arith.constant 0 : i32
      %dma_start3A_135 = tpu.memref_slice %arg8[%get3A_0, %dma_start3A_133, %dma_start3A_134] : memref<8x1024x2048xf32, #tpu.memory_space<any>> -> memref<1x256x2048xf32, #tpu.memory_space<any>>
      %dma_start3A_136 = tpu.memref_squeeze %dma_start3A_135 : memref<1x256x2048xf32, #tpu.memory_space<any>> -> memref<256x2048xf32, #tpu.memory_space<any>>
      tpu.enqueue_dma source(%dma_start3A_136 : memref<256x2048xf32, #tpu.memory_space<any>>) target(%dma_start3A_132 : memref<256x2048xf32, #tpu.memory_space<vmem>>) target_semaphore(%dma_start3A_128 : memref<!tpu.dma_semaphore, #tpu.memory_space<semaphore_mem>>)
      %dma_start3A_137 = arith.constant 2 : i32
      %dma_start3A_138 = arith.constant 2 : i32
      %dma_start3A_139 = tpu.memref_slice %arg13[%dma_start3A_137, %dma_start3A_138, %get3A_2] : memref<3x4x2x!tpu.dma_semaphore, #tpu.memory_space<semaphore_mem>> -> memref<1x1x1x!tpu.dma_semaphore, #tpu.memory_space<semaphore_mem>>
      %dma_start3A_140 = tpu.memref_squeeze %dma_start3A_139 : memref<1x1x1x!tpu.dma_semaphore, #tpu.memory_space<semaphore_mem>> -> memref<!tpu.dma_semaphore, #tpu.memory_space<semaphore_mem>>
      %dma_start3A_141 = arith.constant 512 : i32
      %dma_start3A_142 = arith.constant 0 : i32
      %dma_start3A_143 = tpu.memref_slice %arg12[%get3A_2, %dma_start3A_141, %dma_start3A_142] : memref<2x1024x2048xf32, #tpu.memory_space<vmem>> -> memref<1x256x2048xf32, #tpu.memory_space<vmem>>
      %dma_start3A_144 = tpu.memref_squeeze %dma_start3A_143 : memref<1x256x2048xf32, #tpu.memory_space<vmem>> -> memref<256x2048xf32, #tpu.memory_space<vmem>>
      %dma_start3A_145 = arith.constant 512 : i32
      %dma_start3A_146 = arith.constant 0 : i32
      %dma_start3A_147 = tpu.memref_slice %arg8[%get3A_0, %dma_start3A_145, %dma_start3A_146] : memref<8x1024x2048xf32, #tpu.memory_space<any>> -> memref<1x256x2048xf32, #tpu.memory_space<any>>
      %dma_start3A_148 = tpu.memref_squeeze %dma_start3A_147 : memref<1x256x2048xf32, #tpu.memory_space<any>> -> memref<256x2048xf32, #tpu.memory_space<any>>
      tpu.enqueue_dma source(%dma_start3A_148 : memref<256x2048xf32, #tpu.memory_space<any>>) target(%dma_start3A_144 : memref<256x2048xf32, #tpu.memory_space<vmem>>) target_semaphore(%dma_start3A_140 : memref<!tpu.dma_semaphore, #tpu.memory_space<semaphore_mem>>)
      %dma_start3A_149 = arith.constant 2 : i32
      %dma_start3A_150 = arith.constant 3 : i32
      %dma_start3A_151 = tpu.memref_slice %arg13[%dma_start3A_149, %dma_start3A_150, %get3A_2] : memref<3x4x2x!tpu.dma_semaphore, #tpu.memory_space<semaphore_mem>> -> memref<1x1x1x!tpu.dma_semaphore, #tpu.memory_space<semaphore_mem>>
      %dma_start3A_152 = tpu.memref_squeeze %dma_start3A_151 : memref<1x1x1x!tpu.dma_semaphore, #tpu.memory_space<semaphore_mem>> -> memref<!tpu.dma_semaphore, #tpu.memory_space<semaphore_mem>>
      %dma_start3A_153 = arith.constant 768 : i32
      %dma_start3A_154 = arith.constant 0 : i32
      %dma_start3A_155 = tpu.memref_slice %arg12[%get3A_2, %dma_start3A_153, %dma_start3A_154] : memref<2x1024x2048xf32, #tpu.memory_space<vmem>> -> memref<1x256x2048xf32, #tpu.memory_space<vmem>>
      %dma_start3A_156 = tpu.memref_squeeze %dma_start3A_155 : memref<1x256x2048xf32, #tpu.memory_space<vmem>> -> memref<256x2048xf32, #tpu.memory_space<vmem>>
      %dma_start3A_157 = arith.constant 768 : i32
      %dma_start3A_158 = arith.constant 0 : i32
      %dma_start3A_159 = tpu.memref_slice %arg8[%get3A_0, %dma_start3A_157, %dma_start3A_158] : memref<8x1024x2048xf32, #tpu.memory_space<any>> -> memref<1x256x2048xf32, #tpu.memory_space<any>>
      %dma_start3A_160 = tpu.memref_squeeze %dma_start3A_159 : memref<1x256x2048xf32, #tpu.memory_space<any>> -> memref<256x2048xf32, #tpu.memory_space<any>>
      tpu.enqueue_dma source(%dma_start3A_160 : memref<256x2048xf32, #tpu.memory_space<any>>) target(%dma_start3A_156 : memref<256x2048xf32, #tpu.memory_space<vmem>>) target_semaphore(%dma_start3A_152 : memref<!tpu.dma_semaphore, #tpu.memory_space<semaphore_mem>>)
    } else {
    }
    %lt3A = arith.constant 8 : i32
    %lt3A_5 = arith.cmpi slt, %get3A_0, %lt3A : i32
    %get3A_6 = arith.index_cast %arg0 : i32 to index
    %get3A_7 = memref.load %arg2[%get3A_6] : memref<24xi32, #tpu.memory_space<smem>>
    %eq3A_8 = arith.constant 1 : i32
    %eq3A_9 = arith.cmpi eq, %get3A_7, %eq3A_8 : i32
    %and3A = arith.andi %lt3A_5, %eq3A_9 : i1
    %convert_element_type3A_10 = arith.extui %and3A : i1 to i32
    %cond3A_11 = arith.constant 0 : i32
    %cond3A_12 = arith.cmpi ne, %convert_element_type3A_10, %cond3A_11 : i32
    scf.if %cond3A_12 {
      %dma_wait3A = arith.constant 0 : i32
      %dma_wait3A_18 = arith.constant 0 : i32
      %dma_wait3A_19 = tpu.memref_slice %arg13[%dma_wait3A, %dma_wait3A_18, %get3A_2] : memref<3x4x2x!tpu.dma_semaphore, #tpu.memory_space<semaphore_mem>> -> memref<1x1x1x!tpu.dma_semaphore, #tpu.memory_space<semaphore_mem>>
      %dma_wait3A_20 = tpu.memref_squeeze %dma_wait3A_19 : memref<1x1x1x!tpu.dma_semaphore, #tpu.memory_space<semaphore_mem>> -> memref<!tpu.dma_semaphore, #tpu.memory_space<semaphore_mem>>
      %dma_wait3A_21 = arith.constant 0 : i32
      %dma_wait3A_22 = arith.constant 0 : i32
      %dma_wait3A_23 = tpu.memref_slice %arg10[%get3A_2, %dma_wait3A_21, %dma_wait3A_22] : memref<2x1024x2048xf32, #tpu.memory_space<vmem>> -> memref<1x256x2048xf32, #tpu.memory_space<vmem>>
      %dma_wait3A_24 = tpu.memref_squeeze %dma_wait3A_23 : memref<1x256x2048xf32, #tpu.memory_space<vmem>> -> memref<256x2048xf32, #tpu.memory_space<vmem>>
      %dma_wait3A_25 = arith.constant 0 : i32
      %dma_wait3A_26 = arith.constant 0 : i32
      %dma_wait3A_27 = tpu.memref_slice %arg6[%get3A_0, %dma_wait3A_25, %dma_wait3A_26] : memref<8x1024x2048xf32, #tpu.memory_space<any>> -> memref<1x256x2048xf32, #tpu.memory_space<any>>
      %dma_wait3A_28 = tpu.memref_squeeze %dma_wait3A_27 : memref<1x256x2048xf32, #tpu.memory_space<any>> -> memref<256x2048xf32, #tpu.memory_space<any>>
      tpu.wait_dma2 semaphore(%dma_wait3A_20 : memref<!tpu.dma_semaphore, #tpu.memory_space<semaphore_mem>>) src(%dma_wait3A_28 : memref<256x2048xf32, #tpu.memory_space<any>>) dst(%dma_wait3A_24 : memref<256x2048xf32, #tpu.memory_space<vmem>>)
      %dma_wait3A_29 = arith.constant 0 : i32
      %dma_wait3A_30 = arith.constant 1 : i32
      %dma_wait3A_31 = tpu.memref_slice %arg13[%dma_wait3A_29, %dma_wait3A_30, %get3A_2] : memref<3x4x2x!tpu.dma_semaphore, #tpu.memory_space<semaphore_mem>> -> memref<1x1x1x!tpu.dma_semaphore, #tpu.memory_space<semaphore_mem>>
      %dma_wait3A_32 = tpu.memref_squeeze %dma_wait3A_31 : memref<1x1x1x!tpu.dma_semaphore, #tpu.memory_space<semaphore_mem>> -> memref<!tpu.dma_semaphore, #tpu.memory_space<semaphore_mem>>
      %dma_wait3A_33 = arith.constant 256 : i32
      %dma_wait3A_34 = arith.constant 0 : i32
      %dma_wait3A_35 = tpu.memref_slice %arg10[%get3A_2, %dma_wait3A_33, %dma_wait3A_34] : memref<2x1024x2048xf32, #tpu.memory_space<vmem>> -> memref<1x256x2048xf32, #tpu.memory_space<vmem>>
      %dma_wait3A_36 = tpu.memref_squeeze %dma_wait3A_35 : memref<1x256x2048xf32, #tpu.memory_space<vmem>> -> memref<256x2048xf32, #tpu.memory_space<vmem>>
      %dma_wait3A_37 = arith.constant 256 : i32
      %dma_wait3A_38 = arith.constant 0 : i32
      %dma_wait3A_39 = tpu.memref_slice %arg6[%get3A_0, %dma_wait3A_37, %dma_wait3A_38] : memref<8x1024x2048xf32, #tpu.memory_space<any>> -> memref<1x256x2048xf32, #tpu.memory_space<any>>
      %dma_wait3A_40 = tpu.memref_squeeze %dma_wait3A_39 : memref<1x256x2048xf32, #tpu.memory_space<any>> -> memref<256x2048xf32, #tpu.memory_space<any>>
      tpu.wait_dma2 semaphore(%dma_wait3A_32 : memref<!tpu.dma_semaphore, #tpu.memory_space<semaphore_mem>>) src(%dma_wait3A_40 : memref<256x2048xf32, #tpu.memory_space<any>>) dst(%dma_wait3A_36 : memref<256x2048xf32, #tpu.memory_space<vmem>>)
      %dma_wait3A_41 = arith.constant 0 : i32
      %dma_wait3A_42 = arith.constant 2 : i32
      %dma_wait3A_43 = tpu.memref_slice %arg13[%dma_wait3A_41, %dma_wait3A_42, %get3A_2] : memref<3x4x2x!tpu.dma_semaphore, #tpu.memory_space<semaphore_mem>> -> memref<1x1x1x!tpu.dma_semaphore, #tpu.memory_space<semaphore_mem>>
      %dma_wait3A_44 = tpu.memref_squeeze %dma_wait3A_43 : memref<1x1x1x!tpu.dma_semaphore, #tpu.memory_space<semaphore_mem>> -> memref<!tpu.dma_semaphore, #tpu.memory_space<semaphore_mem>>
      %dma_wait3A_45 = arith.constant 512 : i32
      %dma_wait3A_46 = arith.constant 0 : i32
      %dma_wait3A_47 = tpu.memref_slice %arg10[%get3A_2, %dma_wait3A_45, %dma_wait3A_46] : memref<2x1024x2048xf32, #tpu.memory_space<vmem>> -> memref<1x256x2048xf32, #tpu.memory_space<vmem>>
      %dma_wait3A_48 = tpu.memref_squeeze %dma_wait3A_47 : memref<1x256x2048xf32, #tpu.memory_space<vmem>> -> memref<256x2048xf32, #tpu.memory_space<vmem>>
      %dma_wait3A_49 = arith.constant 512 : i32
      %dma_wait3A_50 = arith.constant 0 : i32
      %dma_wait3A_51 = tpu.memref_slice %arg6[%get3A_0, %dma_wait3A_49, %dma_wait3A_50] : memref<8x1024x2048xf32, #tpu.memory_space<any>> -> memref<1x256x2048xf32, #tpu.memory_space<any>>
      %dma_wait3A_52 = tpu.memref_squeeze %dma_wait3A_51 : memref<1x256x2048xf32, #tpu.memory_space<any>> -> memref<256x2048xf32, #tpu.memory_space<any>>
      tpu.wait_dma2 semaphore(%dma_wait3A_44 : memref<!tpu.dma_semaphore, #tpu.memory_space<semaphore_mem>>) src(%dma_wait3A_52 : memref<256x2048xf32, #tpu.memory_space<any>>) dst(%dma_wait3A_48 : memref<256x2048xf32, #tpu.memory_space<vmem>>)
      %dma_wait3A_53 = arith.constant 0 : i32
      %dma_wait3A_54 = arith.constant 3 : i32
      %dma_wait3A_55 = tpu.memref_slice %arg13[%dma_wait3A_53, %dma_wait3A_54, %get3A_2] : memref<3x4x2x!tpu.dma_semaphore, #tpu.memory_space<semaphore_mem>> -> memref<1x1x1x!tpu.dma_semaphore, #tpu.memory_space<semaphore_mem>>
      %dma_wait3A_56 = tpu.memref_squeeze %dma_wait3A_55 : memref<1x1x1x!tpu.dma_semaphore, #tpu.memory_space<semaphore_mem>> -> memref<!tpu.dma_semaphore, #tpu.memory_space<semaphore_mem>>
      %dma_wait3A_57 = arith.constant 768 : i32
      %dma_wait3A_58 = arith.constant 0 : i32
      %dma_wait3A_59 = tpu.memref_slice %arg10[%get3A_2, %dma_wait3A_57, %dma_wait3A_58] : memref<2x1024x2048xf32, #tpu.memory_space<vmem>> -> memref<1x256x2048xf32, #tpu.memory_space<vmem>>
      %dma_wait3A_60 = tpu.memref_squeeze %dma_wait3A_59 : memref<1x256x2048xf32, #tpu.memory_space<vmem>> -> memref<256x2048xf32, #tpu.memory_space<vmem>>
      %dma_wait3A_61 = arith.constant 768 : i32
      %dma_wait3A_62 = arith.constant 0 : i32
      %dma_wait3A_63 = tpu.memref_slice %arg6[%get3A_0, %dma_wait3A_61, %dma_wait3A_62] : memref<8x1024x2048xf32, #tpu.memory_space<any>> -> memref<1x256x2048xf32, #tpu.memory_space<any>>
      %dma_wait3A_64 = tpu.memref_squeeze %dma_wait3A_63 : memref<1x256x2048xf32, #tpu.memory_space<any>> -> memref<256x2048xf32, #tpu.memory_space<any>>
      tpu.wait_dma2 semaphore(%dma_wait3A_56 : memref<!tpu.dma_semaphore, #tpu.memory_space<semaphore_mem>>) src(%dma_wait3A_64 : memref<256x2048xf32, #tpu.memory_space<any>>) dst(%dma_wait3A_60 : memref<256x2048xf32, #tpu.memory_space<vmem>>)
      %dma_wait3A_65 = arith.constant 1 : i32
      %dma_wait3A_66 = arith.constant 0 : i32
      %dma_wait3A_67 = tpu.memref_slice %arg13[%dma_wait3A_65, %dma_wait3A_66, %get3A_2] : memref<3x4x2x!tpu.dma_semaphore, #tpu.memory_space<semaphore_mem>> -> memref<1x1x1x!tpu.dma_semaphore, #tpu.memory_space<semaphore_mem>>
      %dma_wait3A_68 = tpu.memref_squeeze %dma_wait3A_67 : memref<1x1x1x!tpu.dma_semaphore, #tpu.memory_space<semaphore_mem>> -> memref<!tpu.dma_semaphore, #tpu.memory_space<semaphore_mem>>
      %dma_wait3A_69 = arith.constant 0 : i32
      %dma_wait3A_70 = arith.constant 0 : i32
      %dma_wait3A_71 = tpu.memref_slice %arg11[%get3A_2, %dma_wait3A_69, %dma_wait3A_70] : memref<2x2048x1024xf32, #tpu.memory_space<vmem>> -> memref<1x512x1024xf32, #tpu.memory_space<vmem>>
      %dma_wait3A_72 = tpu.memref_squeeze %dma_wait3A_71 : memref<1x512x1024xf32, #tpu.memory_space<vmem>> -> memref<512x1024xf32, #tpu.memory_space<vmem>>
      %dma_wait3A_73 = arith.constant 0 : i32
      %dma_wait3A_74 = arith.constant 0 : i32
      %dma_wait3A_75 = tpu.memref_slice %arg7[%get3A_0, %dma_wait3A_73, %dma_wait3A_74] : memref<8x2048x1024xf32, #tpu.memory_space<any>> -> memref<1x512x1024xf32, #tpu.memory_space<any>>
      %dma_wait3A_76 = tpu.memref_squeeze %dma_wait3A_75 : memref<1x512x1024xf32, #tpu.memory_space<any>> -> memref<512x1024xf32, #tpu.memory_space<any>>
      tpu.wait_dma2 semaphore(%dma_wait3A_68 : memref<!tpu.dma_semaphore, #tpu.memory_space<semaphore_mem>>) src(%dma_wait3A_76 : memref<512x1024xf32, #tpu.memory_space<any>>) dst(%dma_wait3A_72 : memref<512x1024xf32, #tpu.memory_space<vmem>>)
      %dma_wait3A_77 = arith.constant 1 : i32
      %dma_wait3A_78 = arith.constant 1 : i32
      %dma_wait3A_79 = tpu.memref_slice %arg13[%dma_wait3A_77, %dma_wait3A_78, %get3A_2] : memref<3x4x2x!tpu.dma_semaphore, #tpu.memory_space<semaphore_mem>> -> memref<1x1x1x!tpu.dma_semaphore, #tpu.memory_space<semaphore_mem>>
      %dma_wait3A_80 = tpu.memref_squeeze %dma_wait3A_79 : memref<1x1x1x!tpu.dma_semaphore, #tpu.memory_space<semaphore_mem>> -> memref<!tpu.dma_semaphore, #tpu.memory_space<semaphore_mem>>
      %dma_wait3A_81 = arith.constant 512 : i32
      %dma_wait3A_82 = arith.constant 0 : i32
      %dma_wait3A_83 = tpu.memref_slice %arg11[%get3A_2, %dma_wait3A_81, %dma_wait3A_82] : memref<2x2048x1024xf32, #tpu.memory_space<vmem>> -> memref<1x512x1024xf32, #tpu.memory_space<vmem>>
      %dma_wait3A_84 = tpu.memref_squeeze %dma_wait3A_83 : memref<1x512x1024xf32, #tpu.memory_space<vmem>> -> memref<512x1024xf32, #tpu.memory_space<vmem>>
      %dma_wait3A_85 = arith.constant 512 : i32
      %dma_wait3A_86 = arith.constant 0 : i32
      %dma_wait3A_87 = tpu.memref_slice %arg7[%get3A_0, %dma_wait3A_85, %dma_wait3A_86] : memref<8x2048x1024xf32, #tpu.memory_space<any>> -> memref<1x512x1024xf32, #tpu.memory_space<any>>
      %dma_wait3A_88 = tpu.memref_squeeze %dma_wait3A_87 : memref<1x512x1024xf32, #tpu.memory_space<any>> -> memref<512x1024xf32, #tpu.memory_space<any>>
      tpu.wait_dma2 semaphore(%dma_wait3A_80 : memref<!tpu.dma_semaphore, #tpu.memory_space<semaphore_mem>>) src(%dma_wait3A_88 : memref<512x1024xf32, #tpu.memory_space<any>>) dst(%dma_wait3A_84 : memref<512x1024xf32, #tpu.memory_space<vmem>>)
      %dma_wait3A_89 = arith.constant 1 : i32
      %dma_wait3A_90 = arith.constant 2 : i32
      %dma_wait3A_91 = tpu.memref_slice %arg13[%dma_wait3A_89, %dma_wait3A_90, %get3A_2] : memref<3x4x2x!tpu.dma_semaphore, #tpu.memory_space<semaphore_mem>> -> memref<1x1x1x!tpu.dma_semaphore, #tpu.memory_space<semaphore_mem>>
      %dma_wait3A_92 = tpu.memref_squeeze %dma_wait3A_91 : memref<1x1x1x!tpu.dma_semaphore, #tpu.memory_space<semaphore_mem>> -> memref<!tpu.dma_semaphore, #tpu.memory_space<semaphore_mem>>
      %dma_wait3A_93 = arith.constant 1024 : i32
      %dma_wait3A_94 = arith.constant 0 : i32
      %dma_wait3A_95 = tpu.memref_slice %arg11[%get3A_2, %dma_wait3A_93, %dma_wait3A_94] : memref<2x2048x1024xf32, #tpu.memory_space<vmem>> -> memref<1x512x1024xf32, #tpu.memory_space<vmem>>
      %dma_wait3A_96 = tpu.memref_squeeze %dma_wait3A_95 : memref<1x512x1024xf32, #tpu.memory_space<vmem>> -> memref<512x1024xf32, #tpu.memory_space<vmem>>
      %dma_wait3A_97 = arith.constant 1024 : i32
      %dma_wait3A_98 = arith.constant 0 : i32
      %dma_wait3A_99 = tpu.memref_slice %arg7[%get3A_0, %dma_wait3A_97, %dma_wait3A_98] : memref<8x2048x1024xf32, #tpu.memory_space<any>> -> memref<1x512x1024xf32, #tpu.memory_space<any>>
      %dma_wait3A_100 = tpu.memref_squeeze %dma_wait3A_99 : memref<1x512x1024xf32, #tpu.memory_space<any>> -> memref<512x1024xf32, #tpu.memory_space<any>>
      tpu.wait_dma2 semaphore(%dma_wait3A_92 : memref<!tpu.dma_semaphore, #tpu.memory_space<semaphore_mem>>) src(%dma_wait3A_100 : memref<512x1024xf32, #tpu.memory_space<any>>) dst(%dma_wait3A_96 : memref<512x1024xf32, #tpu.memory_space<vmem>>)
      %dma_wait3A_101 = arith.constant 1 : i32
      %dma_wait3A_102 = arith.constant 3 : i32
      %dma_wait3A_103 = tpu.memref_slice %arg13[%dma_wait3A_101, %dma_wait3A_102, %get3A_2] : memref<3x4x2x!tpu.dma_semaphore, #tpu.memory_space<semaphore_mem>> -> memref<1x1x1x!tpu.dma_semaphore, #tpu.memory_space<semaphore_mem>>
      %dma_wait3A_104 = tpu.memref_squeeze %dma_wait3A_103 : memref<1x1x1x!tpu.dma_semaphore, #tpu.memory_space<semaphore_mem>> -> memref<!tpu.dma_semaphore, #tpu.memory_space<semaphore_mem>>
      %dma_wait3A_105 = arith.constant 1536 : i32
      %dma_wait3A_106 = arith.constant 0 : i32
      %dma_wait3A_107 = tpu.memref_slice %arg11[%get3A_2, %dma_wait3A_105, %dma_wait3A_106] : memref<2x2048x1024xf32, #tpu.memory_space<vmem>> -> memref<1x512x1024xf32, #tpu.memory_space<vmem>>
      %dma_wait3A_108 = tpu.memref_squeeze %dma_wait3A_107 : memref<1x512x1024xf32, #tpu.memory_space<vmem>> -> memref<512x1024xf32, #tpu.memory_space<vmem>>
      %dma_wait3A_109 = arith.constant 1536 : i32
      %dma_wait3A_110 = arith.constant 0 : i32
      %dma_wait3A_111 = tpu.memref_slice %arg7[%get3A_0, %dma_wait3A_109, %dma_wait3A_110] : memref<8x2048x1024xf32, #tpu.memory_space<any>> -> memref<1x512x1024xf32, #tpu.memory_space<any>>
      %dma_wait3A_112 = tpu.memref_squeeze %dma_wait3A_111 : memref<1x512x1024xf32, #tpu.memory_space<any>> -> memref<512x1024xf32, #tpu.memory_space<any>>
      tpu.wait_dma2 semaphore(%dma_wait3A_104 : memref<!tpu.dma_semaphore, #tpu.memory_space<semaphore_mem>>) src(%dma_wait3A_112 : memref<512x1024xf32, #tpu.memory_space<any>>) dst(%dma_wait3A_108 : memref<512x1024xf32, #tpu.memory_space<vmem>>)
      %dma_wait3A_113 = arith.constant 2 : i32
      %dma_wait3A_114 = arith.constant 0 : i32
      %dma_wait3A_115 = tpu.memref_slice %arg13[%dma_wait3A_113, %dma_wait3A_114, %get3A_2] : memref<3x4x2x!tpu.dma_semaphore, #tpu.memory_space<semaphore_mem>> -> memref<1x1x1x!tpu.dma_semaphore, #tpu.memory_space<semaphore_mem>>
      %dma_wait3A_116 = tpu.memref_squeeze %dma_wait3A_115 : memref<1x1x1x!tpu.dma_semaphore, #tpu.memory_space<semaphore_mem>> -> memref<!tpu.dma_semaphore, #tpu.memory_space<semaphore_mem>>
      %dma_wait3A_117 = arith.constant 0 : i32
      %dma_wait3A_118 = arith.constant 0 : i32
      %dma_wait3A_119 = tpu.memref_slice %arg12[%get3A_2, %dma_wait3A_117, %dma_wait3A_118] : memref<2x1024x2048xf32, #tpu.memory_space<vmem>> -> memref<1x256x2048xf32, #tpu.memory_space<vmem>>
      %dma_wait3A_120 = tpu.memref_squeeze %dma_wait3A_119 : memref<1x256x2048xf32, #tpu.memory_space<vmem>> -> memref<256x2048xf32, #tpu.memory_space<vmem>>
      %dma_wait3A_121 = arith.constant 0 : i32
      %dma_wait3A_122 = arith.constant 0 : i32
      %dma_wait3A_123 = tpu.memref_slice %arg8[%get3A_0, %dma_wait3A_121, %dma_wait3A_122] : memref<8x1024x2048xf32, #tpu.memory_space<any>> -> memref<1x256x2048xf32, #tpu.memory_space<any>>
      %dma_wait3A_124 = tpu.memref_squeeze %dma_wait3A_123 : memref<1x256x2048xf32, #tpu.memory_space<any>> -> memref<256x2048xf32, #tpu.memory_space<any>>
      tpu.wait_dma2 semaphore(%dma_wait3A_116 : memref<!tpu.dma_semaphore, #tpu.memory_space<semaphore_mem>>) src(%dma_wait3A_124 : memref<256x2048xf32, #tpu.memory_space<any>>) dst(%dma_wait3A_120 : memref<256x2048xf32, #tpu.memory_space<vmem>>)
      %dma_wait3A_125 = arith.constant 2 : i32
      %dma_wait3A_126 = arith.constant 1 : i32
      %dma_wait3A_127 = tpu.memref_slice %arg13[%dma_wait3A_125, %dma_wait3A_126, %get3A_2] : memref<3x4x2x!tpu.dma_semaphore, #tpu.memory_space<semaphore_mem>> -> memref<1x1x1x!tpu.dma_semaphore, #tpu.memory_space<semaphore_mem>>
      %dma_wait3A_128 = tpu.memref_squeeze %dma_wait3A_127 : memref<1x1x1x!tpu.dma_semaphore, #tpu.memory_space<semaphore_mem>> -> memref<!tpu.dma_semaphore, #tpu.memory_space<semaphore_mem>>
      %dma_wait3A_129 = arith.constant 256 : i32
      %dma_wait3A_130 = arith.constant 0 : i32
      %dma_wait3A_131 = tpu.memref_slice %arg12[%get3A_2, %dma_wait3A_129, %dma_wait3A_130] : memref<2x1024x2048xf32, #tpu.memory_space<vmem>> -> memref<1x256x2048xf32, #tpu.memory_space<vmem>>
      %dma_wait3A_132 = tpu.memref_squeeze %dma_wait3A_131 : memref<1x256x2048xf32, #tpu.memory_space<vmem>> -> memref<256x2048xf32, #tpu.memory_space<vmem>>
      %dma_wait3A_133 = arith.constant 256 : i32
      %dma_wait3A_134 = arith.constant 0 : i32
      %dma_wait3A_135 = tpu.memref_slice %arg8[%get3A_0, %dma_wait3A_133, %dma_wait3A_134] : memref<8x1024x2048xf32, #tpu.memory_space<any>> -> memref<1x256x2048xf32, #tpu.memory_space<any>>
      %dma_wait3A_136 = tpu.memref_squeeze %dma_wait3A_135 : memref<1x256x2048xf32, #tpu.memory_space<any>> -> memref<256x2048xf32, #tpu.memory_space<any>>
      tpu.wait_dma2 semaphore(%dma_wait3A_128 : memref<!tpu.dma_semaphore, #tpu.memory_space<semaphore_mem>>) src(%dma_wait3A_136 : memref<256x2048xf32, #tpu.memory_space<any>>) dst(%dma_wait3A_132 : memref<256x2048xf32, #tpu.memory_space<vmem>>)
      %dma_wait3A_137 = arith.constant 2 : i32
      %dma_wait3A_138 = arith.constant 2 : i32
      %dma_wait3A_139 = tpu.memref_slice %arg13[%dma_wait3A_137, %dma_wait3A_138, %get3A_2] : memref<3x4x2x!tpu.dma_semaphore, #tpu.memory_space<semaphore_mem>> -> memref<1x1x1x!tpu.dma_semaphore, #tpu.memory_space<semaphore_mem>>
      %dma_wait3A_140 = tpu.memref_squeeze %dma_wait3A_139 : memref<1x1x1x!tpu.dma_semaphore, #tpu.memory_space<semaphore_mem>> -> memref<!tpu.dma_semaphore, #tpu.memory_space<semaphore_mem>>
      %dma_wait3A_141 = arith.constant 512 : i32
      %dma_wait3A_142 = arith.constant 0 : i32
      %dma_wait3A_143 = tpu.memref_slice %arg12[%get3A_2, %dma_wait3A_141, %dma_wait3A_142] : memref<2x1024x2048xf32, #tpu.memory_space<vmem>> -> memref<1x256x2048xf32, #tpu.memory_space<vmem>>
      %dma_wait3A_144 = tpu.memref_squeeze %dma_wait3A_143 : memref<1x256x2048xf32, #tpu.memory_space<vmem>> -> memref<256x2048xf32, #tpu.memory_space<vmem>>
      %dma_wait3A_145 = arith.constant 512 : i32
      %dma_wait3A_146 = arith.constant 0 : i32
      %dma_wait3A_147 = tpu.memref_slice %arg8[%get3A_0, %dma_wait3A_145, %dma_wait3A_146] : memref<8x1024x2048xf32, #tpu.memory_space<any>> -> memref<1x256x2048xf32, #tpu.memory_space<any>>
      %dma_wait3A_148 = tpu.memref_squeeze %dma_wait3A_147 : memref<1x256x2048xf32, #tpu.memory_space<any>> -> memref<256x2048xf32, #tpu.memory_space<any>>
      tpu.wait_dma2 semaphore(%dma_wait3A_140 : memref<!tpu.dma_semaphore, #tpu.memory_space<semaphore_mem>>) src(%dma_wait3A_148 : memref<256x2048xf32, #tpu.memory_space<any>>) dst(%dma_wait3A_144 : memref<256x2048xf32, #tpu.memory_space<vmem>>)
      %dma_wait3A_149 = arith.constant 2 : i32
      %dma_wait3A_150 = arith.constant 3 : i32
      %dma_wait3A_151 = tpu.memref_slice %arg13[%dma_wait3A_149, %dma_wait3A_150, %get3A_2] : memref<3x4x2x!tpu.dma_semaphore, #tpu.memory_space<semaphore_mem>> -> memref<1x1x1x!tpu.dma_semaphore, #tpu.memory_space<semaphore_mem>>
      %dma_wait3A_152 = tpu.memref_squeeze %dma_wait3A_151 : memref<1x1x1x!tpu.dma_semaphore, #tpu.memory_space<semaphore_mem>> -> memref<!tpu.dma_semaphore, #tpu.memory_space<semaphore_mem>>
      %dma_wait3A_153 = arith.constant 768 : i32
      %dma_wait3A_154 = arith.constant 0 : i32
      %dma_wait3A_155 = tpu.memref_slice %arg12[%get3A_2, %dma_wait3A_153, %dma_wait3A_154] : memref<2x1024x2048xf32, #tpu.memory_space<vmem>> -> memref<1x256x2048xf32, #tpu.memory_space<vmem>>
      %dma_wait3A_156 = tpu.memref_squeeze %dma_wait3A_155 : memref<1x256x2048xf32, #tpu.memory_space<vmem>> -> memref<256x2048xf32, #tpu.memory_space<vmem>>
      %dma_wait3A_157 = arith.constant 768 : i32
      %dma_wait3A_158 = arith.constant 0 : i32
      %dma_wait3A_159 = tpu.memref_slice %arg8[%get3A_0, %dma_wait3A_157, %dma_wait3A_158] : memref<8x1024x2048xf32, #tpu.memory_space<any>> -> memref<1x256x2048xf32, #tpu.memory_space<any>>
      %dma_wait3A_160 = tpu.memref_squeeze %dma_wait3A_159 : memref<1x256x2048xf32, #tpu.memory_space<any>> -> memref<256x2048xf32, #tpu.memory_space<any>>
      tpu.wait_dma2 semaphore(%dma_wait3A_152 : memref<!tpu.dma_semaphore, #tpu.memory_space<semaphore_mem>>) src(%dma_wait3A_160 : memref<256x2048xf32, #tpu.memory_space<any>>) dst(%dma_wait3A_156 : memref<256x2048xf32, #tpu.memory_space<vmem>>)
      %get3A_161 = arith.index_cast %arg0 : i32 to index
      %get3A_162 = memref.load %arg3[%get3A_161] : memref<24xi32, #tpu.memory_space<smem>>
      %lt3A_163 = arith.constant 8 : i32
      %lt3A_164 = arith.cmpi slt, %get3A_162, %lt3A_163 : i32
      %convert_element_type3A_165 = arith.extui %lt3A_164 : i1 to i32
      %cond3A_166 = arith.constant 0 : i32
      %cond3A_167 = arith.cmpi ne, %convert_element_type3A_165, %cond3A_166 : i32
      scf.if %cond3A_167 {
        %get3A_168 = arith.index_cast %arg0 : i32 to index
        %get3A_169 = memref.load %arg3[%get3A_168] : memref<24xi32, #tpu.memory_space<smem>>
        %sub3A = arith.constant 1 : i32
        %sub3A_170 = arith.subi %sub3A, %get3A_2 : i32
        %dma_start3A = arith.constant 0 : i32
        %dma_start3A_171 = arith.constant 0 : i32
        %dma_start3A_172 = tpu.memref_slice %arg13[%dma_start3A, %dma_start3A_171, %sub3A_170] : memref<3x4x2x!tpu.dma_semaphore, #tpu.memory_space<semaphore_mem>> -> memref<1x1x1x!tpu.dma_semaphore, #tpu.memory_space<semaphore_mem>>
        %dma_start3A_173 = tpu.memref_squeeze %dma_start3A_172 : memref<1x1x1x!tpu.dma_semaphore, #tpu.memory_space<semaphore_mem>> -> memref<!tpu.dma_semaphore, #tpu.memory_space<semaphore_mem>>
        %dma_start3A_174 = arith.constant 0 : i32
        %dma_start3A_175 = arith.constant 0 : i32
        %dma_start3A_176 = tpu.memref_slice %arg10[%sub3A_170, %dma_start3A_174, %dma_start3A_175] : memref<2x1024x2048xf32, #tpu.memory_space<vmem>> -> memref<1x256x2048xf32, #tpu.memory_space<vmem>>
        %dma_start3A_177 = tpu.memref_squeeze %dma_start3A_176 : memref<1x256x2048xf32, #tpu.memory_space<vmem>> -> memref<256x2048xf32, #tpu.memory_space<vmem>>
        %dma_start3A_178 = arith.constant 0 : i32
        %dma_start3A_179 = arith.constant 0 : i32
        %dma_start3A_180 = tpu.memref_slice %arg6[%get3A_169, %dma_start3A_178, %dma_start3A_179] : memref<8x1024x2048xf32, #tpu.memory_space<any>> -> memref<1x256x2048xf32, #tpu.memory_space<any>>
        %dma_start3A_181 = tpu.memref_squeeze %dma_start3A_180 : memref<1x256x2048xf32, #tpu.memory_space<any>> -> memref<256x2048xf32, #tpu.memory_space<any>>
        tpu.enqueue_dma source(%dma_start3A_181 : memref<256x2048xf32, #tpu.memory_space<any>>) target(%dma_start3A_177 : memref<256x2048xf32, #tpu.memory_space<vmem>>) target_semaphore(%dma_start3A_173 : memref<!tpu.dma_semaphore, #tpu.memory_space<semaphore_mem>>)
        %dma_start3A_182 = arith.constant 0 : i32
        %dma_start3A_183 = arith.constant 1 : i32
        %dma_start3A_184 = tpu.memref_slice %arg13[%dma_start3A_182, %dma_start3A_183, %sub3A_170] : memref<3x4x2x!tpu.dma_semaphore, #tpu.memory_space<semaphore_mem>> -> memref<1x1x1x!tpu.dma_semaphore, #tpu.memory_space<semaphore_mem>>
        %dma_start3A_185 = tpu.memref_squeeze %dma_start3A_184 : memref<1x1x1x!tpu.dma_semaphore, #tpu.memory_space<semaphore_mem>> -> memref<!tpu.dma_semaphore, #tpu.memory_space<semaphore_mem>>
        %dma_start3A_186 = arith.constant 256 : i32
        %dma_start3A_187 = arith.constant 0 : i32
        %dma_start3A_188 = tpu.memref_slice %arg10[%sub3A_170, %dma_start3A_186, %dma_start3A_187] : memref<2x1024x2048xf32, #tpu.memory_space<vmem>> -> memref<1x256x2048xf32, #tpu.memory_space<vmem>>
        %dma_start3A_189 = tpu.memref_squeeze %dma_start3A_188 : memref<1x256x2048xf32, #tpu.memory_space<vmem>> -> memref<256x2048xf32, #tpu.memory_space<vmem>>
        %dma_start3A_190 = arith.constant 256 : i32
        %dma_start3A_191 = arith.constant 0 : i32
        %dma_start3A_192 = tpu.memref_slice %arg6[%get3A_169, %dma_start3A_190, %dma_start3A_191] : memref<8x1024x2048xf32, #tpu.memory_space<any>> -> memref<1x256x2048xf32, #tpu.memory_space<any>>
        %dma_start3A_193 = tpu.memref_squeeze %dma_start3A_192 : memref<1x256x2048xf32, #tpu.memory_space<any>> -> memref<256x2048xf32, #tpu.memory_space<any>>
        tpu.enqueue_dma source(%dma_start3A_193 : memref<256x2048xf32, #tpu.memory_space<any>>) target(%dma_start3A_189 : memref<256x2048xf32, #tpu.memory_space<vmem>>) target_semaphore(%dma_start3A_185 : memref<!tpu.dma_semaphore, #tpu.memory_space<semaphore_mem>>)
        %dma_start3A_194 = arith.constant 0 : i32
        %dma_start3A_195 = arith.constant 2 : i32
        %dma_start3A_196 = tpu.memref_slice %arg13[%dma_start3A_194, %dma_start3A_195, %sub3A_170] : memref<3x4x2x!tpu.dma_semaphore, #tpu.memory_space<semaphore_mem>> -> memref<1x1x1x!tpu.dma_semaphore, #tpu.memory_space<semaphore_mem>>
        %dma_start3A_197 = tpu.memref_squeeze %dma_start3A_196 : memref<1x1x1x!tpu.dma_semaphore, #tpu.memory_space<semaphore_mem>> -> memref<!tpu.dma_semaphore, #tpu.memory_space<semaphore_mem>>
        %dma_start3A_198 = arith.constant 512 : i32
        %dma_start3A_199 = arith.constant 0 : i32
        %dma_start3A_200 = tpu.memref_slice %arg10[%sub3A_170, %dma_start3A_198, %dma_start3A_199] : memref<2x1024x2048xf32, #tpu.memory_space<vmem>> -> memref<1x256x2048xf32, #tpu.memory_space<vmem>>
        %dma_start3A_201 = tpu.memref_squeeze %dma_start3A_200 : memref<1x256x2048xf32, #tpu.memory_space<vmem>> -> memref<256x2048xf32, #tpu.memory_space<vmem>>
        %dma_start3A_202 = arith.constant 512 : i32
        %dma_start3A_203 = arith.constant 0 : i32
        %dma_start3A_204 = tpu.memref_slice %arg6[%get3A_169, %dma_start3A_202, %dma_start3A_203] : memref<8x1024x2048xf32, #tpu.memory_space<any>> -> memref<1x256x2048xf32, #tpu.memory_space<any>>
        %dma_start3A_205 = tpu.memref_squeeze %dma_start3A_204 : memref<1x256x2048xf32, #tpu.memory_space<any>> -> memref<256x2048xf32, #tpu.memory_space<any>>
        tpu.enqueue_dma source(%dma_start3A_205 : memref<256x2048xf32, #tpu.memory_space<any>>) target(%dma_start3A_201 : memref<256x2048xf32, #tpu.memory_space<vmem>>) target_semaphore(%dma_start3A_197 : memref<!tpu.dma_semaphore, #tpu.memory_space<semaphore_mem>>)
        %dma_start3A_206 = arith.constant 0 : i32
        %dma_start3A_207 = arith.constant 3 : i32
        %dma_start3A_208 = tpu.memref_slice %arg13[%dma_start3A_206, %dma_start3A_207, %sub3A_170] : memref<3x4x2x!tpu.dma_semaphore, #tpu.memory_space<semaphore_mem>> -> memref<1x1x1x!tpu.dma_semaphore, #tpu.memory_space<semaphore_mem>>
        %dma_start3A_209 = tpu.memref_squeeze %dma_start3A_208 : memref<1x1x1x!tpu.dma_semaphore, #tpu.memory_space<semaphore_mem>> -> memref<!tpu.dma_semaphore, #tpu.memory_space<semaphore_mem>>
        %dma_start3A_210 = arith.constant 768 : i32
        %dma_start3A_211 = arith.constant 0 : i32
        %dma_start3A_212 = tpu.memref_slice %arg10[%sub3A_170, %dma_start3A_210, %dma_start3A_211] : memref<2x1024x2048xf32, #tpu.memory_space<vmem>> -> memref<1x256x2048xf32, #tpu.memory_space<vmem>>
        %dma_start3A_213 = tpu.memref_squeeze %dma_start3A_212 : memref<1x256x2048xf32, #tpu.memory_space<vmem>> -> memref<256x2048xf32, #tpu.memory_space<vmem>>
        %dma_start3A_214 = arith.constant 768 : i32
        %dma_start3A_215 = arith.constant 0 : i32
        %dma_start3A_216 = tpu.memref_slice %arg6[%get3A_169, %dma_start3A_214, %dma_start3A_215] : memref<8x1024x2048xf32, #tpu.memory_space<any>> -> memref<1x256x2048xf32, #tpu.memory_space<any>>
        %dma_start3A_217 = tpu.memref_squeeze %dma_start3A_216 : memref<1x256x2048xf32, #tpu.memory_space<any>> -> memref<256x2048xf32, #tpu.memory_space<any>>
        tpu.enqueue_dma source(%dma_start3A_217 : memref<256x2048xf32, #tpu.memory_space<any>>) target(%dma_start3A_213 : memref<256x2048xf32, #tpu.memory_space<vmem>>) target_semaphore(%dma_start3A_209 : memref<!tpu.dma_semaphore, #tpu.memory_space<semaphore_mem>>)
        %dma_start3A_218 = arith.constant 1 : i32
        %dma_start3A_219 = arith.constant 0 : i32
        %dma_start3A_220 = tpu.memref_slice %arg13[%dma_start3A_218, %dma_start3A_219, %sub3A_170] : memref<3x4x2x!tpu.dma_semaphore, #tpu.memory_space<semaphore_mem>> -> memref<1x1x1x!tpu.dma_semaphore, #tpu.memory_space<semaphore_mem>>
        %dma_start3A_221 = tpu.memref_squeeze %dma_start3A_220 : memref<1x1x1x!tpu.dma_semaphore, #tpu.memory_space<semaphore_mem>> -> memref<!tpu.dma_semaphore, #tpu.memory_space<semaphore_mem>>
        %dma_start3A_222 = arith.constant 0 : i32
        %dma_start3A_223 = arith.constant 0 : i32
        %dma_start3A_224 = tpu.memref_slice %arg11[%sub3A_170, %dma_start3A_222, %dma_start3A_223] : memref<2x2048x1024xf32, #tpu.memory_space<vmem>> -> memref<1x512x1024xf32, #tpu.memory_space<vmem>>
        %dma_start3A_225 = tpu.memref_squeeze %dma_start3A_224 : memref<1x512x1024xf32, #tpu.memory_space<vmem>> -> memref<512x1024xf32, #tpu.memory_space<vmem>>
        %dma_start3A_226 = arith.constant 0 : i32
        %dma_start3A_227 = arith.constant 0 : i32
        %dma_start3A_228 = tpu.memref_slice %arg7[%get3A_169, %dma_start3A_226, %dma_start3A_227] : memref<8x2048x1024xf32, #tpu.memory_space<any>> -> memref<1x512x1024xf32, #tpu.memory_space<any>>
        %dma_start3A_229 = tpu.memref_squeeze %dma_start3A_228 : memref<1x512x1024xf32, #tpu.memory_space<any>> -> memref<512x1024xf32, #tpu.memory_space<any>>
        tpu.enqueue_dma source(%dma_start3A_229 : memref<512x1024xf32, #tpu.memory_space<any>>) target(%dma_start3A_225 : memref<512x1024xf32, #tpu.memory_space<vmem>>) target_semaphore(%dma_start3A_221 : memref<!tpu.dma_semaphore, #tpu.memory_space<semaphore_mem>>)
        %dma_start3A_230 = arith.constant 1 : i32
        %dma_start3A_231 = arith.constant 1 : i32
        %dma_start3A_232 = tpu.memref_slice %arg13[%dma_start3A_230, %dma_start3A_231, %sub3A_170] : memref<3x4x2x!tpu.dma_semaphore, #tpu.memory_space<semaphore_mem>> -> memref<1x1x1x!tpu.dma_semaphore, #tpu.memory_space<semaphore_mem>>
        %dma_start3A_233 = tpu.memref_squeeze %dma_start3A_232 : memref<1x1x1x!tpu.dma_semaphore, #tpu.memory_space<semaphore_mem>> -> memref<!tpu.dma_semaphore, #tpu.memory_space<semaphore_mem>>
        %dma_start3A_234 = arith.constant 512 : i32
        %dma_start3A_235 = arith.constant 0 : i32
        %dma_start3A_236 = tpu.memref_slice %arg11[%sub3A_170, %dma_start3A_234, %dma_start3A_235] : memref<2x2048x1024xf32, #tpu.memory_space<vmem>> -> memref<1x512x1024xf32, #tpu.memory_space<vmem>>
        %dma_start3A_237 = tpu.memref_squeeze %dma_start3A_236 : memref<1x512x1024xf32, #tpu.memory_space<vmem>> -> memref<512x1024xf32, #tpu.memory_space<vmem>>
        %dma_start3A_238 = arith.constant 512 : i32
        %dma_start3A_239 = arith.constant 0 : i32
        %dma_start3A_240 = tpu.memref_slice %arg7[%get3A_169, %dma_start3A_238, %dma_start3A_239] : memref<8x2048x1024xf32, #tpu.memory_space<any>> -> memref<1x512x1024xf32, #tpu.memory_space<any>>
        %dma_start3A_241 = tpu.memref_squeeze %dma_start3A_240 : memref<1x512x1024xf32, #tpu.memory_space<any>> -> memref<512x1024xf32, #tpu.memory_space<any>>
        tpu.enqueue_dma source(%dma_start3A_241 : memref<512x1024xf32, #tpu.memory_space<any>>) target(%dma_start3A_237 : memref<512x1024xf32, #tpu.memory_space<vmem>>) target_semaphore(%dma_start3A_233 : memref<!tpu.dma_semaphore, #tpu.memory_space<semaphore_mem>>)
        %dma_start3A_242 = arith.constant 1 : i32
        %dma_start3A_243 = arith.constant 2 : i32
        %dma_start3A_244 = tpu.memref_slice %arg13[%dma_start3A_242, %dma_start3A_243, %sub3A_170] : memref<3x4x2x!tpu.dma_semaphore, #tpu.memory_space<semaphore_mem>> -> memref<1x1x1x!tpu.dma_semaphore, #tpu.memory_space<semaphore_mem>>
        %dma_start3A_245 = tpu.memref_squeeze %dma_start3A_244 : memref<1x1x1x!tpu.dma_semaphore, #tpu.memory_space<semaphore_mem>> -> memref<!tpu.dma_semaphore, #tpu.memory_space<semaphore_mem>>
        %dma_start3A_246 = arith.constant 1024 : i32
        %dma_start3A_247 = arith.constant 0 : i32
        %dma_start3A_248 = tpu.memref_slice %arg11[%sub3A_170, %dma_start3A_246, %dma_start3A_247] : memref<2x2048x1024xf32, #tpu.memory_space<vmem>> -> memref<1x512x1024xf32, #tpu.memory_space<vmem>>
        %dma_start3A_249 = tpu.memref_squeeze %dma_start3A_248 : memref<1x512x1024xf32, #tpu.memory_space<vmem>> -> memref<512x1024xf32, #tpu.memory_space<vmem>>
        %dma_start3A_250 = arith.constant 1024 : i32
        %dma_start3A_251 = arith.constant 0 : i32
        %dma_start3A_252 = tpu.memref_slice %arg7[%get3A_169, %dma_start3A_250, %dma_start3A_251] : memref<8x2048x1024xf32, #tpu.memory_space<any>> -> memref<1x512x1024xf32, #tpu.memory_space<any>>
        %dma_start3A_253 = tpu.memref_squeeze %dma_start3A_252 : memref<1x512x1024xf32, #tpu.memory_space<any>> -> memref<512x1024xf32, #tpu.memory_space<any>>
        tpu.enqueue_dma source(%dma_start3A_253 : memref<512x1024xf32, #tpu.memory_space<any>>) target(%dma_start3A_249 : memref<512x1024xf32, #tpu.memory_space<vmem>>) target_semaphore(%dma_start3A_245 : memref<!tpu.dma_semaphore, #tpu.memory_space<semaphore_mem>>)
        %dma_start3A_254 = arith.constant 1 : i32
        %dma_start3A_255 = arith.constant 3 : i32
        %dma_start3A_256 = tpu.memref_slice %arg13[%dma_start3A_254, %dma_start3A_255, %sub3A_170] : memref<3x4x2x!tpu.dma_semaphore, #tpu.memory_space<semaphore_mem>> -> memref<1x1x1x!tpu.dma_semaphore, #tpu.memory_space<semaphore_mem>>
        %dma_start3A_257 = tpu.memref_squeeze %dma_start3A_256 : memref<1x1x1x!tpu.dma_semaphore, #tpu.memory_space<semaphore_mem>> -> memref<!tpu.dma_semaphore, #tpu.memory_space<semaphore_mem>>
        %dma_start3A_258 = arith.constant 1536 : i32
        %dma_start3A_259 = arith.constant 0 : i32
        %dma_start3A_260 = tpu.memref_slice %arg11[%sub3A_170, %dma_start3A_258, %dma_start3A_259] : memref<2x2048x1024xf32, #tpu.memory_space<vmem>> -> memref<1x512x1024xf32, #tpu.memory_space<vmem>>
        %dma_start3A_261 = tpu.memref_squeeze %dma_start3A_260 : memref<1x512x1024xf32, #tpu.memory_space<vmem>> -> memref<512x1024xf32, #tpu.memory_space<vmem>>
        %dma_start3A_262 = arith.constant 1536 : i32
        %dma_start3A_263 = arith.constant 0 : i32
        %dma_start3A_264 = tpu.memref_slice %arg7[%get3A_169, %dma_start3A_262, %dma_start3A_263] : memref<8x2048x1024xf32, #tpu.memory_space<any>> -> memref<1x512x1024xf32, #tpu.memory_space<any>>
        %dma_start3A_265 = tpu.memref_squeeze %dma_start3A_264 : memref<1x512x1024xf32, #tpu.memory_space<any>> -> memref<512x1024xf32, #tpu.memory_space<any>>
        tpu.enqueue_dma source(%dma_start3A_265 : memref<512x1024xf32, #tpu.memory_space<any>>) target(%dma_start3A_261 : memref<512x1024xf32, #tpu.memory_space<vmem>>) target_semaphore(%dma_start3A_257 : memref<!tpu.dma_semaphore, #tpu.memory_space<semaphore_mem>>)
        %dma_start3A_266 = arith.constant 2 : i32
        %dma_start3A_267 = arith.constant 0 : i32
        %dma_start3A_268 = tpu.memref_slice %arg13[%dma_start3A_266, %dma_start3A_267, %sub3A_170] : memref<3x4x2x!tpu.dma_semaphore, #tpu.memory_space<semaphore_mem>> -> memref<1x1x1x!tpu.dma_semaphore, #tpu.memory_space<semaphore_mem>>
        %dma_start3A_269 = tpu.memref_squeeze %dma_start3A_268 : memref<1x1x1x!tpu.dma_semaphore, #tpu.memory_space<semaphore_mem>> -> memref<!tpu.dma_semaphore, #tpu.memory_space<semaphore_mem>>
        %dma_start3A_270 = arith.constant 0 : i32
        %dma_start3A_271 = arith.constant 0 : i32
        %dma_start3A_272 = tpu.memref_slice %arg12[%sub3A_170, %dma_start3A_270, %dma_start3A_271] : memref<2x1024x2048xf32, #tpu.memory_space<vmem>> -> memref<1x256x2048xf32, #tpu.memory_space<vmem>>
        %dma_start3A_273 = tpu.memref_squeeze %dma_start3A_272 : memref<1x256x2048xf32, #tpu.memory_space<vmem>> -> memref<256x2048xf32, #tpu.memory_space<vmem>>
        %dma_start3A_274 = arith.constant 0 : i32
        %dma_start3A_275 = arith.constant 0 : i32
        %dma_start3A_276 = tpu.memref_slice %arg8[%get3A_169, %dma_start3A_274, %dma_start3A_275] : memref<8x1024x2048xf32, #tpu.memory_space<any>> -> memref<1x256x2048xf32, #tpu.memory_space<any>>
        %dma_start3A_277 = tpu.memref_squeeze %dma_start3A_276 : memref<1x256x2048xf32, #tpu.memory_space<any>> -> memref<256x2048xf32, #tpu.memory_space<any>>
        tpu.enqueue_dma source(%dma_start3A_277 : memref<256x2048xf32, #tpu.memory_space<any>>) target(%dma_start3A_273 : memref<256x2048xf32, #tpu.memory_space<vmem>>) target_semaphore(%dma_start3A_269 : memref<!tpu.dma_semaphore, #tpu.memory_space<semaphore_mem>>)
        %dma_start3A_278 = arith.constant 2 : i32
        %dma_start3A_279 = arith.constant 1 : i32
        %dma_start3A_280 = tpu.memref_slice %arg13[%dma_start3A_278, %dma_start3A_279, %sub3A_170] : memref<3x4x2x!tpu.dma_semaphore, #tpu.memory_space<semaphore_mem>> -> memref<1x1x1x!tpu.dma_semaphore, #tpu.memory_space<semaphore_mem>>
        %dma_start3A_281 = tpu.memref_squeeze %dma_start3A_280 : memref<1x1x1x!tpu.dma_semaphore, #tpu.memory_space<semaphore_mem>> -> memref<!tpu.dma_semaphore, #tpu.memory_space<semaphore_mem>>
        %dma_start3A_282 = arith.constant 256 : i32
        %dma_start3A_283 = arith.constant 0 : i32
        %dma_start3A_284 = tpu.memref_slice %arg12[%sub3A_170, %dma_start3A_282, %dma_start3A_283] : memref<2x1024x2048xf32, #tpu.memory_space<vmem>> -> memref<1x256x2048xf32, #tpu.memory_space<vmem>>
        %dma_start3A_285 = tpu.memref_squeeze %dma_start3A_284 : memref<1x256x2048xf32, #tpu.memory_space<vmem>> -> memref<256x2048xf32, #tpu.memory_space<vmem>>
        %dma_start3A_286 = arith.constant 256 : i32
        %dma_start3A_287 = arith.constant 0 : i32
        %dma_start3A_288 = tpu.memref_slice %arg8[%get3A_169, %dma_start3A_286, %dma_start3A_287] : memref<8x1024x2048xf32, #tpu.memory_space<any>> -> memref<1x256x2048xf32, #tpu.memory_space<any>>
        %dma_start3A_289 = tpu.memref_squeeze %dma_start3A_288 : memref<1x256x2048xf32, #tpu.memory_space<any>> -> memref<256x2048xf32, #tpu.memory_space<any>>
        tpu.enqueue_dma source(%dma_start3A_289 : memref<256x2048xf32, #tpu.memory_space<any>>) target(%dma_start3A_285 : memref<256x2048xf32, #tpu.memory_space<vmem>>) target_semaphore(%dma_start3A_281 : memref<!tpu.dma_semaphore, #tpu.memory_space<semaphore_mem>>)
        %dma_start3A_290 = arith.constant 2 : i32
        %dma_start3A_291 = arith.constant 2 : i32
        %dma_start3A_292 = tpu.memref_slice %arg13[%dma_start3A_290, %dma_start3A_291, %sub3A_170] : memref<3x4x2x!tpu.dma_semaphore, #tpu.memory_space<semaphore_mem>> -> memref<1x1x1x!tpu.dma_semaphore, #tpu.memory_space<semaphore_mem>>
        %dma_start3A_293 = tpu.memref_squeeze %dma_start3A_292 : memref<1x1x1x!tpu.dma_semaphore, #tpu.memory_space<semaphore_mem>> -> memref<!tpu.dma_semaphore, #tpu.memory_space<semaphore_mem>>
        %dma_start3A_294 = arith.constant 512 : i32
        %dma_start3A_295 = arith.constant 0 : i32
        %dma_start3A_296 = tpu.memref_slice %arg12[%sub3A_170, %dma_start3A_294, %dma_start3A_295] : memref<2x1024x2048xf32, #tpu.memory_space<vmem>> -> memref<1x256x2048xf32, #tpu.memory_space<vmem>>
        %dma_start3A_297 = tpu.memref_squeeze %dma_start3A_296 : memref<1x256x2048xf32, #tpu.memory_space<vmem>> -> memref<256x2048xf32, #tpu.memory_space<vmem>>
        %dma_start3A_298 = arith.constant 512 : i32
        %dma_start3A_299 = arith.constant 0 : i32
        %dma_start3A_300 = tpu.memref_slice %arg8[%get3A_169, %dma_start3A_298, %dma_start3A_299] : memref<8x1024x2048xf32, #tpu.memory_space<any>> -> memref<1x256x2048xf32, #tpu.memory_space<any>>
        %dma_start3A_301 = tpu.memref_squeeze %dma_start3A_300 : memref<1x256x2048xf32, #tpu.memory_space<any>> -> memref<256x2048xf32, #tpu.memory_space<any>>
        tpu.enqueue_dma source(%dma_start3A_301 : memref<256x2048xf32, #tpu.memory_space<any>>) target(%dma_start3A_297 : memref<256x2048xf32, #tpu.memory_space<vmem>>) target_semaphore(%dma_start3A_293 : memref<!tpu.dma_semaphore, #tpu.memory_space<semaphore_mem>>)
        %dma_start3A_302 = arith.constant 2 : i32
        %dma_start3A_303 = arith.constant 3 : i32
        %dma_start3A_304 = tpu.memref_slice %arg13[%dma_start3A_302, %dma_start3A_303, %sub3A_170] : memref<3x4x2x!tpu.dma_semaphore, #tpu.memory_space<semaphore_mem>> -> memref<1x1x1x!tpu.dma_semaphore, #tpu.memory_space<semaphore_mem>>
        %dma_start3A_305 = tpu.memref_squeeze %dma_start3A_304 : memref<1x1x1x!tpu.dma_semaphore, #tpu.memory_space<semaphore_mem>> -> memref<!tpu.dma_semaphore, #tpu.memory_space<semaphore_mem>>
        %dma_start3A_306 = arith.constant 768 : i32
        %dma_start3A_307 = arith.constant 0 : i32
        %dma_start3A_308 = tpu.memref_slice %arg12[%sub3A_170, %dma_start3A_306, %dma_start3A_307] : memref<2x1024x2048xf32, #tpu.memory_space<vmem>> -> memref<1x256x2048xf32, #tpu.memory_space<vmem>>
        %dma_start3A_309 = tpu.memref_squeeze %dma_start3A_308 : memref<1x256x2048xf32, #tpu.memory_space<vmem>> -> memref<256x2048xf32, #tpu.memory_space<vmem>>
        %dma_start3A_310 = arith.constant 768 : i32
        %dma_start3A_311 = arith.constant 0 : i32
        %dma_start3A_312 = tpu.memref_slice %arg8[%get3A_169, %dma_start3A_310, %dma_start3A_311] : memref<8x1024x2048xf32, #tpu.memory_space<any>> -> memref<1x256x2048xf32, #tpu.memory_space<any>>
        %dma_start3A_313 = tpu.memref_squeeze %dma_start3A_312 : memref<1x256x2048xf32, #tpu.memory_space<any>> -> memref<256x2048xf32, #tpu.memory_space<any>>
        tpu.enqueue_dma source(%dma_start3A_313 : memref<256x2048xf32, #tpu.memory_space<any>>) target(%dma_start3A_309 : memref<256x2048xf32, #tpu.memory_space<vmem>>) target_semaphore(%dma_start3A_305 : memref<!tpu.dma_semaphore, #tpu.memory_space<semaphore_mem>>)
      } else {
      }
    } else {
    }
    %lt3A_13 = arith.constant 8 : i32
    %lt3A_14 = arith.cmpi slt, %get3A_0, %lt3A_13 : i32
    %convert_element_type3A_15 = arith.extui %lt3A_14 : i1 to i32
    %cond3A_16 = arith.constant 0 : i32
    %cond3A_17 = arith.cmpi ne, %convert_element_type3A_15, %cond3A_16 : i32
    scf.if %cond3A_17 {
      %get3A_18 = arith.constant 0 : index
      %get3A_19 = arith.constant 0 : index
      %get3A_20 = vector.load %arg5[%get3A_18, %get3A_19] : memref<256x2048xf32, #tpu.memory_space<vmem>>, vector<256x2048xf32>
      %get3A_21 = arith.index_cast %get3A_2 : i32 to index
      %get3A_22 = arith.constant 0 : index
      %get3A_23 = arith.constant 0 : index
      %get3A_24 = vector.load %arg10[%get3A_21, %get3A_22, %get3A_23] : memref<2x1024x2048xf32, #tpu.memory_space<vmem>>, vector<1x1024x2048xf32>
      %get3A_25 = vector.shape_cast %get3A_24 : vector<1x1024x2048xf32> to vector<1024x2048xf32>
      %dot_general3A = arith.constant dense<0.000000e+00> : vector<256x1024xf32>
      %dot_general3A_26 = tpu.matmul %get3A_20, %get3A_25, %dot_general3A {dimension_numbers = #tpu.dot_dimension_numbers<[1], [1], [0], [0], [0, 0, 1, 0], [], []>, transpose_lhs_hint = false} : vector<256x2048xf32>, vector<1024x2048xf32>, vector<256x1024xf32> -> vector<256x1024xf32>
      %get3A_27 = arith.index_cast %get3A_2 : i32 to index
      %get3A_28 = arith.constant 0 : index
      %get3A_29 = arith.constant 0 : index
      %get3A_30 = vector.load %arg12[%get3A_27, %get3A_28, %get3A_29] : memref<2x1024x2048xf32, #tpu.memory_space<vmem>>, vector<1x1024x2048xf32>
      %get3A_31 = vector.shape_cast %get3A_30 : vector<1x1024x2048xf32> to vector<1024x2048xf32>
      %dot_general3A_32 = arith.constant dense<0.000000e+00> : vector<256x1024xf32>
      %dot_general3A_33 = tpu.matmul %get3A_20, %get3A_31, %dot_general3A_32 {dimension_numbers = #tpu.dot_dimension_numbers<[1], [1], [0], [0], [0, 0, 1, 0], [], []>, transpose_lhs_hint = false} : vector<256x2048xf32>, vector<1024x2048xf32>, vector<256x1024xf32> -> vector<256x1024xf32>
      %logistic3A = arith.negf %dot_general3A_26 : vector<256x1024xf32>
      %logistic3A_34 = math.exp %logistic3A : vector<256x1024xf32>
      %logistic3A_35 = arith.constant 1.000000e+00 : f32
      %logistic3A_36 = vector.broadcast %logistic3A_35 : f32 to vector<256x1024xf32>
      %logistic3A_37 = arith.addf %logistic3A_36, %logistic3A_34 : vector<256x1024xf32>
      %logistic3A_38 = arith.divf %logistic3A_36, %logistic3A_37 : vector<256x1024xf32>
      %mul3A = arith.mulf %dot_general3A_26, %logistic3A_38 : vector<256x1024xf32>
      %mul3A_39 = arith.mulf %mul3A, %dot_general3A_33 : vector<256x1024xf32>
      %get3A_40 = arith.index_cast %get3A_2 : i32 to index
      %get3A_41 = arith.constant 0 : index
      %get3A_42 = arith.constant 0 : index
      %get3A_43 = vector.load %arg11[%get3A_40, %get3A_41, %get3A_42] : memref<2x2048x1024xf32, #tpu.memory_space<vmem>>, vector<1x2048x1024xf32>
      %get3A_44 = vector.shape_cast %get3A_43 : vector<1x2048x1024xf32> to vector<2048x1024xf32>
      %dot_general3A_45 = arith.constant dense<0.000000e+00> : vector<256x2048xf32>
      %dot_general3A_46 = tpu.matmul %mul3A_39, %get3A_44, %dot_general3A_45 {dimension_numbers = #tpu.dot_dimension_numbers<[1], [1], [0], [0], [0, 0, 1, 0], [], []>, transpose_lhs_hint = false} : vector<256x1024xf32>, vector<2048x1024xf32>, vector<256x2048xf32> -> vector<256x2048xf32>
      %swap3A = arith.constant 0 : index
      %swap3A_47 = arith.constant 0 : index
      %swap3A_48 = vector.load %arg9[%swap3A, %swap3A_47] : memref<256x2048xf32, #tpu.memory_space<vmem>>, vector<256x2048xf32>
      tpu.vector_store %arg9[%swap3A, %swap3A_47], %dot_general3A_46 {strides = array<i32>} : memref<256x2048xf32, #tpu.memory_space<vmem>>, vector<256x2048xf32>,
    } else {
    }
    return
  }
  func.func @transform_0(%arg0: i32, %arg1: memref<24xi32, #tpu.memory_space<smem>>, %arg2: memref<24xi32, #tpu.memory_space<smem>>, %arg3: memref<24xi32, #tpu.memory_space<smem>>, %arg4: memref<24xi32, #tpu.memory_space<smem>>) -> (i32, i32) {
    %get3A = arith.index_cast %arg0 : i32 to index
    %get3A_0 = memref.load %arg1[%get3A] : memref<24xi32, #tpu.memory_space<smem>>
    %lt3A = arith.constant 8 : i32
    %lt3A_1 = arith.cmpi slt, %get3A_0, %lt3A : i32
    %jit3A = arith.constant 23 : i32
    %select_n3A = arith.select %lt3A_1, %arg0, %jit3A : i32
    %c0_i32 = arith.constant 0 : i32
    %c0_i32_2 = arith.constant 0 : i32
    return %select_n3A, %c0_i32 : i32, i32
  }
  func.func @transform_4(%arg0: i32, %arg1: memref<24xi32, #tpu.memory_space<smem>>, %arg2: memref<24xi32, #tpu.memory_space<smem>>, %arg3: memref<24xi32, #tpu.memory_space<smem>>, %arg4: memref<24xi32, #tpu.memory_space<smem>>) -> (i32, i32) {
    %get3A = arith.index_cast %arg0 : i32 to index
    %get3A_0 = memref.load %arg1[%get3A] : memref<24xi32, #tpu.memory_space<smem>>
    %lt3A = arith.constant 8 : i32
    %lt3A_1 = arith.cmpi slt, %get3A_0, %lt3A : i32
    %jit3A = arith.constant 23 : i32
    %select_n3A = arith.select %lt3A_1, %arg0, %jit3A : i32
    %c0_i32 = arith.constant 0 : i32
    %c0_i32_2 = arith.constant 0 : i32
    return %select_n3A, %c0_i32 : i32, i32
  }
}

module attributes {stable_mosaic.version = 14 : i64} {
  func.func @_router_body(%arg0: memref<2048x2048xf32, #tpu.memory_space<vmem>>, %arg1: memref<8x2048xf32, #tpu.memory_space<vmem>>, %arg2: memref<2048x1xi32, #tpu.memory_space<vmem>>, %arg3: memref<2048x1xi32, #tpu.memory_space<vmem>>, %arg4: memref<2048x16xf32, #tpu.memory_space<vmem>>, %arg5: memref<2048x16xf32, #tpu.memory_space<vmem>>, %arg6: memref<8x24xi32, #tpu.memory_space<vmem>>, %arg7: memref<8x24xi32, #tpu.memory_space<vmem>>, %arg8: memref<8x24xi32, #tpu.memory_space<vmem>>, %arg9: memref<8x24xi32, #tpu.memory_space<vmem>>) attributes {dimension_semantics = [], scalar_prefetch = 0 : i64, scratch_operands = 0 : i64, tpu.core_type = #tpu.core_type<tc>} {
    %get3A = arith.constant 0 : index
    %get3A_0 = arith.constant 0 : index
    %get3A_1 = vector.load %arg0[%get3A, %get3A_0] : memref<2048x2048xf32, #tpu.memory_space<vmem>>, vector<2048x2048xf32>
    %get3A_2 = arith.constant 0 : index
    %get3A_3 = arith.constant 0 : index
    %get3A_4 = vector.load %arg1[%get3A_2, %get3A_3] : memref<8x2048xf32, #tpu.memory_space<vmem>>, vector<8x2048xf32>
    %dot_general3A = arith.constant dense<0.000000e+00> : vector<2048x8xf32>
    %dot_general3A_5 = tpu.matmul %get3A_1, %get3A_4, %dot_general3A {dimension_numbers = #tpu.dot_dimension_numbers<[1], [1], [0], [0], [0, 0, 1, 0], [], []>, transpose_lhs_hint = false} : vector<2048x2048xf32>, vector<8x2048xf32>, vector<2048x8xf32> -> vector<2048x8xf32>
    %iota3A = tpu.iota {dimensions = array<i32: 1>} : vector<2048x8xi32>
    %reduce_max3A = arith.constant dense<0xFF800000> : vector<2048xf32>
    %reduce_max3A_6 = vector.multi_reduction <maximumf>, %dot_general3A_5, %reduce_max3A [1] : vector<2048x8xf32> to vector<2048xf32>
    %broadcast_in_dim3A = vector.shape_cast %reduce_max3A_6 : vector<2048xf32> to vector<2048x1xf32>
    %eq3A = vector.broadcast %broadcast_in_dim3A : vector<2048x1xf32> to vector<2048x8xf32>
    %eq3A_7 = arith.cmpf oeq, %dot_general3A_5, %eq3A : vector<2048x8xf32>
    %jit3A = arith.constant 8 : i32
    %broadcast_in_dim3A_8 = vector.broadcast %jit3A : i32 to vector<2048x8xi32>
    %select_n3A = arith.select %eq3A_7, %iota3A, %broadcast_in_dim3A_8 : vector<2048x8xi1>, vector<2048x8xi32>
    %reduce_min3A = arith.constant dense<2147483647> : vector<2048xi32>
    %reduce_min3A_9 = vector.multi_reduction <minsi>, %select_n3A, %reduce_min3A [1] : vector<2048x8xi32> to vector<2048xi32>
    %broadcast_in_dim3A_10 = vector.shape_cast %reduce_min3A_9 : vector<2048xi32> to vector<2048x1xi32>
    %eq3A_11 = vector.broadcast %broadcast_in_dim3A_10 : vector<2048x1xi32> to vector<2048x8xi32>
    %eq3A_12 = arith.cmpi eq, %iota3A, %eq3A_11 : vector<2048x8xi32>
    %jit3A_13 = arith.constant -1.000000e+30 : f32
    %broadcast_in_dim3A_14 = vector.broadcast %jit3A_13 : f32 to vector<2048x8xf32>
    %select_n3A_15 = arith.select %eq3A_12, %broadcast_in_dim3A_14, %dot_general3A_5 : vector<2048x8xi1>, vector<2048x8xf32>
    %reduce_max3A_16 = arith.constant dense<0xFF800000> : vector<2048xf32>
    %reduce_max3A_17 = vector.multi_reduction <maximumf>, %select_n3A_15, %reduce_max3A_16 [1] : vector<2048x8xf32> to vector<2048xf32>
    %broadcast_in_dim3A_18 = vector.shape_cast %reduce_max3A_17 : vector<2048xf32> to vector<2048x1xf32>
    %eq3A_19 = vector.broadcast %broadcast_in_dim3A_18 : vector<2048x1xf32> to vector<2048x8xf32>
    %eq3A_20 = arith.cmpf oeq, %select_n3A_15, %eq3A_19 : vector<2048x8xf32>
    %jit3A_21 = arith.constant 8 : i32
    %broadcast_in_dim3A_22 = vector.broadcast %jit3A_21 : i32 to vector<2048x8xi32>
    %select_n3A_23 = arith.select %eq3A_20, %iota3A, %broadcast_in_dim3A_22 : vector<2048x8xi1>, vector<2048x8xi32>
    %reduce_min3A_24 = arith.constant dense<2147483647> : vector<2048xi32>
    %reduce_min3A_25 = vector.multi_reduction <minsi>, %select_n3A_23, %reduce_min3A_24 [1] : vector<2048x8xi32> to vector<2048xi32>
    %broadcast_in_dim3A_26 = vector.shape_cast %reduce_min3A_25 : vector<2048xi32> to vector<2048x1xi32>
    %sub3A = arith.subf %broadcast_in_dim3A_18, %broadcast_in_dim3A : vector<2048x1xf32>
    %exp3A = math.exp %sub3A : vector<2048x1xf32>
    %add3A = arith.constant 1.000000e+00 : f32
    %add3A_27 = vector.broadcast %add3A : f32 to vector<2048x1xf32>
    %add3A_28 = arith.addf %add3A_27, %exp3A : vector<2048x1xf32>
    %div3A = arith.constant 1.000000e+00 : f32
    %div3A_29 = vector.broadcast %div3A : f32 to vector<2048x1xf32>
    %div3A_30 = arith.divf %div3A_29, %add3A_28 : vector<2048x1xf32>
    %eq3A_31 = vector.broadcast %broadcast_in_dim3A_10 : vector<2048x1xi32> to vector<2048x8xi32>
    %eq3A_32 = arith.cmpi eq, %iota3A, %eq3A_31 : vector<2048x8xi32>
    %convert_element_type3A = arith.extui %eq3A_32 : vector<2048x8xi1> to vector<2048x8xi32>
    %convert_element_type3A_33 = arith.sitofp %convert_element_type3A : vector<2048x8xi32> to vector<2048x8xf32>
    %eq3A_34 = vector.broadcast %broadcast_in_dim3A_26 : vector<2048x1xi32> to vector<2048x8xi32>
    %eq3A_35 = arith.cmpi eq, %iota3A, %eq3A_34 : vector<2048x8xi32>
    %convert_element_type3A_36 = arith.extui %eq3A_35 : vector<2048x8xi1> to vector<2048x8xi32>
    %convert_element_type3A_37 = arith.sitofp %convert_element_type3A_36 : vector<2048x8xi32> to vector<2048x8xf32>
    %add3A_38 = arith.addf %convert_element_type3A_33, %convert_element_type3A_37 : vector<2048x8xf32>
    %iota3A_39 = tpu.iota {dimensions = array<i32: 0>} : vector<2048x2048xi32>
    %iota3A_40 = tpu.iota {dimensions = array<i32: 1>} : vector<2048x2048xi32>
    %lt3A = arith.cmpi slt, %iota3A_40, %iota3A_39 : vector<2048x2048xi32>
    %convert_element_type3A_41 = arith.extui %lt3A : vector<2048x2048xi1> to vector<2048x2048xi32>
    %convert_element_type3A_42 = arith.sitofp %convert_element_type3A_41 : vector<2048x2048xi32> to vector<2048x2048xf32>
    %dot_general3A_43 = arith.constant dense<0.000000e+00> : vector<2048x8xf32>
    %dot_general3A_44 = tpu.matmul %convert_element_type3A_42, %add3A_38, %dot_general3A_43 {dimension_numbers = #tpu.dot_dimension_numbers<[1], [0], [0], [1], [0, 0, 1, 1], [], []>, transpose_lhs_hint = false} : vector<2048x2048xf32>, vector<2048x8xf32>, vector<2048x8xf32> -> vector<2048x8xf32>
    %reduce_sum3A = arith.constant dense<0.000000e+00> : vector<8xf32>
    %reduce_sum3A_45 = vector.multi_reduction <add>, %add3A_38, %reduce_sum3A [0] : vector<2048x8xf32> to vector<8xf32>
    %broadcast_in_dim3A_46 = vector.shape_cast %reduce_sum3A_45 : vector<8xf32> to vector<1x8xf32>
    %add3A_47 = arith.constant 2.550000e+02 : f32
    %add3A_48 = vector.broadcast %add3A_47 : f32 to vector<1x8xf32>
    %add3A_49 = arith.addf %broadcast_in_dim3A_46, %add3A_48 : vector<1x8xf32>
    %div3A_50 = arith.constant 2.560000e+02 : f32
    %div3A_51 = vector.broadcast %div3A_50 : f32 to vector<1x8xf32>
    %div3A_52 = arith.divf %add3A_49, %div3A_51 : vector<1x8xf32>
    %floor3A = math.floor %div3A_52 : vector<1x8xf32>
    %iota3A_53 = tpu.iota {dimensions = array<i32: 0>} : vector<8x8xi32>
    %iota3A_54 = tpu.iota {dimensions = array<i32: 1>} : vector<8x8xi32>
    %lt3A_55 = arith.cmpi slt, %iota3A_53, %iota3A_54 : vector<8x8xi32>
    %convert_element_type3A_56 = arith.extui %lt3A_55 : vector<8x8xi1> to vector<8x8xi32>
    %convert_element_type3A_57 = arith.sitofp %convert_element_type3A_56 : vector<8x8xi32> to vector<8x8xf32>
    %dot_general3A_58 = arith.constant dense<0.000000e+00> : vector<1x8xf32>
    %dot_general3A_59 = tpu.matmul %floor3A, %convert_element_type3A_57, %dot_general3A_58 {dimension_numbers = #tpu.dot_dimension_numbers<[1], [0], [0], [1], [0, 0, 1, 1], [], []>, transpose_lhs_hint = false} : vector<1x8xf32>, vector<8x8xf32>, vector<1x8xf32> -> vector<1x8xf32>
    %mul3A = arith.constant 2.560000e+02 : f32
    %mul3A_60 = vector.broadcast %mul3A : f32 to vector<1x8xf32>
    %mul3A_61 = arith.mulf %mul3A_60, %dot_general3A_59 : vector<1x8xf32>
    %add3A_62 = vector.broadcast %mul3A_61 : vector<1x8xf32> to vector<2048x8xf32>
    %add3A_63 = arith.addf %add3A_62, %dot_general3A_44 : vector<2048x8xf32>
    %mul3A_64 = arith.mulf %convert_element_type3A_33, %add3A_63 : vector<2048x8xf32>
    %reduce_sum3A_65 = arith.constant dense<0.000000e+00> : vector<2048xf32>
    %reduce_sum3A_66 = vector.multi_reduction <add>, %mul3A_64, %reduce_sum3A_65 [1] : vector<2048x8xf32> to vector<2048xf32>
    %broadcast_in_dim3A_67 = vector.shape_cast %reduce_sum3A_66 : vector<2048xf32> to vector<2048x1xf32>
    %convert_element_type3A_68 = arith.fptosi %broadcast_in_dim3A_67 : vector<2048x1xf32> to vector<2048x1xi32>
    %swap3A = arith.constant 0 : index
    %swap3A_69 = arith.constant 0 : index
    %swap3A_70 = vector.load %arg2[%swap3A, %swap3A_69] : memref<2048x1xi32, #tpu.memory_space<vmem>>, vector<2048x1xi32>
    tpu.vector_store %arg2[%swap3A, %swap3A_69], %convert_element_type3A_68 {strides = array<i32>} : memref<2048x1xi32, #tpu.memory_space<vmem>>, vector<2048x1xi32>,
    %mul3A_71 = arith.mulf %convert_element_type3A_37, %add3A_63 : vector<2048x8xf32>
    %reduce_sum3A_72 = arith.constant dense<0.000000e+00> : vector<2048xf32>
    %reduce_sum3A_73 = vector.multi_reduction <add>, %mul3A_71, %reduce_sum3A_72 [1] : vector<2048x8xf32> to vector<2048xf32>
    %broadcast_in_dim3A_74 = vector.shape_cast %reduce_sum3A_73 : vector<2048xf32> to vector<2048x1xf32>
    %convert_element_type3A_75 = arith.fptosi %broadcast_in_dim3A_74 : vector<2048x1xf32> to vector<2048x1xi32>
    %swap3A_76 = arith.constant 0 : index
    %swap3A_77 = arith.constant 0 : index
    %swap3A_78 = vector.load %arg3[%swap3A_76, %swap3A_77] : memref<2048x1xi32, #tpu.memory_space<vmem>>, vector<2048x1xi32>
    tpu.vector_store %arg3[%swap3A_76, %swap3A_77], %convert_element_type3A_75 {strides = array<i32>} : memref<2048x1xi32, #tpu.memory_space<vmem>>, vector<2048x1xi32>,
    %broadcast_in_dim3A_79 = vector.shape_cast %div3A_30 : vector<2048x1xf32> to vector<2048x1xf32>
    %broadcast_in_dim3A_80 = vector.broadcast %broadcast_in_dim3A_79 : vector<2048x1xf32> to vector<2048x16xf32>
    %swap3A_81 = arith.constant 0 : index
    %swap3A_82 = arith.constant 0 : index
    %swap3A_83 = vector.load %arg4[%swap3A_81, %swap3A_82] : memref<2048x16xf32, #tpu.memory_space<vmem>>, vector<2048x16xf32>
    tpu.vector_store %arg4[%swap3A_81, %swap3A_82], %broadcast_in_dim3A_80 {strides = array<i32>} : memref<2048x16xf32, #tpu.memory_space<vmem>>, vector<2048x16xf32>,
    %sub3A_84 = arith.constant 1.000000e+00 : f32
    %sub3A_85 = vector.broadcast %sub3A_84 : f32 to vector<2048x1xf32>
    %sub3A_86 = arith.subf %sub3A_85, %div3A_30 : vector<2048x1xf32>
    %broadcast_in_dim3A_87 = vector.shape_cast %sub3A_86 : vector<2048x1xf32> to vector<2048x1xf32>
    %broadcast_in_dim3A_88 = vector.broadcast %broadcast_in_dim3A_87 : vector<2048x1xf32> to vector<2048x16xf32>
    %swap3A_89 = arith.constant 0 : index
    %swap3A_90 = arith.constant 0 : index
    %swap3A_91 = vector.load %arg5[%swap3A_89, %swap3A_90] : memref<2048x16xf32, #tpu.memory_space<vmem>>, vector<2048x16xf32>
    tpu.vector_store %arg5[%swap3A_89, %swap3A_90], %broadcast_in_dim3A_88 {strides = array<i32>} : memref<2048x16xf32, #tpu.memory_space<vmem>>, vector<2048x16xf32>,
    %add3A_92 = arith.addf %dot_general3A_59, %floor3A : vector<1x8xf32>
    %broadcast_in_dim3A_93 = arith.constant 1.000000e+00 : f32
    %broadcast_in_dim3A_94 = vector.broadcast %broadcast_in_dim3A_93 : f32 to vector<1x24xf32>
    %dot_general3A_95 = arith.constant dense<0.000000e+00> : vector<8x24xf32>
    %dot_general3A_96 = tpu.matmul %add3A_92, %broadcast_in_dim3A_94, %dot_general3A_95 {dimension_numbers = #tpu.dot_dimension_numbers<[0], [0], [1], [1], [0, 1, 1, 1], [], []>, transpose_lhs_hint = false} : vector<1x8xf32>, vector<1x24xf32>, vector<8x24xf32> -> vector<8x24xf32>
    %iota3A_97 = tpu.iota {dimensions = array<i32: 1>} : vector<8x24xi32>
    %convert_element_type3A_98 = arith.fptosi %dot_general3A_96 : vector<8x24xf32> to vector<8x24xi32>
    %ge3A = arith.cmpi sge, %iota3A_97, %convert_element_type3A_98 : vector<8x24xi32>
    %convert_element_type3A_99 = arith.extui %ge3A : vector<8x24xi1> to vector<8x24xi32>
    %reduce_sum3A_100 = arith.constant dense<0> : vector<24xi32>
    %reduce_sum3A_101 = vector.multi_reduction <add>, %convert_element_type3A_99, %reduce_sum3A_100 [0] : vector<8x24xi32> to vector<24xi32>
    %broadcast_in_dim3A_102 = vector.shape_cast %reduce_sum3A_101 : vector<24xi32> to vector<1x24xi32>
    %broadcast_in_dim3A_103 = vector.shape_cast %broadcast_in_dim3A_102 : vector<1x24xi32> to vector<1x24xi32>
    %broadcast_in_dim3A_104 = vector.broadcast %broadcast_in_dim3A_103 : vector<1x24xi32> to vector<8x24xi32>
    %swap3A_105 = arith.constant 0 : index
    %swap3A_106 = arith.constant 0 : index
    %swap3A_107 = vector.load %arg6[%swap3A_105, %swap3A_106] : memref<8x24xi32, #tpu.memory_space<vmem>>, vector<8x24xi32>
    tpu.vector_store %arg6[%swap3A_105, %swap3A_106], %broadcast_in_dim3A_104 {strides = array<i32>} : memref<8x24xi32, #tpu.memory_space<vmem>>, vector<8x24xi32>,
    %broadcast_in_dim3A_108 = arith.constant 1.000000e+00 : f32
    %broadcast_in_dim3A_109 = vector.broadcast %broadcast_in_dim3A_108 : f32 to vector<1x24xf32>
    %dot_general3A_110 = arith.constant dense<0.000000e+00> : vector<8x24xf32>
    %dot_general3A_111 = tpu.matmul %dot_general3A_59, %broadcast_in_dim3A_109, %dot_general3A_110 {dimension_numbers = #tpu.dot_dimension_numbers<[0], [0], [1], [1], [0, 1, 1, 1], [], []>, transpose_lhs_hint = false} : vector<1x8xf32>, vector<1x24xf32>, vector<8x24xf32> -> vector<8x24xf32>
    %dot_general3A_112 = arith.constant dense<0.000000e+00> : vector<8x24xf32>
    %dot_general3A_113 = tpu.matmul %broadcast_in_dim3A_46, %broadcast_in_dim3A_109, %dot_general3A_112 {dimension_numbers = #tpu.dot_dimension_numbers<[0], [0], [1], [1], [0, 1, 1, 1], [], []>, transpose_lhs_hint = false} : vector<1x8xf32>, vector<1x24xf32>, vector<8x24xf32> -> vector<8x24xf32>
    %iota3A_114 = tpu.iota {dimensions = array<i32: 0>} : vector<8x24xi32>
    %convert_element_type3A_115 = arith.fptosi %dot_general3A_111 : vector<8x24xf32> to vector<8x24xi32>
    %eq3A_116 = arith.cmpi eq, %iota3A_97, %convert_element_type3A_115 : vector<8x24xi32>
    %gt3A = arith.constant 5.000000e-01 : f32
    %gt3A_117 = vector.broadcast %gt3A : f32 to vector<8x24xf32>
    %gt3A_118 = arith.cmpf ogt, %dot_general3A_113, %gt3A_117 : vector<8x24xf32>
    %and3A = arith.andi %eq3A_116, %gt3A_118 : vector<8x24xi1>
    %convert_element_type3A_119 = arith.extui %and3A : vector<8x24xi1> to vector<8x24xi32>
    %reduce_max3A_120 = arith.constant dense<-2147483648> : vector<24xi32>
    %reduce_max3A_121 = vector.multi_reduction <maxsi>, %convert_element_type3A_119, %reduce_max3A_120 [0] : vector<8x24xi32> to vector<24xi32>
    %broadcast_in_dim3A_122 = vector.shape_cast %reduce_max3A_121 : vector<24xi32> to vector<1x24xi32>
    %broadcast_in_dim3A_123 = vector.shape_cast %broadcast_in_dim3A_102 : vector<1x24xi32> to vector<1x24xi32>
    %broadcast_in_dim3A_124 = vector.broadcast %broadcast_in_dim3A_123 : vector<1x24xi32> to vector<8x24xi32>
    %gt3A_125 = arith.cmpi sgt, %iota3A_114, %broadcast_in_dim3A_124 : vector<8x24xi32>
    %gt3A_126 = arith.constant 5.000000e-01 : f32
    %gt3A_127 = vector.broadcast %gt3A_126 : f32 to vector<8x24xf32>
    %gt3A_128 = arith.cmpf ogt, %dot_general3A_113, %gt3A_127 : vector<8x24xf32>
    %and3A_129 = arith.andi %gt3A_125, %gt3A_128 : vector<8x24xi1>
    %jit3A_130 = arith.constant 8 : i32
    %broadcast_in_dim3A_131 = vector.broadcast %jit3A_130 : i32 to vector<8x24xi32>
    %select_n3A_132 = arith.select %and3A_129, %iota3A_114, %broadcast_in_dim3A_131 : vector<8x24xi1>, vector<8x24xi32>
    %reduce_min3A_133 = arith.constant dense<2147483647> : vector<24xi32>
    %reduce_min3A_134 = vector.multi_reduction <minsi>, %select_n3A_132, %reduce_min3A_133 [0] : vector<8x24xi32> to vector<24xi32>
    %broadcast_in_dim3A_135 = vector.shape_cast %reduce_min3A_134 : vector<24xi32> to vector<1x24xi32>
    %iota3A_136 = tpu.iota {dimensions = array<i32: 0>} : vector<24x24xi32>
    %iota3A_137 = tpu.iota {dimensions = array<i32: 1>} : vector<24x24xi32>
    %le3A = arith.cmpi sle, %iota3A_136, %iota3A_137 : vector<24x24xi32>
    %convert_element_type3A_138 = arith.extui %le3A : vector<24x24xi1> to vector<24x24xi32>
    %convert_element_type3A_139 = arith.sitofp %convert_element_type3A_138 : vector<24x24xi32> to vector<24x24xf32>
    %convert_element_type3A_140 = arith.sitofp %broadcast_in_dim3A_122 : vector<1x24xi32> to vector<1x24xf32>
    %dot_general3A_141 = arith.constant dense<0.000000e+00> : vector<1x24xf32>
    %dot_general3A_142 = tpu.matmul %convert_element_type3A_140, %convert_element_type3A_139, %dot_general3A_141 {dimension_numbers = #tpu.dot_dimension_numbers<[1], [0], [0], [1], [0, 0, 1, 1], [], []>, transpose_lhs_hint = false} : vector<1x24xf32>, vector<24x24xf32>, vector<1x24xf32> -> vector<1x24xf32>
    %sub3A_143 = arith.constant 1.000000e+00 : f32
    %sub3A_144 = vector.broadcast %sub3A_143 : f32 to vector<1x24xf32>
    %sub3A_145 = arith.subf %dot_general3A_142, %sub3A_144 : vector<1x24xf32>
    %mul3A_146 = arith.constant 5.000000e-01 : f32
    %mul3A_147 = vector.broadcast %mul3A_146 : f32 to vector<1x24xf32>
    %mul3A_148 = arith.mulf %sub3A_145, %mul3A_147 : vector<1x24xf32>
    %floor3A_149 = math.floor %mul3A_148 : vector<1x24xf32>
    %mul3A_150 = arith.constant 2.000000e+00 : f32
    %mul3A_151 = vector.broadcast %mul3A_150 : f32 to vector<1x24xf32>
    %mul3A_152 = arith.mulf %mul3A_151, %floor3A_149 : vector<1x24xf32>
    %sub3A_153 = arith.subf %sub3A_145, %mul3A_152 : vector<1x24xf32>
    %convert_element_type3A_154 = arith.fptosi %sub3A_153 : vector<1x24xf32> to vector<1x24xi32>
    %broadcast_in_dim3A_155 = vector.shape_cast %broadcast_in_dim3A_122 : vector<1x24xi32> to vector<1x24xi32>
    %broadcast_in_dim3A_156 = vector.broadcast %broadcast_in_dim3A_155 : vector<1x24xi32> to vector<8x24xi32>
    %swap3A_157 = arith.constant 0 : index
    %swap3A_158 = arith.constant 0 : index
    %swap3A_159 = vector.load %arg7[%swap3A_157, %swap3A_158] : memref<8x24xi32, #tpu.memory_space<vmem>>, vector<8x24xi32>
    tpu.vector_store %arg7[%swap3A_157, %swap3A_158], %broadcast_in_dim3A_156 {strides = array<i32>} : memref<8x24xi32, #tpu.memory_space<vmem>>, vector<8x24xi32>,
    %broadcast_in_dim3A_160 = vector.shape_cast %broadcast_in_dim3A_135 : vector<1x24xi32> to vector<1x24xi32>
    %broadcast_in_dim3A_161 = vector.broadcast %broadcast_in_dim3A_160 : vector<1x24xi32> to vector<8x24xi32>
    %swap3A_162 = arith.constant 0 : index
    %swap3A_163 = arith.constant 0 : index
    %swap3A_164 = vector.load %arg8[%swap3A_162, %swap3A_163] : memref<8x24xi32, #tpu.memory_space<vmem>>, vector<8x24xi32>
    tpu.vector_store %arg8[%swap3A_162, %swap3A_163], %broadcast_in_dim3A_161 {strides = array<i32>} : memref<8x24xi32, #tpu.memory_space<vmem>>, vector<8x24xi32>,
    %broadcast_in_dim3A_165 = vector.shape_cast %convert_element_type3A_154 : vector<1x24xi32> to vector<1x24xi32>
    %broadcast_in_dim3A_166 = vector.broadcast %broadcast_in_dim3A_165 : vector<1x24xi32> to vector<8x24xi32>
    %swap3A_167 = arith.constant 0 : index
    %swap3A_168 = arith.constant 0 : index
    %swap3A_169 = vector.load %arg9[%swap3A_167, %swap3A_168] : memref<8x24xi32, #tpu.memory_space<vmem>>, vector<8x24xi32>
    tpu.vector_store %arg9[%swap3A_167, %swap3A_168], %broadcast_in_dim3A_166 {strides = array<i32>} : memref<8x24xi32, #tpu.memory_space<vmem>>, vector<8x24xi32>,
    return
  }
}

</mosaic_0001>

<sc_bundles>
// kernel: kernel.6.cloned.1.call-start
scs
__scs_entry_jumppad:
0x0: {  	(pc) =	sbr.rel $0x88, $3  }
0x1: {  	(tag) =	ssettag $0x0;
	lr =	simm.s32 $0x1  }
0x2: {  	[smem:$0x3F9C] =	sst lr;
	_ =	strace $0xD0000000  }
0x3: {  	_ = 	snop  }
0x4: {  	_ = 	snop  }
0x5: {  	_ = 	snop  }
0x6: {  	_ = 	snop  }
0x7: {  	_ = 	snop  }
__scs_overlays_trampoline_lowered:
0x8: {  	[smem:$0x3FAB] =	sst s0  }
0x9: {  	[smem:$0x3FAC] =	sst s1  }
0xa: {  	[smem:$0x3FAD] =	sst s2  }
0xb: {  	[smem:$0x3FAE] =	sst s3  }
0xc: {  	[smem:$0x3FAF] =	sst s4  }
0xd: {  	[smem:$0x3FB0] =	sst s5  }
0xe: {  	[smem:$0x3FB1] =	sst s6  }
0xf: {  	[smem:$0x3FB2] =	sst s7  }
0x10: {  	[smem:$0x3FB3] =	sst s8  }
0x11: {  	[smem:$0x3FB4] =	sst s9;
	s0 =	simm.s32 @!p0 $0x0  }
0x12: {  	s1 =	sld [smem:$0x3F9A];
	s0 =	simm.s32 @p0 $0x1  }
0x13: {  	[smem:$0x3FB5] =	sst s0;
	s0 =	simm.s32 @!p1 $0x0  }
0x14: {  	s2 =	sld [smem:$0x3F99];
	s0 =	simm.s32 @p1 $0x1  }
0x15: {  	[smem:$0x3FB6] =	sst s0;
	s0 =	simm.s32 @!p2 $0x0  }
0x16: {  	s3 =	sld [smem:$0x3FDB];
	s0 =	simm.s32 @p2 $0x1  }
0x17: {  	s4 =	simm.s32 $0x1BF5;
	[smem:$0x3FB8] =	sst s0  }
0x18: {  	s0 =	sld [smem:$0x3F9B];
	_ =	swait.ge [sflag:s4], $0x0  }
0x19: {  	s7 =	sld [smem:$0x3F9C]  }
0x1a: {  	s8 =	sadd.s32 $0xFFFFE003, lr  }
0x1b: {  	s9 =	sadd.s32 $0xFFFFFEF7, lr;
	s5 =	simm.s32 $0xFFFFFFFF;
	p2 =	slt.u32 s8, $0xFFFFF086  }
0x1c: {  	p1 =	slt.u32 s9, $0xF7A;
	s5 =	simm.s32 @!p2 $0x0  }
0x1d: {  	s5 =	simm.s32 @p1 $0x1;
	p0 =	seq.s32 s7, s2  }
0x1e: {  	s7 =	smul.u32 @!p0 $0xF7A, s2;
	p2 =	seq.s32 @!p0 s5, $0x0  }
0x1f: {  	s9 =	smul.u32 $0xF7A, s1;
	s8 =	simm.s32 @!p0 $0x1BF5;
	p2 =	por !p2, p0  }
0x20: {  	[sflag:s8] =	ssyncset.s32 @!p0 $0xFFFFF086;
	s6 =	sadd.s32 @!p0 s3, s7;
	s7 =	simm.s32 @!p0 $0x108  }
0x21: {  	s3 =	sadd.s32 s3, s9;
	s6 =	sadd.s32 @!p0 $0x88, s6;
	s7 =	simm.s32 @p2 $0x1082  }
0x22: {  	[simem:s7], [sflag:s8] =	dma.local @!p0 [hbm:s6], $0xF7A  }
0x23: {  	s9 =	sor.u32 $0xD0000000, s2;
	s6 =	simm.s32 $0x108;
	_ =	swait.ge @!p0 [sflag:s8], $0x0  }
0x24: {  	s3 =	sadd.s32 $0x88, s3;
	s6 =	simm.s32 @!p1 $0x1082;
	[sflag:s4] =	ssyncset.s32 $0xFFFFF086  }
0x25: {  	[simem:s6], [sflag:s4] =	dma.local [hbm:s3], $0xF7A  }
0x26: {  	[smem:$0x3F9C] =	sst s1;
	(tag) =	ssettag s2;
	_ =	strace s9  }
0x27: {  	s1 =	sld [smem:$0x3FAC]  }
0x28: {  	s2 =	sld [smem:$0x3FAD]  }
0x29: {  	s4 =	sld [smem:$0x3FAF]  }
0x2a: {  	p0 =	seq.s32 s5, $0x0;
	s5 =	sld [smem:$0x3FB0]  }
0x2b: {  	s6 =	sld [smem:$0x3FB1]  }
0x2c: {  	s7 =	sld [smem:$0x3FB2]  }
0x2d: {  	s3 =	simm.s32 $0x108;
	s8 =	sld [smem:$0x3FB3]  }
0x2e: {  	s3 =	simm.s32 @!p0 $0x1082;
	s9 =	sld [smem:$0x3FB4]  }
0x2f: {  	lr =	sadd.s32 s0, s3;
	s0 =	sld [smem:$0x3FAB]  }
0x30: {  	s3 =	sld [smem:$0x3FAE]  }
0x31: {  	[smem:$0x3FB7] =	sst s10  }
0x32: {  	s10 =	sld [smem:$0x3FB5];
	_ =	sdelay $0x3  }
0x33: {  	p0 =	seq.s32 s10, $0x1;
	s10 =	sld [smem:$0x3FB7];
	_ =	sdelay $0x3  }
0x34: {  	[smem:$0x3FB7] =	sst s10  }
0x35: {  	s10 =	sld [smem:$0x3FB6];
	_ =	sdelay $0x3  }
0x36: {  	p1 =	seq.s32 s10, $0x1;
	s10 =	sld [smem:$0x3FB7];
	_ =	sdelay $0x3  }
0x37: {  	[smem:$0x3FB7] =	sst s10  }
0x38: {  	s10 =	sld [smem:$0x3FB8]  }
0x39: {  	_ = 	snop;
	(pc) =	sbr.ind lr, $3  }
0x3a: {  	_ = 	snop  }
0x3b: {  	_ = 	snop  }
0x3c: {  	p2 =	seq.s32 s10, $0x1;
	s10 =	sld [smem:$0x3FB7]  }
0x3d: {  	_ =	shalt  }
0x3e: {  	_ =	shalt  }
0x3f: {  	_ =	shalt  }
0x40: {  	_ =	shalt  }
0x41: {  	_ =	shalt  }
0x42: {  	_ =	shalt  }
0x43: {  	_ =	shalt  }
0x44: {  	_ =	shalt  }
0x45: {  	_ =	shalt  }
0x46: {  	_ =	shalt  }
0x47: {  	_ =	shalt  }
0x48: {  	_ =	shalt  }
0x49: {  	_ =	shalt  }
0x4a: {  	_ =	shalt  }
0x4b: {  	_ =	shalt  }
0x4c: {  	_ =	shalt  }
0x4d: {  	_ =	shalt  }
0x4e: {  	_ =	shalt  }
0x4f: {  	_ =	shalt  }
0x50: {  	_ =	shalt  }
0x51: {  	_ =	shalt  }
0x52: {  	_ =	shalt  }
0x53: {  	_ =	shalt  }
0x54: {  	_ =	shalt  }
0x55: {  	_ =	shalt  }
0x56: {  	_ =	shalt  }
0x57: {  	_ =	shalt  }
0x58: {  	_ =	shalt  }
0x59: {  	_ =	shalt  }
0x5a: {  	_ =	shalt  }
0x5b: {  	_ =	shalt  }
0x5c: {  	_ =	shalt  }
0x5d: {  	_ =	shalt  }
0x5e: {  	_ =	shalt  }
0x5f: {  	_ =	shalt  }
0x60: {  	_ =	shalt  }
0x61: {  	_ =	shalt  }
0x62: {  	_ =	shalt  }
0x63: {  	_ =	shalt  }
0x64: {  	_ =	shalt  }
0x65: {  	_ =	shalt  }
0x66: {  	_ =	shalt  }
0x67: {  	_ =	shalt  }
0x68: {  	_ =	shalt  }
0x69: {  	_ =	shalt  }
0x6a: {  	_ =	shalt  }
0x6b: {  	_ =	shalt  }
0x6c: {  	_ =	shalt  }
0x6d: {  	_ =	shalt  }
0x6e: {  	_ =	shalt  }
0x6f: {  	_ =	shalt  }
0x70: {  	_ =	shalt  }
0x71: {  	_ =	shalt  }
0x72: {  	_ =	shalt  }
0x73: {  	_ =	shalt  }
0x74: {  	_ =	shalt  }
0x75: {  	_ =	shalt  }
0x76: {  	_ =	shalt  }
0x77: {  	_ =	shalt  }
0x78: {  	_ =	shalt  }
0x79: {  	_ =	shalt  }
0x7a: {  	_ =	shalt  }
0x7b: {  	_ =	shalt  }
0x7c: {  	_ =	shalt  }
0x7d: {  	_ =	shalt  }
0x7e: {  	_ =	shalt  }
0x7f: {  	_ =	shalt  }
0x80: {  	_ =	shalt  }
0x81: {  	_ =	shalt  }
0x82: {  	_ =	shalt  }
0x83: {  	_ =	shalt  }
0x84: {  	_ =	shalt  }
0x85: {  	_ =	shalt  }
0x86: {  	_ =	shalt  }
0x87: {  	_ =	shalt  }
.Lfunc_end0:
.L_simem_size_0:
called_computation_lowered:
.L_overlay_start_0:
0x88: {  	s2 =	sld [smem:$0x3FD9]  }
0x89: {  	s3 =	sld [smem:$0x3FFE];
	_ =	sdelay $0x1  }
0x8a: {  	s1 =	srdreg.scid  }
0x8b: {  	s0 =	sand.u32 $0x1, s1  }
0x8c: {  	s17 =	sshll.u32 s0, $0xA;
	s2 =	sadd.s32 s3, s2  }
0x8d: {  	s2 =	sadd.s32 s2, s17  }
0x8e: {  	[smem:$0x3FC3] =	sst s2  }
0x8f: {  	_ = 	snop  }
0x90: {  	s2 =	sld [smem:$0x3FC9];
	(tm) =	ssettm $0x1  }
0x91: {  	s18 =	sld [smem:$0x3FFB];
	_ =	sdelay $0x3  }
0x92: {  	_ =	strace s18  }
0x93: {  	s3 =	sld [smem:$0x3FFC];
	_ =	sdelay $0x3  }
0x94: {  	_ =	strace s3  }
0x95: {  	s3 =	sld [smem:$0x3FFD];
	_ =	sdelay $0x3  }
0x96: {  	_ =	strace s3  }
0x97: {  	_ =	strace $0x8FFFFFFF  }
0x98: {  	s19 =	sld [smem:$0x3FDB];
	_ =	sdelay $0x1  }
0x99: {  	s4 =	simm.s32 $_scs_section_size  }
0x9a: {  	s5 =	simm.s32 $_size__tile_overlayer_lowered;
	s6 =	simm.s32 $_tile_overlayer_lowered  }
0x9b: {  	s22 =	simm.s32 $0x1BFF;
	s21 =	sshll.u32 s6, $0x1;
	s3 =	sadd.s32 s4, s19  }
0x9c: {  	s7 =	simm.s32 $0x0;
	s20 =	sshll.u32 s5, $0x1;
	s5 =	sadd.s32 s21, s3  }
0x9d: {  	[timem:s7], [sflag:s22] =	dma.local [hbm:s5], s20  }
0x9e: {  	_ =	swait.ge [sflag:s22], s20  }
0x9f: {  	s4 =	ssub.s32 $0x0, s20;
	[sflag:s22] =	ssyncset.done $0x0  }
0xa0: {  	[sflag:s22] =	ssyncadd.s32 s4;
	_ =	sdelay $0x1  }
0xa1: {  	s23 =	simm.s32 $0x1B8B  }
0xa2: {  	_ =	swait.ge [sflag:s23], $0x1  }
0xa3: {  	[sflag:s23] =	ssyncset.done $0x0  }
0xa4: {  	s25 =	simm.s32 $0x1B8E;
	s24 =	sld [smem:$0x3FFE];
	[sflag:s23] =	ssyncadd.s32 $0xFFFFFFFF  }
0xa5: {  	s26 =	simm.s32 $execute0_lowered;
	[smem:$0x3FD2] =	sst s25  }
0xa6: {  	s5 =	sshll.u32 s26, $0x1;
	_ =	strace $0x80000046;
	[dreg:$0x1] =	wrdreg $0xFFFFFFFF  }
0xa7: {  	s28 =	simm.s32 $_size_execute0_lowered;
	s3 =	sadd.s32 s3, s5;
	[dreg:$0x0] =	wrdreg $0x0  }
0xa8: {  	s5 =	sshll.u32 s28, $0x1;
	[dreg:$0x2] =	wrdreg s3  }
0xa9: {  	[dreg:$0x3] =	wrdreg s5  }
0xaa: {  	[dreg:$0x4] =	wrdreg $0xC0  }
0xab: {  	_ =	task [dreg:s7], $0x5FFFF  }
0xac: {  	[dreg:$0x1] =	wrdreg $0xFFFFFFFF  }
0xad: {  	[dreg:$0x0] =	wrdreg $0x60  }
0xae: {  	[dreg:$0x2] =	wrdreg s2  }
0xaf: {  	[dreg:$0x3] =	wrdreg s24  }
0xb0: {  	[dreg:$0x4] =	wrdreg $0x9  }
0xb1: {  	_ =	task.clear_ibuf [dreg:s7], $0x5FFFF;
	_ =	strace $0x90000046  }
0xb2: {  	s29 =	simm.s32 $0x9;
	_ =	strace $0x80000048  }
0xb3: {  	_ =	swait.ge [sflag:s29], $0x1  }
0xb4: {  	[sflag:s29] =	ssyncadd.s32 $0xFFFFFFFF  }
0xb5: {  	_ =	strace $0x90000048  }
0xb6: {  	_ =	sfence  }
0xb7: {  	s30 =	sld [smem:$0x0];
	_ =	sdelay $0x2  }
0xb8: {  	s31 =	sshll.u32 s1, $0xD;
	s1 =	sshrl.u32 s1, $0x2  }
0xb9: {  	s3 =	sand.u32 $0x4000, s31;
	s1 =	sadd.s32 s1, s30  }
0xba: {  	s0 =	sor.u32 s3, s0;
	s1 =	sshll.u32 s1, $0x11  }
0xbb: {  	s0 =	sor.u32 s1, s0  }
0xbc: {  	s0 =	sadd.s32 $0x8F2B, s0  }
0xbd: {  	[sflag:s0] =	ssyncadd.remote.s32 $0x1  }
0xbe: {  	_ =	sfence.sel $0xFFFF  }
0xbf: {  	[dreg:$0x0] =	wrdreg $0xFFFFFFFF;
	(pc) =	sbr.abs _section_cstart, $3  }
0xc0: {  	[dreg:$0x1] =	wrdreg $0xFFFFFFFF  }
0xc1: {  	_ =	task.clear_ibuf [dreg:s7], $0x2FFFF;
	_ =	strace $0x9FFFFFFF  }
0xc2: {  	(tm) =	ssettm $0x7FFFFFFF  }
0xc3: {  	_ =	shalt  }
tec
execute0_lowered:
.L_overlay_start_1:
0x0: {  	(tag) =	ssettag $0x1  }
0x1: {  	s10 =	rddreg [dreg:$0x0]  }
0x2: {  	s11 =	rddreg [dreg:$0x1]  }
0x3: {  	s2 =	srdreg.scid;
	s0 =	stileid.u32  }
0x4: {  	s12 =	sand.u32 $0x1, s2;
	s2 =	simm.s32 $0x0;
	s3 =	sshll.u32 s0, $0x7  }
0x5: {  	s1 =	sadd.s32 $0x11000, s11;
	s6 =	sadd.s32 $0x11300, s11;
	s7 =	sadd.s32 $0x11400, s11  }
0x6: {  	s8 =	sadd.s32 $0x11500, s11;
	s15 =	sshll.u32 s0, $0xF;
	s9 =	sadd.s32 $0x11600, s11  }
0x7: {  	s4 =	sshll.u32 s12, $0x6;
	[smem:$0x7FF] =	sst s2;
	s26 =	ssub.s32 $0x2, s12  }
0x8: {  	s15 =	sadd.s32 s15, s10;
	s12 =	sshll.u32 s12, $0xE;
	s10 =	simm.s32 $0x3  }
0x9: {  	s3 =	sor.u32 s4, s3;
	_ =	strace $0x80000047;
	s5 =	sshrl.u32 s26, $0x1  }
0xa: {  	s29 =	sadd.s32 s12, s15;
	s3 =	sshrl.u32 s3, $0x3;
	s13 =	ssub.s32 s26, s5  }
0xb: {  	[dreg:$0x4] =	wrdreg s29;
	s14 =	sadd.s32 s3, s11;
	s28 =	smax.u32 s13, $0x1  }
0xc: {  	v2 =	vlaneseq.u32;
	s4 =	sadd.s32 $0x11100, s11;
	[dreg:$0x3] =	wrdreg s28;
	s30 =	sadd.s32 $0x10E00, s14  }
0xd: {  	vm0 =	vmmov $0xffff;
	v1 =	vshrl.u32 v2, $0x3;
	s12 =	simm.s32 $0x0;
	s31 =	sadd.s32 $0x10C00, s14;
	[dreg:$0x5] =	wrdreg s30  }
0xe: {  	v0 =	vand.u32 $0x7, v2;
	v2 =	vor.u32 $0x8, v2;
	v1 =	vmul.u32 $0x8, v1;
	s5 =	sadd.s32 $0x11200, s11;
	s3 =	sadd.s32 $0x11700, s11;
	[dreg:$0x6] =	wrdreg s31  }
.LBB2_1:
0xf: {  	[dreg:$0x7] =	wrdreg s12  }
0x10: {  	s19 =	rddreg [dreg:$0x6]  }
0x11: {  	s20 =	rddreg [dreg:$0x5]  }
0x12: {  	s21 =	rddreg [dreg:$0x4];
	s22 =	simm.s32 $0x0  }
.LBB2_2:
0x13: {  	s24 =	sand.u32 $0x1, s22;
	p0 =	slt.u32 s22, $0x2  }
0x14: {  	s23 =	sadd.s32 @!p0 $0x1, s24  }
0x15: {  	_ =	swait.ge @!p0 [sflag:s23], $0x8000  }
0x16: {  	[sflag:s23] =	ssyncset.done @!p0 $0x0  }
0x17: {  	[sflag:s23] =	ssyncadd.s32 @!p0 $0xFFFF8000  }
0x18: {  	_ =	swait.ge @!p0 [sflag:s23], $0x8000  }
0x19: {  	[sflag:s23] =	ssyncset.done @!p0 $0x0  }
0x1a: {  	[sflag:s23] =	ssyncadd.s32 @!p0 $0xFFFF8000;
	s23 =	sshll.u32 s24, $0xF  }
0x1b: {  	[tilespmem:s23], [sflag:$0x3] =	stream.linear.gather [hbm4b:s21+s2], $0x8000, $0x38;
	[tilespmem:$0x10200] =	vst v63  }
0x1c: {  	_ =	swait.ge [sflag:s10], $0x8000  }
0x1d: {  	s25 =	sshll.u32 s24, $0x7;
	[sflag:s10] =	ssyncset.done $0x0  }
0x1e: {  	s26 =	sor.u32 $0x10000, s25;
	[sflag:s10] =	ssyncadd.s32 $0xFFFF8000  }
0x1f: {  	[tilespmem:s26], [sflag:$0x3] =	stream.linear.gather [hbm4b:s19+s2], $0x10, $0x38;
	[tilespmem:$0x10200] =	vst v63  }
0x20: {  	_ =	swait.ge [sflag:s10], $0x10  }
0x21: {  	[sflag:s10] =	ssyncset.done $0x0  }
0x22: {  	s31 =	sor.u32 $0x10100, s25;
	[sflag:s10] =	ssyncadd.s32 $0xFFFFFFF0  }
0x23: {  	[tilespmem:s31], [sflag:$0x3] =	stream.linear.gather [hbm4b:s20+s2], $0x10, $0x38;
	[tilespmem:$0x10200] =	vst v63  }
0x24: {  	_ =	swait.ge [sflag:s10], $0x10  }
0x25: {  	[sflag:s10] =	ssyncset.done $0x0  }
0x26: {  	[sflag:s10] =	ssyncadd.s32 $0xFFFFFFF0  }
0x27: {  	v3 =	vld [tilespmem:s25+$0x10000];
	_ =	sdelay $0x4  }
0x28: {  	v4 =	vshll.u32 v3, $0x4  }
0x29: {  	v3 =	vand.u32 $0x7, v3;
	v4 =	vand.u32 $0xFFFFFF80, v4  }
0x2a: {  	v3 =	vor.u32 v3, v4  }
0x2b: {  	v4 =	vperm.xlane v3, v0;
	_ =	sdelay $0x1  }
0x2c: {  	v4 =	vadd.s32 v1, v4;
	_ =	sdelay $0x3  }
0x2d: {  	s24 =	sadd.s32 $0x1, s24  }
0x2e: {  	[hbm4b:s1+s2] =	stream.indirect_vreg.scatter [tilespmem:s23], [sflag:s24], $0x80, v4, vm0, $0xb8;
	[tilespmem:$0x10200] =	vst v63  }
0x2f: {  	s26 =	sor.u32 $0x800, s23  }
0x30: {  	[hbm4b:s4+s2] =	stream.indirect_vreg.scatter [tilespmem:s26], [sflag:s24], $0x80, v4, vm0, $0xb8;
	[tilespmem:$0x10200] =	vst v63  }
0x31: {  	s28 =	sor.u32 $0x1000, s23  }
0x32: {  	[hbm4b:s5+s2] =	stream.indirect_vreg.scatter [tilespmem:s28], [sflag:s24], $0x80, v4, vm0, $0xb8;
	[tilespmem:$0x10200] =	vst v63  }
0x33: {  	s29 =	sor.u32 $0x1800, s23  }
0x34: {  	[hbm4b:s6+s2] =	stream.indirect_vreg.scatter [tilespmem:s29], [sflag:s24], $0x80, v4, vm0, $0xb8;
	[tilespmem:$0x10200] =	vst v63  }
0x35: {  	s30 =	sor.u32 $0x2000, s23  }
0x36: {  	[hbm4b:s7+s2] =	stream.indirect_vreg.scatter [tilespmem:s30], [sflag:s24], $0x80, v4, vm0, $0xb8;
	[tilespmem:$0x10200] =	vst v63  }
0x37: {  	s31 =	sor.u32 $0x2800, s23;
	v3 =	vperm.xlane v3, v2  }
0x38: {  	[hbm4b:s8+s2] =	stream.indirect_vreg.scatter [tilespmem:s31], [sflag:s24], $0x80, v4, vm0, $0xb8;
	[tilespmem:$0x10200] =	vst v63  }
0x39: {  	s0 =	sor.u32 $0x3000, s23;
	v3 =	vadd.s32 v1, v3  }
0x3a: {  	[hbm4b:s9+s2] =	stream.indirect_vreg.scatter [tilespmem:s0], [sflag:s24], $0x80, v4, vm0, $0xb8;
	[tilespmem:$0x10200] =	vst v63  }
0x3b: {  	s10 =	sor.u32 $0x3800, s23  }
0x3c: {  	[hbm4b:s3+s2] =	stream.indirect_vreg.scatter [tilespmem:s10], [sflag:s24], $0x80, v4, vm0, $0xb8;
	[tilespmem:$0x10200] =	vst v63  }
0x3d: {  	s11 =	sor.u32 $0x4000, s23  }
0x3e: {  	[hbm4b:s1+s2] =	stream.indirect_vreg.scatter [tilespmem:s11], [sflag:s24], $0x80, v3, vm0, $0xb8;
	[tilespmem:$0x10200] =	vst v63  }
0x3f: {  	s12 =	sor.u32 $0x4800, s23  }
0x40: {  	[hbm4b:s4+s2] =	stream.indirect_vreg.scatter [tilespmem:s12], [sflag:s24], $0x80, v3, vm0, $0xb8;
	[tilespmem:$0x10200] =	vst v63  }
0x41: {  	s13 =	sor.u32 $0x5000, s23  }
0x42: {  	[hbm4b:s5+s2] =	stream.indirect_vreg.scatter [tilespmem:s13], [sflag:s24], $0x80, v3, vm0, $0xb8;
	[tilespmem:$0x10200] =	vst v63  }
0x43: {  	s14 =	sor.u32 $0x5800, s23  }
0x44: {  	[hbm4b:s6+s2] =	stream.indirect_vreg.scatter [tilespmem:s14], [sflag:s24], $0x80, v3, vm0, $0xb8;
	[tilespmem:$0x10200] =	vst v63  }
0x45: {  	s16 =	sor.u32 $0x6000, s23  }
0x46: {  	[hbm4b:s7+s2] =	stream.indirect_vreg.scatter [tilespmem:s16], [sflag:s24], $0x80, v3, vm0, $0xb8;
	[tilespmem:$0x10200] =	vst v63  }
0x47: {  	s17 =	sor.u32 $0x6800, s23  }
0x48: {  	[hbm4b:s8+s2] =	stream.indirect_vreg.scatter [tilespmem:s17], [sflag:s24], $0x80, v3, vm0, $0xb8;
	[tilespmem:$0x10200] =	vst v63  }
0x49: {  	s18 =	sor.u32 $0x7000, s23  }
0x4a: {  	[hbm4b:s9+s2] =	stream.indirect_vreg.scatter [tilespmem:s18], [sflag:s24], $0x80, v3, vm0, $0xb8;
	[tilespmem:$0x10200] =	vst v63  }
0x4b: {  	s15 =	sor.u32 $0x7800, s23  }
0x4c: {  	[hbm4b:s3+s2] =	stream.indirect_vreg.scatter [tilespmem:s15], [sflag:s24], $0x80, v3, vm0, $0xb8;
	[tilespmem:$0x10200] =	vst v63  }
0x4d: {  	v3 =	vld [tilespmem:s25+$0x10100];
	_ =	sdelay $0x4  }
0x4e: {  	v63 =	vshll.u32 v3, $0x4  }
0x4f: {  	v3 =	vand.u32 $0x7, v3;
	v4 =	vand.u32 $0xFFFFFF80, v63  }
0x50: {  	v3 =	vor.u32 v3, v4  }
0x51: {  	v4 =	vperm.xlane v3, v0;
	_ =	sdelay $0x1  }
0x52: {  	v4 =	vadd.s32 v1, v4;
	_ =	sdelay $0x4  }
0x53: {  	[hbm4b:s1+s2] =	stream.indirect_vreg.scatter [tilespmem:s23], [sflag:s24], $0x80, v4, vm0, $0xb8;
	[tilespmem:$0x10200] =	vst v63  }
0x54: {  	_ = 	snop  }
0x55: {  	[hbm4b:s4+s2] =	stream.indirect_vreg.scatter [tilespmem:s26], [sflag:s24], $0x80, v4, vm0, $0xb8;
	[tilespmem:$0x10200] =	vst v63  }
0x56: {  	_ = 	snop  }
0x57: {  	[hbm4b:s5+s2] =	stream.indirect_vreg.scatter [tilespmem:s28], [sflag:s24], $0x80, v4, vm0, $0xb8;
	[tilespmem:$0x10200] =	vst v63  }
0x58: {  	_ = 	snop  }
0x59: {  	[hbm4b:s6+s2] =	stream.indirect_vreg.scatter [tilespmem:s29], [sflag:s24], $0x80, v4, vm0, $0xb8;
	[tilespmem:$0x10200] =	vst v63  }
0x5a: {  	_ = 	snop  }
0x5b: {  	[hbm4b:s7+s2] =	stream.indirect_vreg.scatter [tilespmem:s30], [sflag:s24], $0x80, v4, vm0, $0xb8;
	[tilespmem:$0x10200] =	vst v63  }
0x5c: {  	v3 =	vperm.xlane v3, v2  }
0x5d: {  	[hbm4b:s8+s2] =	stream.indirect_vreg.scatter [tilespmem:s31], [sflag:s24], $0x80, v4, vm0, $0xb8;
	[tilespmem:$0x10200] =	vst v63  }
0x5e: {  	v3 =	vadd.s32 v1, v3  }
0x5f: {  	[hbm4b:s9+s2] =	stream.indirect_vreg.scatter [tilespmem:s0], [sflag:s24], $0x80, v4, vm0, $0xb8;
	[tilespmem:$0x10200] =	vst v63  }
0x60: {  	_ = 	snop  }
0x61: {  	[hbm4b:s3+s2] =	stream.indirect_vreg.scatter [tilespmem:s10], [sflag:s24], $0x80, v4, vm0, $0xb8;
	[tilespmem:$0x10200] =	vst v63  }
0x62: {  	_ = 	snop  }
0x63: {  	[hbm4b:s1+s2] =	stream.indirect_vreg.scatter [tilespmem:s11], [sflag:s24], $0x80, v3, vm0, $0xb8;
	[tilespmem:$0x10200] =	vst v63  }
0x64: {  	_ = 	snop  }
0x65: {  	[hbm4b:s4+s2] =	stream.indirect_vreg.scatter [tilespmem:s12], [sflag:s24], $0x80, v3, vm0, $0xb8;
	[tilespmem:$0x10200] =	vst v63  }
0x66: {  	_ = 	snop  }
0x67: {  	[hbm4b:s5+s2] =	stream.indirect_vreg.scatter [tilespmem:s13], [sflag:s24], $0x80, v3, vm0, $0xb8;
	[tilespmem:$0x10200] =	vst v63  }
0x68: {  	_ = 	snop  }
0x69: {  	[hbm4b:s6+s2] =	stream.indirect_vreg.scatter [tilespmem:s14], [sflag:s24], $0x80, v3, vm0, $0xb8;
	[tilespmem:$0x10200] =	vst v63  }
0x6a: {  	s22 =	sadd.s32 $0x1, s22  }
0x6b: {  	[hbm4b:s7+s2] =	stream.indirect_vreg.scatter [tilespmem:s16], [sflag:s24], $0x80, v3, vm0, $0xb8;
	[tilespmem:$0x10200] =	vst v63  }
0x6c: {  	p0 =	sne.s32 s22, $0x4  }
0x6d: {  	[hbm4b:s8+s2] =	stream.indirect_vreg.scatter [tilespmem:s17], [sflag:s24], $0x80, v3, vm0, $0xb8;
	[tilespmem:$0x10200] =	vst v63  }
.Ltmp0:
0x6e: {  	_ = 	snop;
	(pc) =	sbr.rel @p0 .LBB2_2-.Ltmp0, $4  }
0x6f: {  	s21 =	sadd.s32 $0x1000, s21  }
0x70: {  	[hbm4b:s9+s2] =	stream.indirect_vreg.scatter [tilespmem:s18], [sflag:s24], $0x80, v3, vm0, $0xb8;
	[tilespmem:$0x10200] =	vst v63  }
0x71: {  	s19 =	sadd.s32 $0x2, s19;
	s20 =	sadd.s32 $0x2, s20;
	s10 =	simm.s32 $0x3  }
0x72: {  	[hbm4b:s3+s2] =	stream.indirect_vreg.scatter [tilespmem:s15], [sflag:s24], $0x80, v3, vm0, $0xb8;
	[tilespmem:$0x10200] =	vst v63  }
0x73: {  	s0 =	simm.s32 $0x1  }
0x74: {  	_ =	swait.ge [sflag:s0], $0x8000  }
0x75: {  	[sflag:s0] =	ssyncset.done $0x0  }
0x76: {  	[sflag:s0] =	ssyncadd.s32 $0xFFFF8000  }
0x77: {  	_ =	swait.ge [sflag:s0], $0x8000  }
0x78: {  	[sflag:s0] =	ssyncset.done $0x0  }
0x79: {  	s11 =	simm.s32 $0x2;
	[sflag:s0] =	ssyncadd.s32 $0xFFFF8000  }
0x7a: {  	_ =	swait.ge [sflag:s11], $0x8000  }
0x7b: {  	[sflag:s11] =	ssyncset.done $0x0  }
0x7c: {  	[sflag:s11] =	ssyncadd.s32 $0xFFFF8000  }
0x7d: {  	_ =	swait.ge [sflag:s11], $0x8000  }
0x7e: {  	s12 =	rddreg [dreg:$0x7]  }
0x7f: {  	s31 =	rddreg [dreg:$0x3];
	s12 =	sadd.s32 $0x1, s12  }
0x80: {  	p0 =	sne.s32 s12, s31  }
.Ltmp1:
0x81: {  	_ = 	snop;
	(pc) =	sbr.rel @p0 .LBB2_1-.Ltmp1, $3  }
0x82: {  	_ =	sdelay $0x1  }
0x83: {  	[sflag:s11] =	ssyncset.done $0x0  }
0x84: {  	[sflag:s11] =	ssyncadd.s32 $0xFFFF8000  }
0x85: {  	_ =	sfence.sel $0x180000  }
0x86: {  	[bflag:$0x0] =	sbarrier.arrive $0xFFFF  }
0x87: {  	_ =	strace $0x90000047  }
0x88: {  	s0 =	stileid.u32;
	[bflag:$0x2] =	sbarrier.arrive $0xFFFF  }
0x89: {  	p0 =	sne.s32 s0, $0x0;
	s0 =	rddreg [dreg:$0x2]  }
0x8a: {  	s0 =	sadd.s32 @!p0 $0x100000, s0  }
0x8b: {  	[sflag:s0] =	ssyncadd.tile.s32 @!p0 $0x1;
	_ =	shalt  }
.Lfunc_end2:
_tile_overlayer_lowered:
.L_overlay_start_2:
0x8c: {  	(tag) =	ssettag $0x2  }
0x8d: {  	s0 =	rddreg [dreg:$0x0];
	s2 =	stileid.u32  }
0x8e: {  	s1 =	rddreg [dreg:$0x1];
	p0 =	sne.s32 s2, $0x0  }
0x8f: {  	s3 =	rddreg [dreg:$0x2];
	[bflag:$0x3] =	sbarrier.arrive $0xFFFF;
	s2 =	simm.s32 @!p0 $0x1C03  }
0x90: {  	[timem:s3], [sflag:s2] =	dma.local @!p0 [hbm:s0], s1  }
0x91: {  	s0 =	simm.s32 @!p0 $0x3  }
0x92: {  	_ =	swait.ge @!p0 [sflag:s0], s1  }
0x93: {  	s1 =	ssub.s32 @!p0 $0x0, s1;
	[sflag:s0] =	ssyncset.done @!p0 $0x0  }
0x94: {  	[sflag:s0] =	ssyncadd.s32 @!p0 s1  }
0x95: {  	[bflag:$0x3] =	sbarrier.arrive $0xFFFF  }
0x96: {  	_ =	shalt  }

// kernel: kernel.9.cloned.1.call-start
scs
__scs_entry_jumppad:
0x0: {  	(pc) =	sbr.rel $0x88, $3  }
0x1: {  	(tag) =	ssettag $0x0;
	lr =	simm.s32 $0x1  }
0x2: {  	[smem:$0x3F9C] =	sst lr;
	_ =	strace $0xD0000000  }
0x3: {  	_ = 	snop  }
0x4: {  	_ = 	snop  }
0x5: {  	_ = 	snop  }
0x6: {  	_ = 	snop  }
0x7: {  	_ = 	snop  }
__scs_overlays_trampoline_lowered:
0x8: {  	[smem:$0x3FAB] =	sst s0  }
0x9: {  	[smem:$0x3FAC] =	sst s1  }
0xa: {  	[smem:$0x3FAD] =	sst s2  }
0xb: {  	[smem:$0x3FAE] =	sst s3  }
0xc: {  	[smem:$0x3FAF] =	sst s4  }
0xd: {  	[smem:$0x3FB0] =	sst s5  }
0xe: {  	[smem:$0x3FB1] =	sst s6  }
0xf: {  	[smem:$0x3FB2] =	sst s7  }
0x10: {  	[smem:$0x3FB3] =	sst s8  }
0x11: {  	[smem:$0x3FB4] =	sst s9;
	s0 =	simm.s32 @!p0 $0x0  }
0x12: {  	s1 =	sld [smem:$0x3F9A];
	s0 =	simm.s32 @p0 $0x1  }
0x13: {  	[smem:$0x3FB5] =	sst s0;
	s0 =	simm.s32 @!p1 $0x0  }
0x14: {  	s2 =	sld [smem:$0x3F99];
	s0 =	simm.s32 @p1 $0x1  }
0x15: {  	[smem:$0x3FB6] =	sst s0;
	s0 =	simm.s32 @!p2 $0x0  }
0x16: {  	s3 =	sld [smem:$0x3FDB];
	s0 =	simm.s32 @p2 $0x1  }
0x17: {  	s4 =	simm.s32 $0x1BF5;
	[smem:$0x3FB8] =	sst s0  }
0x18: {  	s0 =	sld [smem:$0x3F9B];
	_ =	swait.ge [sflag:s4], $0x0  }
0x19: {  	s7 =	sld [smem:$0x3F9C]  }
0x1a: {  	s8 =	sadd.s32 $0xFFFFE003, lr  }
0x1b: {  	s9 =	sadd.s32 $0xFFFFFEF7, lr;
	s5 =	simm.s32 $0xFFFFFFFF;
	p2 =	slt.u32 s8, $0xFFFFF086  }
0x1c: {  	p1 =	slt.u32 s9, $0xF7A;
	s5 =	simm.s32 @!p2 $0x0  }
0x1d: {  	s5 =	simm.s32 @p1 $0x1;
	p0 =	seq.s32 s7, s2  }
0x1e: {  	s7 =	smul.u32 @!p0 $0xF7A, s2;
	p2 =	seq.s32 @!p0 s5, $0x0  }
0x1f: {  	s9 =	smul.u32 $0xF7A, s1;
	s8 =	simm.s32 @!p0 $0x1BF5;
	p2 =	por !p2, p0  }
0x20: {  	[sflag:s8] =	ssyncset.s32 @!p0 $0xFFFFF086;
	s6 =	sadd.s32 @!p0 s3, s7;
	s7 =	simm.s32 @!p0 $0x108  }
0x21: {  	s3 =	sadd.s32 s3, s9;
	s6 =	sadd.s32 @!p0 $0x88, s6;
	s7 =	simm.s32 @p2 $0x1082  }
0x22: {  	[simem:s7], [sflag:s8] =	dma.local @!p0 [hbm:s6], $0xF7A  }
0x23: {  	s9 =	sor.u32 $0xD0000000, s2;
	s6 =	simm.s32 $0x108;
	_ =	swait.ge @!p0 [sflag:s8], $0x0  }
0x24: {  	s3 =	sadd.s32 $0x88, s3;
	s6 =	simm.s32 @!p1 $0x1082;
	[sflag:s4] =	ssyncset.s32 $0xFFFFF086  }
0x25: {  	[simem:s6], [sflag:s4] =	dma.local [hbm:s3], $0xF7A  }
0x26: {  	[smem:$0x3F9C] =	sst s1;
	(tag) =	ssettag s2;
	_ =	strace s9  }
0x27: {  	s1 =	sld [smem:$0x3FAC]  }
0x28: {  	s2 =	sld [smem:$0x3FAD]  }
0x29: {  	s4 =	sld [smem:$0x3FAF]  }
0x2a: {  	p0 =	seq.s32 s5, $0x0;
	s5 =	sld [smem:$0x3FB0]  }
0x2b: {  	s6 =	sld [smem:$0x3FB1]  }
0x2c: {  	s7 =	sld [smem:$0x3FB2]  }
0x2d: {  	s3 =	simm.s32 $0x108;
	s8 =	sld [smem:$0x3FB3]  }
0x2e: {  	s3 =	simm.s32 @!p0 $0x1082;
	s9 =	sld [smem:$0x3FB4]  }
0x2f: {  	lr =	sadd.s32 s0, s3;
	s0 =	sld [smem:$0x3FAB]  }
0x30: {  	s3 =	sld [smem:$0x3FAE]  }
0x31: {  	[smem:$0x3FB7] =	sst s10  }
0x32: {  	s10 =	sld [smem:$0x3FB5];
	_ =	sdelay $0x3  }
0x33: {  	p0 =	seq.s32 s10, $0x1;
	s10 =	sld [smem:$0x3FB7];
	_ =	sdelay $0x3  }
0x34: {  	[smem:$0x3FB7] =	sst s10  }
0x35: {  	s10 =	sld [smem:$0x3FB6];
	_ =	sdelay $0x3  }
0x36: {  	p1 =	seq.s32 s10, $0x1;
	s10 =	sld [smem:$0x3FB7];
	_ =	sdelay $0x3  }
0x37: {  	[smem:$0x3FB7] =	sst s10  }
0x38: {  	s10 =	sld [smem:$0x3FB8]  }
0x39: {  	_ = 	snop;
	(pc) =	sbr.ind lr, $3  }
0x3a: {  	_ = 	snop  }
0x3b: {  	_ = 	snop  }
0x3c: {  	p2 =	seq.s32 s10, $0x1;
	s10 =	sld [smem:$0x3FB7]  }
0x3d: {  	_ =	shalt  }
0x3e: {  	_ =	shalt  }
0x3f: {  	_ =	shalt  }
0x40: {  	_ =	shalt  }
0x41: {  	_ =	shalt  }
0x42: {  	_ =	shalt  }
0x43: {  	_ =	shalt  }
0x44: {  	_ =	shalt  }
0x45: {  	_ =	shalt  }
0x46: {  	_ =	shalt  }
0x47: {  	_ =	shalt  }
0x48: {  	_ =	shalt  }
0x49: {  	_ =	shalt  }
0x4a: {  	_ =	shalt  }
0x4b: {  	_ =	shalt  }
0x4c: {  	_ =	shalt  }
0x4d: {  	_ =	shalt  }
0x4e: {  	_ =	shalt  }
0x4f: {  	_ =	shalt  }
0x50: {  	_ =	shalt  }
0x51: {  	_ =	shalt  }
0x52: {  	_ =	shalt  }
0x53: {  	_ =	shalt  }
0x54: {  	_ =	shalt  }
0x55: {  	_ =	shalt  }
0x56: {  	_ =	shalt  }
0x57: {  	_ =	shalt  }
0x58: {  	_ =	shalt  }
0x59: {  	_ =	shalt  }
0x5a: {  	_ =	shalt  }
0x5b: {  	_ =	shalt  }
0x5c: {  	_ =	shalt  }
0x5d: {  	_ =	shalt  }
0x5e: {  	_ =	shalt  }
0x5f: {  	_ =	shalt  }
0x60: {  	_ =	shalt  }
0x61: {  	_ =	shalt  }
0x62: {  	_ =	shalt  }
0x63: {  	_ =	shalt  }
0x64: {  	_ =	shalt  }
0x65: {  	_ =	shalt  }
0x66: {  	_ =	shalt  }
0x67: {  	_ =	shalt  }
0x68: {  	_ =	shalt  }
0x69: {  	_ =	shalt  }
0x6a: {  	_ =	shalt  }
0x6b: {  	_ =	shalt  }
0x6c: {  	_ =	shalt  }
0x6d: {  	_ =	shalt  }
0x6e: {  	_ =	shalt  }
0x6f: {  	_ =	shalt  }
0x70: {  	_ =	shalt  }
0x71: {  	_ =	shalt  }
0x72: {  	_ =	shalt  }
0x73: {  	_ =	shalt  }
0x74: {  	_ =	shalt  }
0x75: {  	_ =	shalt  }
0x76: {  	_ =	shalt  }
0x77: {  	_ =	shalt  }
0x78: {  	_ =	shalt  }
0x79: {  	_ =	shalt  }
0x7a: {  	_ =	shalt  }
0x7b: {  	_ =	shalt  }
0x7c: {  	_ =	shalt  }
0x7d: {  	_ =	shalt  }
0x7e: {  	_ =	shalt  }
0x7f: {  	_ =	shalt  }
0x80: {  	_ =	shalt  }
0x81: {  	_ =	shalt  }
0x82: {  	_ =	shalt  }
0x83: {  	_ =	shalt  }
0x84: {  	_ =	shalt  }
0x85: {  	_ =	shalt  }
0x86: {  	_ =	shalt  }
0x87: {  	_ =	shalt  }
.Lfunc_end0:
.L_simem_size_0:
called_computation.1_lowered:
.L_overlay_start_0:
0x88: {  	s2 =	sld [smem:$0x3FD9]  }
0x89: {  	s3 =	sld [smem:$0x3FFE];
	_ =	sdelay $0x1  }
0x8a: {  	s1 =	srdreg.scid  }
0x8b: {  	s0 =	sand.u32 $0x1, s1  }
0x8c: {  	s17 =	sshll.u32 s0, $0xA;
	s2 =	sadd.s32 s3, s2  }
0x8d: {  	s2 =	sadd.s32 s2, s17  }
0x8e: {  	[smem:$0x3FC3] =	sst s2  }
0x8f: {  	_ = 	snop  }
0x90: {  	s2 =	sld [smem:$0x3FD0];
	(tm) =	ssettm $0x1  }
0x91: {  	s18 =	sld [smem:$0x3FFB];
	_ =	sdelay $0x3  }
0x92: {  	_ =	strace s18  }
0x93: {  	s3 =	sld [smem:$0x3FFC];
	_ =	sdelay $0x3  }
0x94: {  	_ =	strace s3  }
0x95: {  	s3 =	sld [smem:$0x3FFD];
	_ =	sdelay $0x3  }
0x96: {  	_ =	strace s3  }
0x97: {  	_ =	strace $0x8FFFFFFF  }
0x98: {  	s19 =	sld [smem:$0x3FDB];
	_ =	sdelay $0x1  }
0x99: {  	s4 =	simm.s32 $_scs_section_size  }
0x9a: {  	s5 =	simm.s32 $_size__tile_overlayer_lowered;
	s6 =	simm.s32 $_tile_overlayer_lowered  }
0x9b: {  	s22 =	simm.s32 $0x1BFF;
	s21 =	sshll.u32 s6, $0x1;
	s3 =	sadd.s32 s4, s19  }
0x9c: {  	s7 =	simm.s32 $0x0;
	s20 =	sshll.u32 s5, $0x1;
	s5 =	sadd.s32 s21, s3  }
0x9d: {  	[timem:s7], [sflag:s22] =	dma.local [hbm:s5], s20  }
0x9e: {  	_ =	swait.ge [sflag:s22], s20  }
0x9f: {  	s4 =	ssub.s32 $0x0, s20;
	[sflag:s22] =	ssyncset.done $0x0  }
0xa0: {  	[sflag:s22] =	ssyncadd.s32 s4;
	_ =	sdelay $0x1  }
0xa1: {  	s23 =	simm.s32 $0x1B8B  }
0xa2: {  	_ =	swait.ge [sflag:s23], $0x1  }
0xa3: {  	[sflag:s23] =	ssyncset.done $0x0  }
0xa4: {  	s25 =	simm.s32 $0x1B8E;
	s24 =	sld [smem:$0x3FFE];
	[sflag:s23] =	ssyncadd.s32 $0xFFFFFFFF  }
0xa5: {  	s26 =	simm.s32 $execute0_lowered;
	[smem:$0x3FD2] =	sst s25  }
0xa6: {  	s5 =	sshll.u32 s26, $0x1;
	_ =	strace $0x80000049;
	[dreg:$0x1] =	wrdreg $0xFFFFFFFF  }
0xa7: {  	s28 =	simm.s32 $_size_execute0_lowered;
	s3 =	sadd.s32 s3, s5;
	[dreg:$0x0] =	wrdreg $0x0  }
0xa8: {  	s5 =	sshll.u32 s28, $0x1;
	[dreg:$0x2] =	wrdreg s3  }
0xa9: {  	[dreg:$0x3] =	wrdreg s5  }
0xaa: {  	[dreg:$0x4] =	wrdreg $0xC0  }
0xab: {  	_ =	task [dreg:s7], $0x5FFFF  }
0xac: {  	[dreg:$0x1] =	wrdreg $0xFFFFFFFF  }
0xad: {  	[dreg:$0x0] =	wrdreg $0x60  }
0xae: {  	[dreg:$0x2] =	wrdreg s24  }
0xaf: {  	[dreg:$0x3] =	wrdreg s2  }
0xb0: {  	[dreg:$0x4] =	wrdreg $0x9  }
0xb1: {  	_ =	task.clear_ibuf [dreg:s7], $0x5FFFF;
	_ =	strace $0x90000049  }
0xb2: {  	s29 =	simm.s32 $0x9;
	_ =	strace $0x8000004B  }
0xb3: {  	_ =	swait.ge [sflag:s29], $0x1  }
0xb4: {  	[sflag:s29] =	ssyncadd.s32 $0xFFFFFFFF  }
0xb5: {  	_ =	strace $0x9000004B  }
0xb6: {  	_ =	sfence  }
0xb7: {  	s30 =	sld [smem:$0x0];
	_ =	sdelay $0x2  }
0xb8: {  	s31 =	sshll.u32 s1, $0xD;
	s1 =	sshrl.u32 s1, $0x2  }
0xb9: {  	s3 =	sand.u32 $0x4000, s31;
	s1 =	sadd.s32 s1, s30  }
0xba: {  	s0 =	sor.u32 s3, s0;
	s1 =	sshll.u32 s1, $0x11  }
0xbb: {  	s0 =	sor.u32 s1, s0  }
0xbc: {  	s0 =	sadd.s32 $0x8F2B, s0  }
0xbd: {  	[sflag:s0] =	ssyncadd.remote.s32 $0x1  }
0xbe: {  	_ =	sfence.sel $0xFFFF  }
0xbf: {  	[dreg:$0x0] =	wrdreg $0xFFFFFFFF;
	(pc) =	sbr.abs _section_cstart, $3  }
0xc0: {  	[dreg:$0x1] =	wrdreg $0xFFFFFFFF  }
0xc1: {  	_ =	task.clear_ibuf [dreg:s7], $0x2FFFF;
	_ =	strace $0x9FFFFFFF  }
0xc2: {  	(tm) =	ssettm $0x7FFFFFFF  }
0xc3: {  	_ =	shalt  }
tec
execute0_lowered:
.L_overlay_start_1:
0x0: {  	(tag) =	ssettag $0x1  }
0x1: {  	s0 =	rddreg [dreg:$0x0]  }
0x2: {  	s1 =	rddreg [dreg:$0x1];
	s2 =	simm.s32 $0x0;
	s3 =	srdreg.scid  }
0x3: {  	s7 =	stileid.u32;
	s24 =	simm.s32 $0x5;
	s25 =	simm.s32 $0x4  }
0x4: {  	s26 =	simm.s32 $0x0;
	[smem:$0x7FF] =	sst s2;
	s4 =	sadd.s32 $0x191600, s0  }
0x5: {  	s5 =	sadd.s32 $0x10C00, s0;
	s3 =	sand.u32 $0x1, s3;
	s6 =	sadd.s32 $0x10E00, s0  }
0x6: {  	s8 =	sshll.u32 s7, $0x7;
	s7 =	sadd.s32 $0xC00, s0;
	s13 =	sadd.s32 $0x191700, s0  }
0x7: {  	s14 =	sadd.s32 $0x191800, s0;
	s16 =	sadd.s32 $0x191900, s0;
	s9 =	sshll.u32 s3, $0x6  }
0x8: {  	s17 =	sadd.s32 $0x191A00, s0;
	s19 =	sadd.s32 $0x191B00, s0;
	s8 =	sor.u32 s9, s8  }
0x9: {  	s20 =	sadd.s32 $0x191C00, s0;
	_ =	strace $0x8000004A;
	s10 =	sshrl.u32 s8, $0x3  }
0xa: {  	s3 =	ssub.s32 $0x2, s3;
	s9 =	sadd.s32 $0x8C00, s0;
	s29 =	sadd.s32 s5, s10  }
0xb: {  	s31 =	sshll.u32 s8, $0x4;
	s30 =	sadd.s32 s6, s10;
	[dreg:$0x3] =	wrdreg s29  }
0xc: {  	v0 =	vlaneseq.u32;
	s11 =	sshrl.u32 s3, $0x1;
	s12 =	sadd.s32 s7, s31;
	[dreg:$0x4] =	wrdreg s30  }
0xd: {  	v1 =	vshrl.u32 v0, $0x3;
	s3 =	ssub.s32 s3, s11;
	s11 =	sadd.s32 s9, s31;
	[dreg:$0x5] =	wrdreg s12  }
0xe: {  	vm0 =	vmmov $0xffff;
	s21 =	sadd.s32 $0x191D00, s0;
	v0 =	vand.u32 $0x7, v0;
	v1 =	vmul.u32 $0x8, v1;
	s22 =	smax.u32 s3, $0x1;
	[dreg:$0x6] =	wrdreg s11  }
.LBB2_1:
0xf: {  	s0 =	rddreg [dreg:$0x3];
	s3 =	simm.s32 $0x10000  }
0x10: {  	[tilespmem:s3], [sflag:$0x5] =	stream.linear.gather [hbm4b:s0+s2], $0x8, $0x38;
	[tilespmem:$0x11200] =	vst v63  }
0x11: {  	_ =	swait.ge [sflag:s24], $0x8  }
0x12: {  	[sflag:s24] =	ssyncset.done $0x0  }
0x13: {  	s29 =	simm.s32 $0x10100;
	s23 =	rddreg [dreg:$0x4];
	[sflag:s24] =	ssyncadd.s32 $0xFFFFFFF8  }
0x14: {  	[tilespmem:s29], [sflag:$0x5] =	stream.linear.gather [hbm4b:s23+s2], $0x8, $0x38;
	[tilespmem:$0x11200] =	vst v63  }
0x15: {  	_ =	swait.ge [sflag:s24], $0x8  }
0x16: {  	[sflag:s24] =	ssyncset.done $0x0  }
0x17: {  	s31 =	simm.s32 $0x10200;
	s30 =	rddreg [dreg:$0x5];
	[sflag:s24] =	ssyncadd.s32 $0xFFFFFFF8  }
0x18: {  	[tilespmem:s31], [sflag:$0x5] =	stream.linear.gather [hbm4b:s30+s2], $0x400, $0x38;
	[tilespmem:$0x11200] =	vst v63  }
0x19: {  	_ =	swait.ge [sflag:s24], $0x400  }
0x1a: {  	[sflag:s24] =	ssyncset.done $0x0  }
0x1b: {  	s12 =	simm.s32 $0x10A00;
	s11 =	rddreg [dreg:$0x6];
	[sflag:s24] =	ssyncadd.s32 $0xFFFFFC00  }
0x1c: {  	[tilespmem:s12], [sflag:$0x5] =	stream.linear.gather [hbm4b:s11+s2], $0x400, $0x38;
	[tilespmem:$0x11200] =	vst v63  }
0x1d: {  	_ =	swait.ge [sflag:s24], $0x400  }
0x1e: {  	[sflag:s24] =	ssyncset.done $0x0  }
0x1f: {  	[sflag:s24] =	ssyncadd.s32 $0xFFFFFC00  }
0x20: {  	v2 =	vld.msk [tilespmem:$0x10000], $0xff;
	_ =	sdelay $0x4  }
0x21: {  	v3 =	vshll.u32 v2, $0x4  }
0x22: {  	v2 =	vand.u32 $0x7, v2;
	v3 =	vand.u32 $0xFFFFFF80, v3  }
0x23: {  	v2 =	vor.u32 v2, v3  }
0x24: {  	v2 =	vperm.xlane v2, v0;
	_ =	sdelay $0x1  }
0x25: {  	v2 =	vadd.s32 v1, v2;
	_ =	sdelay $0x4  }
0x26: {  	[tilespmem:s2], [sflag:$0x1] =	stream.indirect_vreg.gather [hbm4b:s4+s2], $0x80, v2, vm0, $0xb8;
	[tilespmem:$0x11200] =	vst v63  }
0x27: {  	s15 =	simm.s32 $0x800  }
0x28: {  	[tilespmem:s15], [sflag:$0x1] =	stream.indirect_vreg.gather [hbm4b:s13+s2], $0x80, v2, vm0, $0xb8;
	[tilespmem:$0x11200] =	vst v63  }
0x29: {  	s18 =	simm.s32 $0x1000  }
0x2a: {  	[tilespmem:s18], [sflag:$0x1] =	stream.indirect_vreg.gather [hbm4b:s14+s2], $0x80, v2, vm0, $0xb8;
	[tilespmem:$0x11200] =	vst v63  }
0x2b: {  	s23 =	simm.s32 $0x1800  }
0x2c: {  	[tilespmem:s23], [sflag:$0x1] =	stream.indirect_vreg.gather [hbm4b:s16+s2], $0x80, v2, vm0, $0xb8;
	[tilespmem:$0x11200] =	vst v63  }
0x2d: {  	s29 =	simm.s32 $0x2000  }
0x2e: {  	[tilespmem:s29], [sflag:$0x1] =	stream.indirect_vreg.gather [hbm4b:s17+s2], $0x80, v2, vm0, $0xb8;
	[tilespmem:$0x11200] =	vst v63  }
0x2f: {  	s30 =	simm.s32 $0x2800  }
0x30: {  	[tilespmem:s30], [sflag:$0x1] =	stream.indirect_vreg.gather [hbm4b:s19+s2], $0x80, v2, vm0, $0xb8;
	[tilespmem:$0x11200] =	vst v63  }
0x31: {  	s31 =	simm.s32 $0x3000  }
0x32: {  	[tilespmem:s31], [sflag:$0x1] =	stream.indirect_vreg.gather [hbm4b:s20+s2], $0x80, v2, vm0, $0xb8;
	[tilespmem:$0x11200] =	vst v63  }
0x33: {  	s3 =	simm.s32 $0x3800  }
0x34: {  	[tilespmem:s3], [sflag:$0x1] =	stream.indirect_vreg.gather [hbm4b:s21+s2], $0x80, v2, vm0, $0xb8;
	[tilespmem:$0x11200] =	vst v63  }
0x35: {  	v2 =	vld.msk [tilespmem:$0x10100], $0xff;
	_ =	sdelay $0x4  }
0x36: {  	v3 =	vshll.u32 v2, $0x4  }
0x37: {  	v2 =	vand.u32 $0x7, v2;
	v3 =	vand.u32 $0xFFFFFF80, v3  }
0x38: {  	v2 =	vor.u32 v2, v3  }
0x39: {  	v2 =	vperm.xlane v2, v0;
	_ =	sdelay $0x1  }
0x3a: {  	v2 =	vadd.s32 v1, v2;
	_ =	sdelay $0x3  }
0x3b: {  	s11 =	simm.s32 $0x8000  }
0x3c: {  	[tilespmem:s11], [sflag:$0x1] =	stream.indirect_vreg.gather [hbm4b:s4+s2], $0x80, v2, vm0, $0xb8;
	[tilespmem:$0x11200] =	vst v63  }
0x3d: {  	s12 =	simm.s32 $0x8800  }
0x3e: {  	[tilespmem:s12], [sflag:$0x1] =	stream.indirect_vreg.gather [hbm4b:s13+s2], $0x80, v2, vm0, $0xb8;
	[tilespmem:$0x11200] =	vst v63  }
0x3f: {  	s15 =	simm.s32 $0x9000  }
0x40: {  	[tilespmem:s15], [sflag:$0x1] =	stream.indirect_vreg.gather [hbm4b:s14+s2], $0x80, v2, vm0, $0xb8;
	[tilespmem:$0x11200] =	vst v63  }
0x41: {  	s18 =	simm.s32 $0x9800  }
0x42: {  	[tilespmem:s18], [sflag:$0x1] =	stream.indirect_vreg.gather [hbm4b:s16+s2], $0x80, v2, vm0, $0xb8;
	[tilespmem:$0x11200] =	vst v63  }
0x43: {  	s23 =	simm.s32 $0xA000  }
0x44: {  	[tilespmem:s23], [sflag:$0x1] =	stream.indirect_vreg.gather [hbm4b:s17+s2], $0x80, v2, vm0, $0xb8;
	[tilespmem:$0x11200] =	vst v63  }
0x45: {  	s29 =	simm.s32 $0xA800  }
0x46: {  	[tilespmem:s29], [sflag:$0x1] =	stream.indirect_vreg.gather [hbm4b:s19+s2], $0x80, v2, vm0, $0xb8;
	[tilespmem:$0x11200] =	vst v63  }
0x47: {  	s30 =	simm.s32 $0xB000  }
0x48: {  	[tilespmem:s30], [sflag:$0x1] =	stream.indirect_vreg.gather [hbm4b:s20+s2], $0x80, v2, vm0, $0xb8;
	[tilespmem:$0x11200] =	vst v63  }
0x49: {  	s28 =	simm.s32 $0x0;
	s31 =	simm.s32 $0xB800  }
0x4a: {  	[tilespmem:s31], [sflag:$0x1] =	stream.indirect_vreg.gather [hbm4b:s21+s2], $0x80, v2, vm0, $0xb8;
	[tilespmem:$0x11200] =	vst v63  }
.LBB2_2:
0x4b: {  	p0 =	seq.s32 s28, $0x0  }
0x4c: {  	p1 =	seq.s32 @!p0 s28, $0x7  }
0x4d: {  	s29 =	sand.u32 $0x1, s28;
	p1 =	por p0, !p1  }
.Ltmp0:
0x4e: {  	s0 =	sxor.u32 $0x1, s29;
	(pc) =	sbr.rel @!p1 .LBB2_4-.Ltmp0, $4  }
0x4f: {  	s3 =	sadd.s32 @!p0 $0x3, s0  }
0x50: {  	_ =	swait.ge @!p0 [sflag:s3], $0x4000  }
0x51: {  	[sflag:s3] =	ssyncset.done @!p0 $0x0  }
0x52: {  	s30 =	simm.s32 @!p0 $0x8;
	[sflag:s3] =	ssyncadd.s32 @!p0 $0xFFFFC000  }
0x53: {  	s30 =	sadd.s32 @!p0 $0x1, s28  }
0x54: {  	s30 =	simm.s32 @p0 $0x1  }
0x55: {  	s3 =	sshll.u32 s30, $0x3  }
0x56: {  	s3 =	sadd.s32 s8, s3  }
0x57: {  	s11 =	sshll.u32 s0, $0x7;
	s12 =	sshrl.u32 s3, $0x3  }
0x58: {  	s15 =	sor.u32 $0x10000, s11;
	s18 =	sadd.s32 s5, s12  }
0x59: {  	[tilespmem:s15], [sflag:$0x5] =	stream.linear.gather [hbm4b:s18+s2], $0x8, $0x38;
	[tilespmem:$0x11200] =	vst v63  }
0x5a: {  	_ =	swait.ge [sflag:s24], $0x8  }
0x5b: {  	[sflag:s24] =	ssyncset.done $0x0  }
0x5c: {  	s11 =	sor.u32 $0x10100, s11;
	s12 =	sadd.s32 s6, s12;
	[sflag:s24] =	ssyncadd.s32 $0xFFFFFFF8  }
0x5d: {  	[tilespmem:s11], [sflag:$0x5] =	stream.linear.gather [hbm4b:s12+s2], $0x8, $0x38;
	[tilespmem:$0x11200] =	vst v63  }
0x5e: {  	_ =	swait.ge [sflag:s24], $0x8  }
0x5f: {  	s3 =	sshll.u32 s3, $0x4;
	s12 =	sshll.u32 s0, $0xA;
	[sflag:s24] =	ssyncset.done $0x0  }
0x60: {  	s23 =	sadd.s32 s7, s3;
	s31 =	sor.u32 $0x10200, s12;
	[sflag:s24] =	ssyncadd.s32 $0xFFFFFFF8  }
0x61: {  	[tilespmem:s31], [sflag:$0x5] =	stream.linear.gather [hbm4b:s23+s2], $0x400, $0x38;
	[tilespmem:$0x11200] =	vst v63  }
0x62: {  	_ =	swait.ge [sflag:s24], $0x400  }
0x63: {  	[sflag:s24] =	ssyncset.done $0x0  }
0x64: {  	s3 =	sadd.s32 s9, s3;
	s12 =	sor.u32 $0x10A00, s12;
	[sflag:s24] =	ssyncadd.s32 $0xFFFFFC00  }
0x65: {  	[tilespmem:s12], [sflag:$0x5] =	stream.linear.gather [hbm4b:s3+s2], $0x400, $0x38;
	[tilespmem:$0x11200] =	vst v63  }
0x66: {  	_ =	swait.ge [sflag:s24], $0x400  }
0x67: {  	[sflag:s24] =	ssyncset.done $0x0  }
0x68: {  	[sflag:s24] =	ssyncadd.s32 $0xFFFFFC00  }
0x69: {  	v2 =	vld.msk [tilespmem:s15+$0x0], $0xff;
	_ =	sdelay $0x4  }
0x6a: {  	v3 =	vshll.u32 v2, $0x4  }
0x6b: {  	v2 =	vand.u32 $0x7, v2;
	v3 =	vand.u32 $0xFFFFFF80, v3  }
0x6c: {  	v2 =	vor.u32 v2, v3  }
0x6d: {  	v2 =	vperm.xlane v2, v0;
	_ =	sdelay $0x1  }
0x6e: {  	v2 =	vadd.s32 v1, v2;
	_ =	sdelay $0x3  }
0x6f: {  	s3 =	sshll.u32 s0, $0xE;
	s0 =	sadd.s32 $0x1, s0  }
0x70: {  	[tilespmem:s3], [sflag:s0] =	stream.indirect_vreg.gather [hbm4b:s4+s2], $0x80, v2, vm0, $0xb8;
	[tilespmem:$0x11200] =	vst v63  }
0x71: {  	s31 =	sor.u32 $0x800, s3  }
0x72: {  	[tilespmem:s31], [sflag:s0] =	stream.indirect_vreg.gather [hbm4b:s13+s2], $0x80, v2, vm0, $0xb8;
	[tilespmem:$0x11200] =	vst v63  }
0x73: {  	s15 =	sor.u32 $0x1000, s3  }
0x74: {  	[tilespmem:s15], [sflag:s0] =	stream.indirect_vreg.gather [hbm4b:s14+s2], $0x80, v2, vm0, $0xb8;
	[tilespmem:$0x11200] =	vst v63  }
0x75: {  	s18 =	sor.u32 $0x1800, s3  }
0x76: {  	[tilespmem:s18], [sflag:s0] =	stream.indirect_vreg.gather [hbm4b:s16+s2], $0x80, v2, vm0, $0xb8;
	[tilespmem:$0x11200] =	vst v63  }
0x77: {  	s23 =	sor.u32 $0x2000, s3  }
0x78: {  	[tilespmem:s23], [sflag:s0] =	stream.indirect_vreg.gather [hbm4b:s17+s2], $0x80, v2, vm0, $0xb8;
	[tilespmem:$0x11200] =	vst v63  }
0x79: {  	s31 =	sor.u32 $0x2800, s3  }
0x7a: {  	[tilespmem:s31], [sflag:s0] =	stream.indirect_vreg.gather [hbm4b:s19+s2], $0x80, v2, vm0, $0xb8;
	[tilespmem:$0x11200] =	vst v63  }
0x7b: {  	s15 =	sor.u32 $0x3000, s3  }
0x7c: {  	[tilespmem:s15], [sflag:s0] =	stream.indirect_vreg.gather [hbm4b:s20+s2], $0x80, v2, vm0, $0xb8;
	[tilespmem:$0x11200] =	vst v63  }
0x7d: {  	s18 =	sor.u32 $0x3800, s3  }
0x7e: {  	[tilespmem:s18], [sflag:s0] =	stream.indirect_vreg.gather [hbm4b:s21+s2], $0x80, v2, vm0, $0xb8;
	[tilespmem:$0x11200] =	vst v63  }
0x7f: {  	v2 =	vld.msk [tilespmem:s11+$0x0], $0xff;
	_ =	sdelay $0x4  }
0x80: {  	v3 =	vshll.u32 v2, $0x4  }
0x81: {  	v2 =	vand.u32 $0x7, v2;
	v3 =	vand.u32 $0xFFFFFF80, v3  }
0x82: {  	v2 =	vor.u32 v2, v3  }
0x83: {  	v2 =	vperm.xlane v2, v0;
	_ =	sdelay $0x1  }
0x84: {  	v2 =	vadd.s32 v1, v2;
	_ =	sdelay $0x3  }
0x85: {  	s23 =	sor.u32 $0x8000, s3  }
0x86: {  	[tilespmem:s23], [sflag:s0] =	stream.indirect_vreg.gather [hbm4b:s4+s2], $0x80, v2, vm0, $0xb8;
	[tilespmem:$0x11200] =	vst v63  }
0x87: {  	s31 =	sor.u32 $0x8800, s3  }
0x88: {  	[tilespmem:s31], [sflag:s0] =	stream.indirect_vreg.gather [hbm4b:s13+s2], $0x80, v2, vm0, $0xb8;
	[tilespmem:$0x11200] =	vst v63  }
0x89: {  	s12 =	sor.u32 $0x9000, s3  }
0x8a: {  	[tilespmem:s12], [sflag:s0] =	stream.indirect_vreg.gather [hbm4b:s14+s2], $0x80, v2, vm0, $0xb8;
	[tilespmem:$0x11200] =	vst v63  }
0x8b: {  	s15 =	sor.u32 $0x9800, s3  }
0x8c: {  	[tilespmem:s15], [sflag:s0] =	stream.indirect_vreg.gather [hbm4b:s16+s2], $0x80, v2, vm0, $0xb8;
	[tilespmem:$0x11200] =	vst v63  }
0x8d: {  	s18 =	sor.u32 $0xA000, s3  }
0x8e: {  	[tilespmem:s18], [sflag:s0] =	stream.indirect_vreg.gather [hbm4b:s17+s2], $0x80, v2, vm0, $0xb8;
	[tilespmem:$0x11200] =	vst v63  }
0x8f: {  	s23 =	sor.u32 $0xA800, s3  }
0x90: {  	[tilespmem:s23], [sflag:s0] =	stream.indirect_vreg.gather [hbm4b:s19+s2], $0x80, v2, vm0, $0xb8;
	[tilespmem:$0x11200] =	vst v63  }
0x91: {  	s31 =	sor.u32 $0xB000, s3  }
0x92: {  	[tilespmem:s31], [sflag:s0] =	stream.indirect_vreg.gather [hbm4b:s20+s2], $0x80, v2, vm0, $0xb8;
	[tilespmem:$0x11200] =	vst v63  }
0x93: {  	s3 =	sor.u32 $0xB800, s3  }
0x94: {  	[tilespmem:s3], [sflag:s0] =	stream.indirect_vreg.gather [hbm4b:s21+s2], $0x80, v2, vm0, $0xb8;
	[tilespmem:$0x11200] =	vst v63  }
.LBB2_4:
0x95: {  	s0 =	sadd.s32 $0x1, s29  }
0x96: {  	_ =	swait.ge [sflag:s0], $0x4000  }
0x97: {  	[sflag:s0] =	ssyncset.done $0x0  }
0x98: {  	[sflag:s0] =	ssyncadd.s32 $0xFFFFC000  }
0x99: {  	s31 =	sshll.u32 s29, $0xE;
	_ =	swait.ge [sflag:s0], $0x4000  }
0x9a: {  	s15 =	sshll.u32 s29, $0xA;
	s23 =	simm.s32 $0x0;
	[sflag:s0] =	ssyncset.done $0x0  }
0x9b: {  	s11 =	sor.u32 $0x40, s31;
	s18 =	sor.u32 $0x8040, s31;
	v2 =	vmov s15;
	[sflag:s0] =	ssyncadd.s32 $0xFFFFC000  }
.LBB2_5:
0x9c: {  	v5 =	vld [tilespmem:s11+$0x30]  }
0x9d: {  	v6 =	vld [tilespmem:s18+$0x30]  }
0x9e: {  	v8 =	vld [tilespmem:s18+$0xFFFFFFC0]  }
0x9f: {  	v7 =	vld [tilespmem:s11+$0xFFFFFFD0]  }
0xa0: {  	s0 =	sshll.u32 s23, $0x7;
	v9 =	vld [tilespmem:s18+$0xFFFFFFD0]  }
0xa1: {  	v3 =	vld.idx.msk [tilespmem:v2+s0+$0x10200 ss:$0x1], $0xffff  }
0xa2: {  	v4 =	vld.idx.msk [tilespmem:v2+s0+$0x10A00 ss:$0x1], $0xffff  }
0xa3: {  	v10 =	vld [tilespmem:s11+$0xFFFFFFE0]  }
0xa4: {  	v11 =	vld [tilespmem:s18+$0xFFFFFFE0]  }
0xa5: {  	v12 =	vld [tilespmem:s11+$0xFFFFFFF0]  }
0xa6: {  	v13 =	vld [tilespmem:s18+$0xFFFFFFF0]  }
0xa7: {  	v14 =	vld [tilespmem:s11+$0x0];
	v5 =	vmul.f32 v5, v3;
	v6 =	vmul.f32 v6, v4  }
0xa8: {  	v16 =	vld [tilespmem:s18+$0x0];
	v15 =	vmul.f32 v7, v3;
	v9 =	vmul.f32 v9, v4  }
0xa9: {  	v10 =	vmul.f32 v10, v3;
	v11 =	vmul.f32 v11, v4;
	v7 =	vld [tilespmem:s11+$0x10];
	v5 =	vadd.f32 v6, v5  }
0xaa: {  	v15 =	vadd.f32 v9, v15;
	v6 =	vld [tilespmem:s18+$0x10]  }
0xab: {  	v12 =	vmul.f32 v12, v3;
	v13 =	vmul.f32 v13, v4;
	v17 =	vadd.f32 v11, v10;
	v9 =	vld [tilespmem:s11+$0x20];
	[tilespmem:s11+$0x30] =	vst v5  }
0xac: {  	s12 =	simm.s32 $0x0;
	v10 =	vld [tilespmem:s18+$0x20];
	v11 =	vmul.f32 v14, v3;
	[tilespmem:s11+$0xFFFFFFD0] =	vst v15  }
0xad: {  	s15 =	sadd.s32 $0x400, s11;
	s3 =	smov.u32 s18;
	s0 =	smov.u32 s11;
	v12 =	vadd.f32 v13, v12;
	v13 =	vmul.f32 v16, v4;
	v5 =	vmul.f32 v8, v4;
	v8 =	vld [tilespmem:s11+$0xFFFFFFC0];
	[tilespmem:s11+$0xFFFFFFE0] =	vst v17  }
.LBB2_6:
0xae: {  	v14 =	vld [tilespmem:s15+$0x30];
	v7 =	vmul.f32 v7, v3;
	s3 =	sadd.s32 $0x400, s3  }
0xaf: {  	s12 =	sadd.s32 $0x80, s12;
	v15 =	vld [tilespmem:s3+$0x30];
	[tilespmem:s0+$0xFFFFFFF0] =	vst v12;
	v11 =	vadd.f32 v13, v11;
	v6 =	vmul.f32 v6, v4  }
0xb0: {  	p0 =	slt.u32 s12, $0x780;
	v12 =	vld [tilespmem:s3+$0xFFFFFFC0];
	v9 =	vmul.f32 v9, v3  }
0xb1: {  	v13 =	vld [tilespmem:s15+$0xFFFFFFD0];
	[tilespmem:s0+$0x0] =	vst v11;
	v6 =	vadd.f32 v6, v7;
	v7 =	vmul.f32 v10, v4  }
0xb2: {  	v10 =	vld [tilespmem:s3+$0xFFFFFFD0];
	v8 =	vmul.f32 v8, v3  }
0xb3: {  	v11 =	vld [tilespmem:s15+$0xFFFFFFE0];
	[tilespmem:s0+$0x10] =	vst v6;
	v6 =	vadd.f32 v7, v9  }
0xb4: {  	v9 =	vmul.f32 v14, v3;
	v7 =	vld [tilespmem:s3+$0xFFFFFFE0];
	v14 =	vmul.f32 v15, v4;
	v8 =	vadd.f32 v5, v8  }
0xb5: {  	v5 =	vmul.f32 v12, v4;
	v12 =	vld [tilespmem:s15+$0xFFFFFFF0];
	[tilespmem:s0+$0x20] =	vst v6  }
0xb6: {  	v6 =	vmul.f32 v13, v3;
	v13 =	vld [tilespmem:s3+$0xFFFFFFF0];
	v9 =	vadd.f32 v14, v9;
	[tilespmem:s0+$0xFFFFFFC0] =	vst v8;
	s0 =	smov.u32 s15  }
0xb7: {  	v8 =	vmul.f32 v10, v4;
	v10 =	vld [tilespmem:s15+$0x0]  }
0xb8: {  	v11 =	vmul.f32 v11, v3;
	v14 =	vld [tilespmem:s3+$0x0];
	[tilespmem:s15+$0x30] =	vst v9  }
.Ltmp1:
0xb9: {  	v8 =	vadd.f32 v8, v6;
	v9 =	vmul.f32 v7, v4;
	v7 =	vld [tilespmem:s15+$0x10];
	(pc) =	sbr.rel @p0 .LBB2_6-.Ltmp1, $4  }
0xba: {  	v12 =	vmul.f32 v12, v3;
	v6 =	vld [tilespmem:s3+$0x10]  }
0xbb: {  	[tilespmem:s15+$0xFFFFFFD0] =	vst v8;
	v15 =	vadd.f32 v9, v11;
	v13 =	vmul.f32 v13, v4;
	v9 =	vld [tilespmem:s15+$0x20]  }
0xbc: {  	v11 =	vmul.f32 v10, v3;
	v10 =	vld [tilespmem:s3+$0x20]  }
0xbd: {  	s15 =	sadd.s32 $0x400, s15;
	v8 =	vld [tilespmem:s0+$0xFFFFFFC0];
	[tilespmem:s0+$0xFFFFFFE0] =	vst v15;
	v12 =	vadd.f32 v13, v12;
	v13 =	vmul.f32 v14, v4  }
0xbe: {  	_ =	sdelay $0x1  }
0xbf: {  	v7 =	vmul.f32 v7, v3;
	s23 =	sadd.s32 $0x1, s23;
	v6 =	vmul.f32 v6, v4  }
0xc0: {  	v11 =	vadd.f32 v13, v11;
	p0 =	sne.s32 s23, $0x8;
	v9 =	vmul.f32 v9, v3;
	v63 =	vmul.f32 v10, v4  }
.Ltmp2:
0xc1: {  	[tilespmem:s0+$0xFFFFFFF0] =	vst v12;
	v6 =	vadd.f32 v6, v7;
	v3 =	vmul.f32 v8, v3;
	(pc) =	sbr.rel @p0 .LBB2_5-.Ltmp2, $4  }
0xc2: {  	[tilespmem:s0+$0x0] =	vst v11;
	v4 =	vadd.f32 v63, v9  }
0xc3: {  	[tilespmem:s0+$0x10] =	vst v6;
	v3 =	vadd.f32 v5, v3  }
0xc4: {  	[tilespmem:s0+$0x20] =	vst v4  }
0xc5: {  	s11 =	sadd.s32 $0x80, s11;
	s18 =	sadd.s32 $0x80, s18;
	[tilespmem:s0+$0xFFFFFFC0] =	vst v3  }
0xc6: {  	p0 =	slt.u32 s30, $0x8  }
.Ltmp3:
0xc7: {  	s0 =	sor.u32 s10, s28;
	(pc) =	sbr.rel @p0 .LBB2_2-.Ltmp3, $4  }
0xc8: {  	s0 =	sshll.u32 s0, $0xB  }
0xc9: {  	s0 =	sand.u32 $0x1FFFF800, s0  }
0xca: {  	s3 =	sadd.s32 $0x3, s29;
	s28 =	smov.u32 s30;
	s0 =	sadd.s32 s1, s0  }
0xcb: {  	[hbm4b:s0+s2] =	stream.linear.scatter [tilespmem:s31], [sflag:s3], $0x4000, $0x38;
	[tilespmem:$0x11200] =	vst v63  }
0xcc: {  	s26 =	sadd.s32 $0x1, s26  }
0xcd: {  	p0 =	sne.s32 s26, s22  }
.Ltmp4:
0xce: {  	_ = 	snop;
	(pc) =	sbr.rel @p0 .LBB2_1-.Ltmp4, $4  }
0xcf: {  	_ = 	snop  }
0xd0: {  	_ =	swait.ge [sflag:s25], $0x4000  }
0xd1: {  	[sflag:s25] =	ssyncset.done $0x0  }
0xd2: {  	[sflag:s25] =	ssyncadd.s32 $0xFFFFC000  }
0xd3: {  	_ =	sfence.sel $0x180000  }
0xd4: {  	[bflag:$0x0] =	sbarrier.arrive $0xFFFF  }
0xd5: {  	_ =	strace $0x9000004A  }
0xd6: {  	s0 =	stileid.u32;
	[bflag:$0x2] =	sbarrier.arrive $0xFFFF  }
0xd7: {  	p0 =	sne.s32 s0, $0x0;
	s0 =	rddreg [dreg:$0x2]  }
0xd8: {  	s0 =	sadd.s32 @!p0 $0x100000, s0  }
0xd9: {  	[sflag:s0] =	ssyncadd.tile.s32 @!p0 $0x1;
	_ =	shalt  }
.Lfunc_end2:
_tile_overlayer_lowered:
.L_overlay_start_2:
0xda: {  	(tag) =	ssettag $0x2  }
0xdb: {  	s0 =	rddreg [dreg:$0x0];
	s2 =	stileid.u32  }
0xdc: {  	s1 =	rddreg [dreg:$0x1];
	p0 =	sne.s32 s2, $0x0  }
0xdd: {  	s3 =	rddreg [dreg:$0x2];
	[bflag:$0x3] =	sbarrier.arrive $0xFFFF;
	s2 =	simm.s32 @!p0 $0x1C05  }
0xde: {  	[timem:s3], [sflag:s2] =	dma.local @!p0 [hbm:s0], s1  }
0xdf: {  	s0 =	simm.s32 @!p0 $0x5  }
0xe0: {  	_ =	swait.ge @!p0 [sflag:s0], s1  }
0xe1: {  	s1 =	ssub.s32 @!p0 $0x0, s1;
	[sflag:s0] =	ssyncset.done @!p0 $0x0  }
0xe2: {  	[sflag:s0] =	ssyncadd.s32 @!p0 s1  }
0xe3: {  	[bflag:$0x3] =	sbarrier.arrive $0xFFFF  }
0xe4: {  	_ =	shalt  }

</sc_bundles>
